<compile_context>
chip_gen: v7x
topology: tpu7x:2x2x1
jax: 0.10.2.dev20260603
libtpu: 0.0.44.dev20260713+nightly
codegen_flags: <defaults>
</compile_context>

<pallas_src>
import functools
import jax
import jax.numpy as jnp
from jax import lax
from jax.experimental import pallas as pl
from jax.experimental.pallas import tpu as pltpu
from jax.experimental.pallas import tpu_sc as plsc

NC = 2
NS = 16
NW = NC * NS
K = 128
ZR = 32


def _fill_const(buf, rows, val):
    @pl.loop(0, rows)
    def _(r):
        @pl.loop(0, 8)
        def _(cc):
            buf[pl.ds(r, 1), pl.ds(cc * 16, 16)] = jnp.full((1, 16), val, jnp.float32)


def _zero_slab(zbuf, acc, slab, slab_rows, zsem):
    _fill_const(zbuf, ZR, 0.0)

    @pl.loop(0, slab_rows // ZR)
    def _(i):
        pltpu.async_copy(zbuf, acc.at[pl.ds(slab + i * ZR, ZR)], zsem)

    @pl.loop(0, slab_rows // ZR)
    def _(i):
        pltpu.make_async_copy(zbuf, acc.at[pl.ds(slab, ZR)], zsem).wait()


def _sc_deg_body(ch, slab_rows, dstm_hbm, out_hbm, id0, id1, ones_v, zbuf, acc,
                 isem0, isem1, zsem):
    cid = lax.axis_index("c")
    sid = lax.axis_index("s")
    wid = cid * NS + sid
    slab = sid * slab_rows
    n_acc = slab_rows * NS
    base = wid * ch

    _zero_slab(zbuf, acc, slab, slab_rows, zsem)
    _fill_const(ones_v, K, 1.0)

    pltpu.async_copy(dstm_hbm.at[base], id0, isem0)
    pltpu.async_copy(dstm_hbm.at[base + 1], id1, isem1)
    plsc.subcore_barrier()

    @pl.loop(0, ch, step=2)
    def _(c):
        pltpu.make_async_copy(dstm_hbm.at[base], id0, isem0).wait()
        pltpu.sync_copy(ones_v, acc.at[id0], add=True)

        @pl.when(c + 2 < ch)
        def _():
            pltpu.async_copy(dstm_hbm.at[base + c + 2], id0, isem0)

        pltpu.make_async_copy(dstm_hbm.at[base], id1, isem1).wait()
        pltpu.sync_copy(ones_v, acc.at[id1], add=True)

        @pl.when(c + 3 < ch)
        def _():
            pltpu.async_copy(dstm_hbm.at[base + c + 3], id1, isem1)

    plsc.subcore_barrier()
    pltpu.sync_copy(acc.at[pl.ds(slab, slab_rows)],
                    out_hbm.at[pl.ds(cid * n_acc + slab, slab_rows)])


def _sc_pass_body(ch0, ch1, slab_rows, z_hbm, srcm_hbm, dstm_hbm, out_hbm,
                  is0, is1, id0, id1, rows0, rows1, zbuf, acc,
                  isem_s0, isem_s1, isem_d0, isem_d1, gsem0, gsem1, zsem):
    cid = lax.axis_index("c")
    sid = lax.axis_index("s")
    slab = sid * slab_rows
    n_acc = slab_rows * NS
    ch = lax.select(cid == 0, ch0, ch1)
    base = lax.select(cid == 0, sid * ch0, NS * ch0 + sid * ch1)

    _zero_slab(zbuf, acc, slab, slab_rows, zsem)

    pltpu.async_copy(srcm_hbm.at[base], is0, isem_s0)
    pltpu.async_copy(dstm_hbm.at[base], id0, isem_d0)
    pltpu.async_copy(srcm_hbm.at[base + 1], is1, isem_s1)
    pltpu.async_copy(dstm_hbm.at[base + 1], id1, isem_d1)
    pltpu.make_async_copy(srcm_hbm.at[base], is0, isem_s0).wait()
    pltpu.async_copy(z_hbm.at[is0], rows0, gsem0)
    pltpu.make_async_copy(srcm_hbm.at[base], is1, isem_s1).wait()
    pltpu.async_copy(z_hbm.at[is1], rows1, gsem1)

    plsc.subcore_barrier()

    @pl.loop(0, ch, step=2)
    def _(c):
        pltpu.make_async_copy(z_hbm.at[is0], rows0, gsem0).wait()

        @pl.when(c + 2 < ch)
        def _():
            pltpu.async_copy(srcm_hbm.at[base + c + 2], is0, isem_s0)

        pltpu.make_async_copy(dstm_hbm.at[base], id0, isem_d0).wait()
        pltpu.sync_copy(rows0, acc.at[id0], add=True)

        @pl.when(c + 2 < ch)
        def _():
            pltpu.async_copy(dstm_hbm.at[base + c + 2], id0, isem_d0)
            pltpu.make_async_copy(srcm_hbm.at[base], is0, isem_s0).wait()
            pltpu.async_copy(z_hbm.at[is0], rows0, gsem0)

        pltpu.make_async_copy(z_hbm.at[is1], rows1, gsem1).wait()

        @pl.when(c + 3 < ch)
        def _():
            pltpu.async_copy(srcm_hbm.at[base + c + 3], is1, isem_s1)

        pltpu.make_async_copy(dstm_hbm.at[base], id1, isem_d1).wait()
        pltpu.sync_copy(rows1, acc.at[id1], add=True)

        @pl.when(c + 3 < ch)
        def _():
            pltpu.async_copy(dstm_hbm.at[base + c + 3], id1, isem_d1)
            pltpu.make_async_copy(srcm_hbm.at[base], is1, isem_s1).wait()
            pltpu.async_copy(z_hbm.at[is1], rows1, gsem1)

    plsc.subcore_barrier()
    pltpu.sync_copy(acc.at[pl.ds(slab, slab_rows)],
                    out_hbm.at[pl.ds(cid * n_acc + slab, slab_rows)])


SLOW_CORE_FRAC = 0.5


@functools.cache
def _make_sc_kernels(n, e, d):
    chunks_total = -(-(-(-e // K)) // (NW * 8)) * (NW * 8)
    ch = chunks_total // NW
    ch_sum = chunks_total // NS
    ch1 = max(2, int(ch_sum * SLOW_CORE_FRAC) // 2 * 2)
    ch0 = ch_sum - ch1
    e_pad = chunks_total * K
    n_acc = -(-(n + 1) // (NS * ZR)) * (NS * ZR)
    slab_rows = n_acc // NS
    mesh = plsc.VectorSubcoreMesh(core_axis_name="c", subcore_axis_name="s")

    deg_kernel = pl.kernel(
        functools.partial(_sc_deg_body, ch, slab_rows),
        out_type=jax.ShapeDtypeStruct((NC * n_acc, 128), jnp.float32),
        mesh=mesh,
        scratch_types=[
            pltpu.VMEM((K,), jnp.int32),
            pltpu.VMEM((K,), jnp.int32),
            pltpu.VMEM((K, 128), jnp.float32),
            pltpu.VMEM((ZR, 128), jnp.float32),
            pltpu.VMEM_SHARED((n_acc, 128), jnp.float32),
            pltpu.SemaphoreType.DMA,
            pltpu.SemaphoreType.DMA,
            pltpu.SemaphoreType.DMA,
        ],
    )

    pass_kernel = pl.kernel(
        functools.partial(_sc_pass_body, ch0, ch1, slab_rows),
        out_type=jax.ShapeDtypeStruct((NC * n_acc, d), jnp.float32),
        mesh=mesh,
        scratch_types=[
            pltpu.VMEM((K,), jnp.int32),
            pltpu.VMEM((K,), jnp.int32),
            pltpu.VMEM((K,), jnp.int32),
            pltpu.VMEM((K,), jnp.int32),
            pltpu.VMEM((K, d), jnp.float32),
            pltpu.VMEM((K, d), jnp.float32),
            pltpu.VMEM((ZR, 128), jnp.float32),
            pltpu.VMEM_SHARED((n_acc, d), jnp.float32),
            pltpu.SemaphoreType.DMA,
            pltpu.SemaphoreType.DMA,
            pltpu.SemaphoreType.DMA,
            pltpu.SemaphoreType.DMA,
            pltpu.SemaphoreType.DMA,
            pltpu.SemaphoreType.DMA,
            pltpu.SemaphoreType.DMA,
        ],
    )
    return deg_kernel, pass_kernel, e_pad, n_acc


BLK = 2048


def _tc_mm1_body(x_ref, w_ref, o_ref):
    o_ref[...] = jnp.dot(x_ref[...], w_ref[...], preferred_element_type=jnp.float32)


def _tc_scale1_body(pa_ref, pb_ref, h1_ref, dinv_ref, z1_ref):
    dinv = lax.rsqrt(pa_ref[...] + pb_ref[...] + 1.0)
    dinv_ref[...] = dinv
    z1_ref[...] = dinv * h1_ref[...]


def _tc_mid_body(sa_ref, sb_ref, dinv_ref, h1_ref, b1_ref, hid_ref, z2_ref):
    dinv = dinv_ref[...]
    agg = dinv * (sa_ref[...] + sb_ref[...]) + dinv * dinv * h1_ref[...]
    hid = jnp.maximum(agg + b1_ref[...], 0.0)
    hid_ref[...] = hid
    z2_ref[...] = dinv * hid


def _tc_out_body(sa_ref, sb_ref, dinv_ref, hid_ref, wmu_ref, wlv_ref,
                 bmu_ref, blv_ref, mu_ref, lv_ref):
    dinv = dinv_ref[...]
    agg = dinv * (sa_ref[...] + sb_ref[...]) + dinv * dinv * hid_ref[...]
    mu_ref[...] = jnp.dot(agg, wmu_ref[...], preferred_element_type=jnp.float32) + bmu_ref[...]
    lv_ref[...] = jnp.dot(agg, wlv_ref[...], preferred_element_type=jnp.float32) + blv_ref[...]


def _row_spec(off_blocks):
    return pl.BlockSpec((BLK, 128), lambda i, _o=off_blocks: (i + _o, 0))


def _full_spec(shape):
    return pl.BlockSpec(shape, lambda i: (0, 0))


def kernel(x, adj, W1, b1, W_mu, b_mu, W_lv, b_lv):
    n, d = x.shape
    e = adj.shape[1]
    deg_kernel, pass_kernel, e_pad, n_acc = _make_sc_kernels(n, e, d)
    grid = (n_acc // BLK,)
    nb = n_acc // BLK
    h2 = W_mu.shape[1]

    src, dst = adj[0], adj[1]
    pad = e_pad - e
    pad_idx = jnp.arange(pad, dtype=jnp.int32) % 128
    srcm = jnp.concatenate([src, pad_idx]).reshape(e_pad // K, K)
    dstm = jnp.concatenate([dst, n + pad_idx]).reshape(e_pad // K, K)
    xp = jnp.concatenate([x, jnp.zeros((n_acc - n, d), jnp.float32)])

    degp = deg_kernel(dstm)
    h1 = pl.pallas_call(
        _tc_mm1_body, grid=grid,
        in_specs=[_row_spec(0), _full_spec((d, d))],
        out_specs=_row_spec(0),
        out_shape=jax.ShapeDtypeStruct((n_acc, d), jnp.float32),
    )(xp, W1)

    dinv, z1 = pl.pallas_call(
        _tc_scale1_body, grid=grid,
        in_specs=[_row_spec(0), _row_spec(nb), _row_spec(0)],
        out_specs=[_row_spec(0), _row_spec(0)],
        out_shape=[jax.ShapeDtypeStruct((n_acc, d), jnp.float32),
                   jax.ShapeDtypeStruct((n_acc, d), jnp.float32)],
    )(degp, degp, h1)

    s1 = pass_kernel(z1, srcm, dstm)

    hidden, z2 = pl.pallas_call(
        _tc_mid_body, grid=grid,
        in_specs=[_row_spec(0), _row_spec(nb), _row_spec(0), _row_spec(0),
                  pl.BlockSpec((1, d), lambda i: (0, 0))],
        out_specs=[_row_spec(0), _row_spec(0)],
        out_shape=[jax.ShapeDtypeStruct((n_acc, d), jnp.float32),
                   jax.ShapeDtypeStruct((n_acc, d), jnp.float32)],
    )(s1, s1, dinv, h1, b1.reshape(1, d))

    s2 = pass_kernel(z2, srcm, dstm)

    mu_f, lv_f = pl.pallas_call(
        _tc_out_body, grid=grid,
        in_specs=[_row_spec(0), _row_spec(nb), _row_spec(0), _row_spec(0),
                  _full_spec((d, h2)), _full_spec((d, h2)),
                  pl.BlockSpec((1, h2), lambda i: (0, 0)),
                  pl.BlockSpec((1, h2), lambda i: (0, 0))],
        out_specs=[pl.BlockSpec((BLK, h2), lambda i: (i, 0)),
                   pl.BlockSpec((BLK, h2), lambda i: (i, 0))],
        out_shape=[jax.ShapeDtypeStruct((n_acc, h2), jnp.float32),
                   jax.ShapeDtypeStruct((n_acc, h2), jnp.float32)],
    )(s2, s2, dinv, hidden, W_mu, W_lv, b_mu.reshape(1, h2), b_lv.reshape(1, h2))

    return (mu_f[:n], lv_f[:n])

# --- scband reference (transcript-rebuilt; emitter-appended) ---
"""Pipeline reference for scband-hidden-conv-3513283248868 (READ-ONLY COPY).

The authoritative reference and input builder live on the scoring server;
editing this copy changes nothing except your own understanding.
"""

import jax, jax.numpy as jnp
import numpy as np

N = 10000
E = 320000
D = 128
H1 = 128
H2 = 64


def _gcn_norm(edge_index, num_nodes):
    src, dst = edge_index[0], edge_index[1]
    loops = jnp.arange(num_nodes, dtype=src.dtype)
    src = jnp.concatenate([src, loops])
    dst = jnp.concatenate([dst, loops])
    deg = jax.ops.segment_sum(jnp.ones_like(src, dtype=jnp.float32), dst, num_segments=num_nodes)
    dinv = jnp.where(deg > 0, jax.lax.rsqrt(jnp.maximum(deg, 1e-12)), 0.0)
    norm = dinv[src] * dinv[dst]
    return src, dst, norm


def _gcn_conv(x, src, dst, norm, W, b, num_nodes):
    h = x @ W
    msg = h[src] * norm[:, None]
    agg = jax.ops.segment_sum(msg, dst, num_segments=num_nodes)
    return agg + b


def setup_inputs(seed: int = 0) -> dict:
    key = jax.random.key(seed)
    ks = jax.random.split(key, 8)
    x = jax.random.normal(ks[0], (N, D), dtype=jnp.float32)
    adj = jax.random.randint(ks[1], (2, E), 0, N, dtype=jnp.int32)
    W1 = jax.random.normal(ks[2], (D, H1), dtype=jnp.float32) * (1.0 / np.sqrt(D))
    b1 = jnp.zeros((H1,), dtype=jnp.float32)
    W_mu = jax.random.normal(ks[3], (H1, H2), dtype=jnp.float32) * (1.0 / np.sqrt(H1))
    b_mu = jnp.zeros((H2,), dtype=jnp.float32)
    W_lv = jax.random.normal(ks[4], (H1, H2), dtype=jnp.float32) * (1.0 / np.sqrt(H1))
    b_lv = jnp.zeros((H2,), dtype=jnp.float32)
    return {"x": x, "adj": adj, "W1": W1, "b1": b1, "W_mu": W_mu, "b_mu": b_mu, "W_lv": W_lv, "b_lv": b_lv}


def reference(x, adj, W1, b1, W_mu, b_mu, W_lv, b_lv):
    num_nodes = x.shape[0]
    src, dst, norm = _gcn_norm(adj, num_nodes)
    hidden = _gcn_conv(x, src, dst, norm, W1, b1, num_nodes)
    hidden = jax.nn.relu(hidden)
    mu = _gcn_conv(hidden, src, dst, norm, W_mu, b_mu, num_nodes)
    logvar = _gcn_conv(hidden, src, dst, norm, W_lv, b_lv, num_nodes)
    return (mu, logvar)

if __name__ == "__main__":
    import jax
    _d = setup_inputs()
    print(jax.jit(kernel)(*tuple(_d.values())))

</pallas_src>

<mosaic_0001>
#map = affine_map<(d0, d1) -> (0, 0)>
module attributes {stable_mosaic.version = 14 : i64} {
  func.func @_sc_deg_body(%arg0: i32, %arg1: i32, %arg2: memref<2560x128xi32, #tpu.memory_space<hbm>>, %arg3: memref<20480x128xf32, #tpu.memory_space<hbm>>, %arg4: memref<128xi32, #tpu.memory_space<vmem>>, %arg5: memref<128xi32, #tpu.memory_space<vmem>>, %arg6: memref<128x128xf32, #tpu.memory_space<vmem>>, %arg7: memref<32x128xf32, #tpu.memory_space<vmem>>, %arg8: memref<10240x128xf32, #tpu.memory_space<vmem_shared>>, %arg9: memref<!tpu.dma_semaphore, #tpu.memory_space<semaphore_mem>>, %arg10: memref<!tpu.dma_semaphore, #tpu.memory_space<semaphore_mem>>, %arg11: memref<!tpu.dma_semaphore, #tpu.memory_space<semaphore_mem>>) attributes {dimension_semantics = [#tpu.dimension_semantics<core_parallel>, #tpu.dimension_semantics<subcore_parallel>], iteration_bounds = array<i64: 2, 16>, scalar_prefetch = 0 : i64, scratch_operands = 8 : i64, tpu.core_type = #tpu.core_type<sc_vector_subcore>, window_params = [{transform_indices = #map}, {transform_indices = #map}]} {
    %mul3A = arith.constant 16 : i32
    %mul3A_0 = arith.muli %arg0, %mul3A : i32
    %add3A = arith.addi %mul3A_0, %arg1 : i32
    %mul3A_1 = arith.constant 640 : i32
    %mul3A_2 = arith.muli %arg1, %mul3A_1 : i32
    %mul3A_3 = arith.constant 80 : i32
    %mul3A_4 = arith.muli %add3A, %mul3A_3 : i32
    %scan3A = arith.constant 0 : i32
    %scan3A_5 = arith.constant 32 : i32
    %scan3A_6 = arith.addi %scan3A, %scan3A_5 : i32
    %scan3A_7 = arith.constant 1 : i32
    scf.for %scan3A_46 = %scan3A to %scan3A_6 step %scan3A_7  : i32 {
      %mul3A_47 = arith.constant 1 : i32
      %mul3A_48 = arith.muli %scan3A_46, %mul3A_47 : i32
      %add3A_49 = arith.constant 0 : i32
      %add3A_50 = arith.addi %add3A_49, %mul3A_48 : i32
      %scan3A_51 = arith.constant 0 : i32
      %scan3A_52 = arith.constant 8 : i32
      %scan3A_53 = arith.addi %scan3A_51, %scan3A_52 : i32
      %scan3A_54 = arith.constant 1 : i32
      scf.for %scan3A_56 = %scan3A_51 to %scan3A_53 step %scan3A_54  : i32 {
        %mul3A_57 = arith.constant 1 : i32
        %mul3A_58 = arith.muli %scan3A_56, %mul3A_57 : i32
        %add3A_59 = arith.constant 0 : i32
        %add3A_60 = arith.addi %add3A_59, %mul3A_58 : i32
        %broadcast_in_dim3A = arith.constant 0.000000e+00 : f32
        %broadcast_in_dim3A_61 = vector.broadcast %broadcast_in_dim3A : f32 to vector<1x16xf32>
        %mul3A_62 = arith.constant 16 : i32
        %mul3A_63 = arith.muli %add3A_60, %mul3A_62 : i32
        %swap3A = arith.index_cast %add3A_50 : i32 to index
        %swap3A_64 = arith.index_cast %mul3A_63 : i32 to index
        %swap3A_65 = tpu.vector_load %arg7[%swap3A, %swap3A_64] {strides = array<i32>} : memref<32x128xf32, #tpu.memory_space<vmem>>, vector<1x16xf32>,
        %swap3A_66 = vector.shape_cast %swap3A_65 : vector<1x16xf32> to vector<1x16xf32>
        %swap3A_67 = vector.shape_cast %broadcast_in_dim3A_61 : vector<1x16xf32> to vector<1x16xf32>
        tpu.vector_store %arg7[%swap3A, %swap3A_64], %swap3A_67 {strides = array<i32>} : memref<32x128xf32, #tpu.memory_space<vmem>>, vector<1x16xf32>,
      }
      %scan3A_55 = arith.constant 8 : i32
    }
    %scan3A_8 = arith.constant 32 : i32
    %scan3A_9 = arith.constant 0 : i32
    %scan3A_10 = arith.constant 20 : i32
    %scan3A_11 = arith.addi %scan3A_9, %scan3A_10 : i32
    %scan3A_12 = arith.constant 1 : i32
    scf.for %scan3A_46 = %scan3A_9 to %scan3A_11 step %scan3A_12  : i32 {
      %mul3A_47 = arith.constant 1 : i32
      %mul3A_48 = arith.muli %scan3A_46, %mul3A_47 : i32
      %add3A_49 = arith.constant 0 : i32
      %add3A_50 = arith.addi %add3A_49, %mul3A_48 : i32
      %mul3A_51 = arith.constant 32 : i32
      %mul3A_52 = arith.muli %add3A_50, %mul3A_51 : i32
      %add3A_53 = arith.addi %mul3A_2, %mul3A_52 : i32
      %dma_start3A_54 = arith.constant 0 : i32
      %dma_start3A_55 = tpu.memref_slice %arg8[%add3A_53, %dma_start3A_54] : memref<10240x128xf32, #tpu.memory_space<vmem_shared>> -> memref<32x128xf32, #tpu.memory_space<vmem_shared>>
      %dma_start3A_56 = arith.constant 0 : i32
      %dma_start3A_57 = tpu.memref_slice %arg8[%add3A_53, %dma_start3A_56] : memref<10240x128xf32, #tpu.memory_space<vmem_shared>> -> memref<32x128xf32, #tpu.memory_space<vmem_shared>>
      tpu.enqueue_dma source(%arg7 : memref<32x128xf32, #tpu.memory_space<vmem>>) target(%dma_start3A_57 : memref<32x128xf32, #tpu.memory_space<vmem_shared>>) target_semaphore(%arg11 : memref<!tpu.dma_semaphore, #tpu.memory_space<semaphore_mem>>)
    }
    %scan3A_13 = arith.constant 20 : i32
    %scan3A_14 = arith.constant 0 : i32
    %scan3A_15 = arith.constant 20 : i32
    %scan3A_16 = arith.addi %scan3A_14, %scan3A_15 : i32
    %scan3A_17 = arith.constant 1 : i32
    scf.for %scan3A_46 = %scan3A_14 to %scan3A_16 step %scan3A_17  : i32 {
      %mul3A_47 = arith.constant 1 : i32
      %mul3A_48 = arith.muli %scan3A_46, %mul3A_47 : i32
      %add3A_49 = arith.constant 0 : i32
      %add3A_50 = arith.addi %add3A_49, %mul3A_48 : i32
      %dma_wait3A = arith.constant 0 : i32
      %dma_wait3A_51 = tpu.memref_slice %arg8[%mul3A_2, %dma_wait3A] : memref<10240x128xf32, #tpu.memory_space<vmem_shared>> -> memref<32x128xf32, #tpu.memory_space<vmem_shared>>
      %dma_wait3A_52 = arith.constant 0 : i32
      %dma_wait3A_53 = tpu.memref_slice %arg8[%mul3A_2, %dma_wait3A_52] : memref<10240x128xf32, #tpu.memory_space<vmem_shared>> -> memref<32x128xf32, #tpu.memory_space<vmem_shared>>
      tpu.wait_dma2 semaphore(%arg11 : memref<!tpu.dma_semaphore, #tpu.memory_space<semaphore_mem>>) src(%arg7 : memref<32x128xf32, #tpu.memory_space<vmem>>) dst(%dma_wait3A_53 : memref<32x128xf32, #tpu.memory_space<vmem_shared>>)
    }
    %scan3A_18 = arith.constant 20 : i32
    %scan3A_19 = arith.constant 0 : i32
    %scan3A_20 = arith.constant 128 : i32
    %scan3A_21 = arith.addi %scan3A_19, %scan3A_20 : i32
    %scan3A_22 = arith.constant 1 : i32
    scf.for %scan3A_46 = %scan3A_19 to %scan3A_21 step %scan3A_22  : i32 {
      %mul3A_47 = arith.constant 1 : i32
      %mul3A_48 = arith.muli %scan3A_46, %mul3A_47 : i32
      %add3A_49 = arith.constant 0 : i32
      %add3A_50 = arith.addi %add3A_49, %mul3A_48 : i32
      %scan3A_51 = arith.constant 0 : i32
      %scan3A_52 = arith.constant 8 : i32
      %scan3A_53 = arith.addi %scan3A_51, %scan3A_52 : i32
      %scan3A_54 = arith.constant 1 : i32
      scf.for %scan3A_56 = %scan3A_51 to %scan3A_53 step %scan3A_54  : i32 {
        %mul3A_57 = arith.constant 1 : i32
        %mul3A_58 = arith.muli %scan3A_56, %mul3A_57 : i32
        %add3A_59 = arith.constant 0 : i32
        %add3A_60 = arith.addi %add3A_59, %mul3A_58 : i32
        %broadcast_in_dim3A = arith.constant 1.000000e+00 : f32
        %broadcast_in_dim3A_61 = vector.broadcast %broadcast_in_dim3A : f32 to vector<1x16xf32>
        %mul3A_62 = arith.constant 16 : i32
        %mul3A_63 = arith.muli %add3A_60, %mul3A_62 : i32
        %swap3A = arith.index_cast %add3A_50 : i32 to index
        %swap3A_64 = arith.index_cast %mul3A_63 : i32 to index
        %swap3A_65 = tpu.vector_load %arg6[%swap3A, %swap3A_64] {strides = array<i32>} : memref<128x128xf32, #tpu.memory_space<vmem>>, vector<1x16xf32>,
        %swap3A_66 = vector.shape_cast %swap3A_65 : vector<1x16xf32> to vector<1x16xf32>
        %swap3A_67 = vector.shape_cast %broadcast_in_dim3A_61 : vector<1x16xf32> to vector<1x16xf32>
        tpu.vector_store %arg6[%swap3A, %swap3A_64], %swap3A_67 {strides = array<i32>} : memref<128x128xf32, #tpu.memory_space<vmem>>, vector<1x16xf32>,
      }
      %scan3A_55 = arith.constant 8 : i32
    }
    %scan3A_23 = arith.constant 128 : i32
    %dma_start3A = arith.constant 0 : i32
    %dma_start3A_24 = tpu.memref_slice %arg2[%mul3A_4, %dma_start3A] : memref<2560x128xi32, #tpu.memory_space<hbm>> -> memref<1x128xi32, #tpu.memory_space<hbm>>
    %dma_start3A_25 = tpu.memref_squeeze %dma_start3A_24 : memref<1x128xi32, #tpu.memory_space<hbm>> -> memref<128xi32, #tpu.memory_space<hbm>>
    %dma_start3A_26 = arith.constant 0 : i32
    %dma_start3A_27 = tpu.memref_slice %arg2[%mul3A_4, %dma_start3A_26] : memref<2560x128xi32, #tpu.memory_space<hbm>> -> memref<1x128xi32, #tpu.memory_space<hbm>>
    %dma_start3A_28 = tpu.memref_squeeze %dma_start3A_27 : memref<1x128xi32, #tpu.memory_space<hbm>> -> memref<128xi32, #tpu.memory_space<hbm>>
    tpu.enqueue_dma source(%dma_start3A_28 : memref<128xi32, #tpu.memory_space<hbm>>) target(%arg4 : memref<128xi32, #tpu.memory_space<vmem>>) target_semaphore(%arg9 : memref<!tpu.dma_semaphore, #tpu.memory_space<semaphore_mem>>)
    %add3A_29 = arith.constant 1 : i32
    %add3A_30 = arith.addi %mul3A_4, %add3A_29 : i32
    %dma_start3A_31 = arith.constant 0 : i32
    %dma_start3A_32 = tpu.memref_slice %arg2[%add3A_30, %dma_start3A_31] : memref<2560x128xi32, #tpu.memory_space<hbm>> -> memref<1x128xi32, #tpu.memory_space<hbm>>
    %dma_start3A_33 = tpu.memref_squeeze %dma_start3A_32 : memref<1x128xi32, #tpu.memory_space<hbm>> -> memref<128xi32, #tpu.memory_space<hbm>>
    %dma_start3A_34 = arith.constant 0 : i32
    %dma_start3A_35 = tpu.memref_slice %arg2[%add3A_30, %dma_start3A_34] : memref<2560x128xi32, #tpu.memory_space<hbm>> -> memref<1x128xi32, #tpu.memory_space<hbm>>
    %dma_start3A_36 = tpu.memref_squeeze %dma_start3A_35 : memref<1x128xi32, #tpu.memory_space<hbm>> -> memref<128xi32, #tpu.memory_space<hbm>>
    tpu.enqueue_dma source(%dma_start3A_36 : memref<128xi32, #tpu.memory_space<hbm>>) target(%arg5 : memref<128xi32, #tpu.memory_space<vmem>>) target_semaphore(%arg10 : memref<!tpu.dma_semaphore, #tpu.memory_space<semaphore_mem>>)
    %barrier3A = arith.constant 0 : index
    tpu.barrier barrier_id(%barrier3A)
    %scan3A_37 = arith.constant 0 : i32
    %scan3A_38 = arith.constant 40 : i32
    %scan3A_39 = arith.addi %scan3A_37, %scan3A_38 : i32
    %scan3A_40 = arith.constant 1 : i32
    scf.for %scan3A_46 = %scan3A_37 to %scan3A_39 step %scan3A_40  : i32 {
      %mul3A_47 = arith.constant 2 : i32
      %mul3A_48 = arith.muli %scan3A_46, %mul3A_47 : i32
      %add3A_49 = arith.constant 0 : i32
      %add3A_50 = arith.addi %add3A_49, %mul3A_48 : i32
      %dma_wait3A = arith.constant 0 : i32
      %dma_wait3A_51 = tpu.memref_slice %arg2[%mul3A_4, %dma_wait3A] : memref<2560x128xi32, #tpu.memory_space<hbm>> -> memref<1x128xi32, #tpu.memory_space<hbm>>
      %dma_wait3A_52 = tpu.memref_squeeze %dma_wait3A_51 : memref<1x128xi32, #tpu.memory_space<hbm>> -> memref<128xi32, #tpu.memory_space<hbm>>
      %dma_wait3A_53 = arith.constant 0 : i32
      %dma_wait3A_54 = tpu.memref_slice %arg2[%mul3A_4, %dma_wait3A_53] : memref<2560x128xi32, #tpu.memory_space<hbm>> -> memref<1x128xi32, #tpu.memory_space<hbm>>
      %dma_wait3A_55 = tpu.memref_squeeze %dma_wait3A_54 : memref<1x128xi32, #tpu.memory_space<hbm>> -> memref<128xi32, #tpu.memory_space<hbm>>
      tpu.wait_dma2 semaphore(%arg9 : memref<!tpu.dma_semaphore, #tpu.memory_space<semaphore_mem>>) src(%dma_wait3A_55 : memref<128xi32, #tpu.memory_space<hbm>>) dst(%arg4 : memref<128xi32, #tpu.memory_space<vmem>>)
      "tpu.region"() ({
        %run_scoped3A = tpu.sem_alloc : memref<!tpu.dma_semaphore, #tpu.memory_space<semaphore_mem>>
        %dma_start3A_73 = arith.constant 0 : i32
        %dma_start3A_74 = arith.constant 0 : i32
        %dma_start3A_75 = tpu.memref_slice %arg8[%dma_start3A_73, %dma_start3A_74] : memref<10240x128xf32, #tpu.memory_space<vmem_shared>> -> memref<10240x128xf32, #tpu.memory_space<vmem_shared>>
        tpu.enqueue_indirect_dma source(%arg6 : memref<128x128xf32, #tpu.memory_space<vmem>>) target(%dma_start3A_75 : memref<10240x128xf32, #tpu.memory_space<vmem_shared>>) offsets(%arg4 : memref<128xi32, #tpu.memory_space<vmem>>) semaphore(%run_scoped3A : memref<!tpu.dma_semaphore, #tpu.memory_space<semaphore_mem>>) {add = true}
        %dma_wait3A_76 = arith.constant 0 : i32
        %dma_wait3A_77 = arith.constant 0 : i32
        %dma_wait3A_78 = tpu.memref_slice %arg8[%dma_wait3A_76, %dma_wait3A_77] : memref<10240x128xf32, #tpu.memory_space<vmem_shared>> -> memref<10240x128xf32, #tpu.memory_space<vmem_shared>>
        tpu.wait_indirect_dma semaphore(%run_scoped3A : memref<!tpu.dma_semaphore, #tpu.memory_space<semaphore_mem>>) src(%arg6 : memref<128x128xf32, #tpu.memory_space<vmem>>) dst(%dma_wait3A_78 : memref<10240x128xf32, #tpu.memory_space<vmem_shared>>)
        tpu.yield
      }) : () -> ()
      %add3A_56 = arith.constant 2 : i32
      %add3A_57 = arith.addi %add3A_50, %add3A_56 : i32
      %lt3A = arith.constant 80 : i32
      %lt3A_58 = arith.cmpi slt, %add3A_57, %lt3A : i32
      %convert_element_type3A = arith.extui %lt3A_58 : i1 to i32
      %cond3A = arith.constant 0 : i32
      %cond3A_59 = arith.cmpi ne, %convert_element_type3A, %cond3A : i32
      scf.if %cond3A_59 {
        %add3A_73 = arith.addi %mul3A_4, %add3A_50 : i32
        %add3A_74 = arith.constant 2 : i32
        %add3A_75 = arith.addi %add3A_73, %add3A_74 : i32
        %dma_start3A_76 = arith.constant 0 : i32
        %dma_start3A_77 = tpu.memref_slice %arg2[%add3A_75, %dma_start3A_76] : memref<2560x128xi32, #tpu.memory_space<hbm>> -> memref<1x128xi32, #tpu.memory_space<hbm>>
        %dma_start3A_78 = tpu.memref_squeeze %dma_start3A_77 : memref<1x128xi32, #tpu.memory_space<hbm>> -> memref<128xi32, #tpu.memory_space<hbm>>
        %dma_start3A_79 = arith.constant 0 : i32
        %dma_start3A_80 = tpu.memref_slice %arg2[%add3A_75, %dma_start3A_79] : memref<2560x128xi32, #tpu.memory_space<hbm>> -> memref<1x128xi32, #tpu.memory_space<hbm>>
        %dma_start3A_81 = tpu.memref_squeeze %dma_start3A_80 : memref<1x128xi32, #tpu.memory_space<hbm>> -> memref<128xi32, #tpu.memory_space<hbm>>
        tpu.enqueue_dma source(%dma_start3A_81 : memref<128xi32, #tpu.memory_space<hbm>>) target(%arg4 : memref<128xi32, #tpu.memory_space<vmem>>) target_semaphore(%arg9 : memref<!tpu.dma_semaphore, #tpu.memory_space<semaphore_mem>>)
      } else {
      }
      %dma_wait3A_60 = arith.constant 0 : i32
      %dma_wait3A_61 = tpu.memref_slice %arg2[%mul3A_4, %dma_wait3A_60] : memref<2560x128xi32, #tpu.memory_space<hbm>> -> memref<1x128xi32, #tpu.memory_space<hbm>>
      %dma_wait3A_62 = tpu.memref_squeeze %dma_wait3A_61 : memref<1x128xi32, #tpu.memory_space<hbm>> -> memref<128xi32, #tpu.memory_space<hbm>>
      %dma_wait3A_63 = arith.constant 0 : i32
      %dma_wait3A_64 = tpu.memref_slice %arg2[%mul3A_4, %dma_wait3A_63] : memref<2560x128xi32, #tpu.memory_space<hbm>> -> memref<1x128xi32, #tpu.memory_space<hbm>>
      %dma_wait3A_65 = tpu.memref_squeeze %dma_wait3A_64 : memref<1x128xi32, #tpu.memory_space<hbm>> -> memref<128xi32, #tpu.memory_space<hbm>>
      tpu.wait_dma2 semaphore(%arg10 : memref<!tpu.dma_semaphore, #tpu.memory_space<semaphore_mem>>) src(%dma_wait3A_65 : memref<128xi32, #tpu.memory_space<hbm>>) dst(%arg5 : memref<128xi32, #tpu.memory_space<vmem>>)
      "tpu.region"() ({
        %run_scoped3A = tpu.sem_alloc : memref<!tpu.dma_semaphore, #tpu.memory_space<semaphore_mem>>
        %dma_start3A_73 = arith.constant 0 : i32
        %dma_start3A_74 = arith.constant 0 : i32
        %dma_start3A_75 = tpu.memref_slice %arg8[%dma_start3A_73, %dma_start3A_74] : memref<10240x128xf32, #tpu.memory_space<vmem_shared>> -> memref<10240x128xf32, #tpu.memory_space<vmem_shared>>
        tpu.enqueue_indirect_dma source(%arg6 : memref<128x128xf32, #tpu.memory_space<vmem>>) target(%dma_start3A_75 : memref<10240x128xf32, #tpu.memory_space<vmem_shared>>) offsets(%arg5 : memref<128xi32, #tpu.memory_space<vmem>>) semaphore(%run_scoped3A : memref<!tpu.dma_semaphore, #tpu.memory_space<semaphore_mem>>) {add = true}
        %dma_wait3A_76 = arith.constant 0 : i32
        %dma_wait3A_77 = arith.constant 0 : i32
        %dma_wait3A_78 = tpu.memref_slice %arg8[%dma_wait3A_76, %dma_wait3A_77] : memref<10240x128xf32, #tpu.memory_space<vmem_shared>> -> memref<10240x128xf32, #tpu.memory_space<vmem_shared>>
        tpu.wait_indirect_dma semaphore(%run_scoped3A : memref<!tpu.dma_semaphore, #tpu.memory_space<semaphore_mem>>) src(%arg6 : memref<128x128xf32, #tpu.memory_space<vmem>>) dst(%dma_wait3A_78 : memref<10240x128xf32, #tpu.memory_space<vmem_shared>>)
        tpu.yield
      }) : () -> ()
      %add3A_66 = arith.constant 3 : i32
      %add3A_67 = arith.addi %add3A_50, %add3A_66 : i32
      %lt3A_68 = arith.constant 80 : i32
      %lt3A_69 = arith.cmpi slt, %add3A_67, %lt3A_68 : i32
      %convert_element_type3A_70 = arith.extui %lt3A_69 : i1 to i32
      %cond3A_71 = arith.constant 0 : i32
      %cond3A_72 = arith.cmpi ne, %convert_element_type3A_70, %cond3A_71 : i32
      scf.if %cond3A_72 {
        %add3A_73 = arith.addi %mul3A_4, %add3A_50 : i32
        %add3A_74 = arith.constant 3 : i32
        %add3A_75 = arith.addi %add3A_73, %add3A_74 : i32
        %dma_start3A_76 = arith.constant 0 : i32
        %dma_start3A_77 = tpu.memref_slice %arg2[%add3A_75, %dma_start3A_76] : memref<2560x128xi32, #tpu.memory_space<hbm>> -> memref<1x128xi32, #tpu.memory_space<hbm>>
        %dma_start3A_78 = tpu.memref_squeeze %dma_start3A_77 : memref<1x128xi32, #tpu.memory_space<hbm>> -> memref<128xi32, #tpu.memory_space<hbm>>
        %dma_start3A_79 = arith.constant 0 : i32
        %dma_start3A_80 = tpu.memref_slice %arg2[%add3A_75, %dma_start3A_79] : memref<2560x128xi32, #tpu.memory_space<hbm>> -> memref<1x128xi32, #tpu.memory_space<hbm>>
        %dma_start3A_81 = tpu.memref_squeeze %dma_start3A_80 : memref<1x128xi32, #tpu.memory_space<hbm>> -> memref<128xi32, #tpu.memory_space<hbm>>
        tpu.enqueue_dma source(%dma_start3A_81 : memref<128xi32, #tpu.memory_space<hbm>>) target(%arg5 : memref<128xi32, #tpu.memory_space<vmem>>) target_semaphore(%arg10 : memref<!tpu.dma_semaphore, #tpu.memory_space<semaphore_mem>>)
      } else {
      }
    }
    %scan3A_41 = arith.constant 40 : i32
    %barrier3A_42 = arith.constant 0 : index
    tpu.barrier barrier_id(%barrier3A_42)
    %mul3A_43 = arith.constant 10240 : i32
    %mul3A_44 = arith.muli %arg0, %mul3A_43 : i32
    %add3A_45 = arith.addi %mul3A_44, %mul3A_2 : i32
    "tpu.region"() ({
      %run_scoped3A = tpu.sem_alloc : memref<!tpu.dma_semaphore, #tpu.memory_space<semaphore_mem>>
      %dma_start3A_46 = arith.constant 0 : i32
      %dma_start3A_47 = tpu.memref_slice %arg3[%add3A_45, %dma_start3A_46] : memref<20480x128xf32, #tpu.memory_space<hbm>> -> memref<640x128xf32, #tpu.memory_space<hbm>>
      %dma_start3A_48 = arith.constant 0 : i32
      %dma_start3A_49 = tpu.memref_slice %arg8[%mul3A_2, %dma_start3A_48] : memref<10240x128xf32, #tpu.memory_space<vmem_shared>> -> memref<640x128xf32, #tpu.memory_space<vmem_shared>>
      tpu.enqueue_dma source(%dma_start3A_49 : memref<640x128xf32, #tpu.memory_space<vmem_shared>>) target(%dma_start3A_47 : memref<640x128xf32, #tpu.memory_space<hbm>>) target_semaphore(%run_scoped3A : memref<!tpu.dma_semaphore, #tpu.memory_space<semaphore_mem>>)
      %dma_wait3A = arith.constant 0 : i32
      %dma_wait3A_50 = tpu.memref_slice %arg3[%add3A_45, %dma_wait3A] : memref<20480x128xf32, #tpu.memory_space<hbm>> -> memref<640x128xf32, #tpu.memory_space<hbm>>
      %dma_wait3A_51 = arith.constant 0 : i32
      %dma_wait3A_52 = tpu.memref_slice %arg8[%mul3A_2, %dma_wait3A_51] : memref<10240x128xf32, #tpu.memory_space<vmem_shared>> -> memref<640x128xf32, #tpu.memory_space<vmem_shared>>
      tpu.wait_dma2 semaphore(%run_scoped3A : memref<!tpu.dma_semaphore, #tpu.memory_space<semaphore_mem>>) src(%dma_wait3A_52 : memref<640x128xf32, #tpu.memory_space<vmem_shared>>) dst(%dma_wait3A_50 : memref<640x128xf32, #tpu.memory_space<hbm>>)
      tpu.yield
    }) : () -> ()
    return
  }
}

#map = affine_map<(d0, d1) -> (0, 0)>
module attributes {stable_mosaic.version = 14 : i64} {
  func.func @_sc_pass_body(%arg0: i32, %arg1: i32, %arg2: memref<10240x128xf32, #tpu.memory_space<hbm>>, %arg3: memref<2560x128xi32, #tpu.memory_space<hbm>>, %arg4: memref<2560x128xi32, #tpu.memory_space<hbm>>, %arg5: memref<20480x128xf32, #tpu.memory_space<hbm>>, %arg6: memref<128xi32, #tpu.memory_space<vmem>>, %arg7: memref<128xi32, #tpu.memory_space<vmem>>, %arg8: memref<128xi32, #tpu.memory_space<vmem>>, %arg9: memref<128xi32, #tpu.memory_space<vmem>>, %arg10: memref<128x128xf32, #tpu.memory_space<vmem>>, %arg11: memref<128x128xf32, #tpu.memory_space<vmem>>, %arg12: memref<32x128xf32, #tpu.memory_space<vmem>>, %arg13: memref<10240x128xf32, #tpu.memory_space<vmem_shared>>, %arg14: memref<!tpu.dma_semaphore, #tpu.memory_space<semaphore_mem>>, %arg15: memref<!tpu.dma_semaphore, #tpu.memory_space<semaphore_mem>>, %arg16: memref<!tpu.dma_semaphore, #tpu.memory_space<semaphore_mem>>, %arg17: memref<!tpu.dma_semaphore, #tpu.memory_space<semaphore_mem>>, %arg18: memref<!tpu.dma_semaphore, #tpu.memory_space<semaphore_mem>>, %arg19: memref<!tpu.dma_semaphore, #tpu.memory_space<semaphore_mem>>, %arg20: memref<!tpu.dma_semaphore, #tpu.memory_space<semaphore_mem>>) attributes {dimension_semantics = [#tpu.dimension_semantics<core_parallel>, #tpu.dimension_semantics<subcore_parallel>], iteration_bounds = array<i64: 2, 16>, scalar_prefetch = 0 : i64, scratch_operands = 15 : i64, tpu.core_type = #tpu.core_type<sc_vector_subcore>, window_params = [{transform_indices = #map}, {transform_indices = #map}, {transform_indices = #map}, {transform_indices = #map}]} {
    %mul3A = arith.constant 640 : i32
    %mul3A_0 = arith.muli %arg1, %mul3A : i32
    %eq3A = arith.constant 0 : i32
    %eq3A_1 = arith.cmpi eq, %arg0, %eq3A : i32
    %select_n3A = arith.constant 80 : i32
    %select_n3A_2 = arith.constant 80 : i32
    %select_n3A_3 = arith.select %eq3A_1, %select_n3A_2, %select_n3A : i32
    %eq3A_4 = arith.constant 0 : i32
    %eq3A_5 = arith.cmpi eq, %arg0, %eq3A_4 : i32
    %mul3A_6 = arith.constant 80 : i32
    %mul3A_7 = arith.muli %arg1, %mul3A_6 : i32
    %mul3A_8 = arith.constant 80 : i32
    %mul3A_9 = arith.muli %arg1, %mul3A_8 : i32
    %add3A = arith.constant 1280 : i32
    %add3A_10 = arith.addi %add3A, %mul3A_9 : i32
    %select_n3A_11 = arith.select %eq3A_5, %mul3A_7, %add3A_10 : i32
    %scan3A = arith.constant 0 : i32
    %scan3A_12 = arith.constant 32 : i32
    %scan3A_13 = arith.addi %scan3A, %scan3A_12 : i32
    %scan3A_14 = arith.constant 1 : i32
    scf.for %scan3A_90 = %scan3A to %scan3A_13 step %scan3A_14  : i32 {
      %mul3A_91 = arith.constant 1 : i32
      %mul3A_92 = arith.muli %scan3A_90, %mul3A_91 : i32
      %add3A_93 = arith.constant 0 : i32
      %add3A_94 = arith.addi %add3A_93, %mul3A_92 : i32
      %scan3A_95 = arith.constant 0 : i32
      %scan3A_96 = arith.constant 8 : i32
      %scan3A_97 = arith.addi %scan3A_95, %scan3A_96 : i32
      %scan3A_98 = arith.constant 1 : i32
      scf.for %scan3A_100 = %scan3A_95 to %scan3A_97 step %scan3A_98  : i32 {
        %mul3A_101 = arith.constant 1 : i32
        %mul3A_102 = arith.muli %scan3A_100, %mul3A_101 : i32
        %add3A_103 = arith.constant 0 : i32
        %add3A_104 = arith.addi %add3A_103, %mul3A_102 : i32
        %broadcast_in_dim3A = arith.constant 0.000000e+00 : f32
        %broadcast_in_dim3A_105 = vector.broadcast %broadcast_in_dim3A : f32 to vector<1x16xf32>
        %mul3A_106 = arith.constant 16 : i32
        %mul3A_107 = arith.muli %add3A_104, %mul3A_106 : i32
        %swap3A = arith.index_cast %add3A_94 : i32 to index
        %swap3A_108 = arith.index_cast %mul3A_107 : i32 to index
        %swap3A_109 = tpu.vector_load %arg12[%swap3A, %swap3A_108] {strides = array<i32>} : memref<32x128xf32, #tpu.memory_space<vmem>>, vector<1x16xf32>,
        %swap3A_110 = vector.shape_cast %swap3A_109 : vector<1x16xf32> to vector<1x16xf32>
        %swap3A_111 = vector.shape_cast %broadcast_in_dim3A_105 : vector<1x16xf32> to vector<1x16xf32>
        tpu.vector_store %arg12[%swap3A, %swap3A_108], %swap3A_111 {strides = array<i32>} : memref<32x128xf32, #tpu.memory_space<vmem>>, vector<1x16xf32>,
      }
      %scan3A_99 = arith.constant 8 : i32
    }
    %scan3A_15 = arith.constant 32 : i32
    %scan3A_16 = arith.constant 0 : i32
    %scan3A_17 = arith.constant 20 : i32
    %scan3A_18 = arith.addi %scan3A_16, %scan3A_17 : i32
    %scan3A_19 = arith.constant 1 : i32
    scf.for %scan3A_90 = %scan3A_16 to %scan3A_18 step %scan3A_19  : i32 {
      %mul3A_91 = arith.constant 1 : i32
      %mul3A_92 = arith.muli %scan3A_90, %mul3A_91 : i32
      %add3A_93 = arith.constant 0 : i32
      %add3A_94 = arith.addi %add3A_93, %mul3A_92 : i32
      %mul3A_95 = arith.constant 32 : i32
      %mul3A_96 = arith.muli %add3A_94, %mul3A_95 : i32
      %add3A_97 = arith.addi %mul3A_0, %mul3A_96 : i32
      %dma_start3A_98 = arith.constant 0 : i32
      %dma_start3A_99 = tpu.memref_slice %arg13[%add3A_97, %dma_start3A_98] : memref<10240x128xf32, #tpu.memory_space<vmem_shared>> -> memref<32x128xf32, #tpu.memory_space<vmem_shared>>
      %dma_start3A_100 = arith.constant 0 : i32
      %dma_start3A_101 = tpu.memref_slice %arg13[%add3A_97, %dma_start3A_100] : memref<10240x128xf32, #tpu.memory_space<vmem_shared>> -> memref<32x128xf32, #tpu.memory_space<vmem_shared>>
      tpu.enqueue_dma source(%arg12 : memref<32x128xf32, #tpu.memory_space<vmem>>) target(%dma_start3A_101 : memref<32x128xf32, #tpu.memory_space<vmem_shared>>) target_semaphore(%arg20 : memref<!tpu.dma_semaphore, #tpu.memory_space<semaphore_mem>>)
    }
    %scan3A_20 = arith.constant 20 : i32
    %scan3A_21 = arith.constant 0 : i32
    %scan3A_22 = arith.constant 20 : i32
    %scan3A_23 = arith.addi %scan3A_21, %scan3A_22 : i32
    %scan3A_24 = arith.constant 1 : i32
    scf.for %scan3A_90 = %scan3A_21 to %scan3A_23 step %scan3A_24  : i32 {
      %mul3A_91 = arith.constant 1 : i32
      %mul3A_92 = arith.muli %scan3A_90, %mul3A_91 : i32
      %add3A_93 = arith.constant 0 : i32
      %add3A_94 = arith.addi %add3A_93, %mul3A_92 : i32
      %dma_wait3A_95 = arith.constant 0 : i32
      %dma_wait3A_96 = tpu.memref_slice %arg13[%mul3A_0, %dma_wait3A_95] : memref<10240x128xf32, #tpu.memory_space<vmem_shared>> -> memref<32x128xf32, #tpu.memory_space<vmem_shared>>
      %dma_wait3A_97 = arith.constant 0 : i32
      %dma_wait3A_98 = tpu.memref_slice %arg13[%mul3A_0, %dma_wait3A_97] : memref<10240x128xf32, #tpu.memory_space<vmem_shared>> -> memref<32x128xf32, #tpu.memory_space<vmem_shared>>
      tpu.wait_dma2 semaphore(%arg20 : memref<!tpu.dma_semaphore, #tpu.memory_space<semaphore_mem>>) src(%arg12 : memref<32x128xf32, #tpu.memory_space<vmem>>) dst(%dma_wait3A_98 : memref<32x128xf32, #tpu.memory_space<vmem_shared>>)
    }
    %scan3A_25 = arith.constant 20 : i32
    %dma_start3A = arith.constant 0 : i32
    %dma_start3A_26 = tpu.memref_slice %arg3[%select_n3A_11, %dma_start3A] : memref<2560x128xi32, #tpu.memory_space<hbm>> -> memref<1x128xi32, #tpu.memory_space<hbm>>
    %dma_start3A_27 = tpu.memref_squeeze %dma_start3A_26 : memref<1x128xi32, #tpu.memory_space<hbm>> -> memref<128xi32, #tpu.memory_space<hbm>>
    %dma_start3A_28 = arith.constant 0 : i32
    %dma_start3A_29 = tpu.memref_slice %arg3[%select_n3A_11, %dma_start3A_28] : memref<2560x128xi32, #tpu.memory_space<hbm>> -> memref<1x128xi32, #tpu.memory_space<hbm>>
    %dma_start3A_30 = tpu.memref_squeeze %dma_start3A_29 : memref<1x128xi32, #tpu.memory_space<hbm>> -> memref<128xi32, #tpu.memory_space<hbm>>
    tpu.enqueue_dma source(%dma_start3A_30 : memref<128xi32, #tpu.memory_space<hbm>>) target(%arg6 : memref<128xi32, #tpu.memory_space<vmem>>) target_semaphore(%arg14 : memref<!tpu.dma_semaphore, #tpu.memory_space<semaphore_mem>>)
    %dma_start3A_31 = arith.constant 0 : i32
    %dma_start3A_32 = tpu.memref_slice %arg4[%select_n3A_11, %dma_start3A_31] : memref<2560x128xi32, #tpu.memory_space<hbm>> -> memref<1x128xi32, #tpu.memory_space<hbm>>
    %dma_start3A_33 = tpu.memref_squeeze %dma_start3A_32 : memref<1x128xi32, #tpu.memory_space<hbm>> -> memref<128xi32, #tpu.memory_space<hbm>>
    %dma_start3A_34 = arith.constant 0 : i32
    %dma_start3A_35 = tpu.memref_slice %arg4[%select_n3A_11, %dma_start3A_34] : memref<2560x128xi32, #tpu.memory_space<hbm>> -> memref<1x128xi32, #tpu.memory_space<hbm>>
    %dma_start3A_36 = tpu.memref_squeeze %dma_start3A_35 : memref<1x128xi32, #tpu.memory_space<hbm>> -> memref<128xi32, #tpu.memory_space<hbm>>
    tpu.enqueue_dma source(%dma_start3A_36 : memref<128xi32, #tpu.memory_space<hbm>>) target(%arg8 : memref<128xi32, #tpu.memory_space<vmem>>) target_semaphore(%arg16 : memref<!tpu.dma_semaphore, #tpu.memory_space<semaphore_mem>>)
    %add3A_37 = arith.constant 1 : i32
    %add3A_38 = arith.addi %select_n3A_11, %add3A_37 : i32
    %dma_start3A_39 = arith.constant 0 : i32
    %dma_start3A_40 = tpu.memref_slice %arg3[%add3A_38, %dma_start3A_39] : memref<2560x128xi32, #tpu.memory_space<hbm>> -> memref<1x128xi32, #tpu.memory_space<hbm>>
    %dma_start3A_41 = tpu.memref_squeeze %dma_start3A_40 : memref<1x128xi32, #tpu.memory_space<hbm>> -> memref<128xi32, #tpu.memory_space<hbm>>
    %dma_start3A_42 = arith.constant 0 : i32
    %dma_start3A_43 = tpu.memref_slice %arg3[%add3A_38, %dma_start3A_42] : memref<2560x128xi32, #tpu.memory_space<hbm>> -> memref<1x128xi32, #tpu.memory_space<hbm>>
    %dma_start3A_44 = tpu.memref_squeeze %dma_start3A_43 : memref<1x128xi32, #tpu.memory_space<hbm>> -> memref<128xi32, #tpu.memory_space<hbm>>
    tpu.enqueue_dma source(%dma_start3A_44 : memref<128xi32, #tpu.memory_space<hbm>>) target(%arg7 : memref<128xi32, #tpu.memory_space<vmem>>) target_semaphore(%arg15 : memref<!tpu.dma_semaphore, #tpu.memory_space<semaphore_mem>>)
    %add3A_45 = arith.constant 1 : i32
    %add3A_46 = arith.addi %select_n3A_11, %add3A_45 : i32
    %dma_start3A_47 = arith.constant 0 : i32
    %dma_start3A_48 = tpu.memref_slice %arg4[%add3A_46, %dma_start3A_47] : memref<2560x128xi32, #tpu.memory_space<hbm>> -> memref<1x128xi32, #tpu.memory_space<hbm>>
    %dma_start3A_49 = tpu.memref_squeeze %dma_start3A_48 : memref<1x128xi32, #tpu.memory_space<hbm>> -> memref<128xi32, #tpu.memory_space<hbm>>
    %dma_start3A_50 = arith.constant 0 : i32
    %dma_start3A_51 = tpu.memref_slice %arg4[%add3A_46, %dma_start3A_50] : memref<2560x128xi32, #tpu.memory_space<hbm>> -> memref<1x128xi32, #tpu.memory_space<hbm>>
    %dma_start3A_52 = tpu.memref_squeeze %dma_start3A_51 : memref<1x128xi32, #tpu.memory_space<hbm>> -> memref<128xi32, #tpu.memory_space<hbm>>
    tpu.enqueue_dma source(%dma_start3A_52 : memref<128xi32, #tpu.memory_space<hbm>>) target(%arg9 : memref<128xi32, #tpu.memory_space<vmem>>) target_semaphore(%arg17 : memref<!tpu.dma_semaphore, #tpu.memory_space<semaphore_mem>>)
    %dma_wait3A = arith.constant 0 : i32
    %dma_wait3A_53 = tpu.memref_slice %arg3[%select_n3A_11, %dma_wait3A] : memref<2560x128xi32, #tpu.memory_space<hbm>> -> memref<1x128xi32, #tpu.memory_space<hbm>>
    %dma_wait3A_54 = tpu.memref_squeeze %dma_wait3A_53 : memref<1x128xi32, #tpu.memory_space<hbm>> -> memref<128xi32, #tpu.memory_space<hbm>>
    %dma_wait3A_55 = arith.constant 0 : i32
    %dma_wait3A_56 = tpu.memref_slice %arg3[%select_n3A_11, %dma_wait3A_55] : memref<2560x128xi32, #tpu.memory_space<hbm>> -> memref<1x128xi32, #tpu.memory_space<hbm>>
    %dma_wait3A_57 = tpu.memref_squeeze %dma_wait3A_56 : memref<1x128xi32, #tpu.memory_space<hbm>> -> memref<128xi32, #tpu.memory_space<hbm>>
    tpu.wait_dma2 semaphore(%arg14 : memref<!tpu.dma_semaphore, #tpu.memory_space<semaphore_mem>>) src(%dma_wait3A_57 : memref<128xi32, #tpu.memory_space<hbm>>) dst(%arg6 : memref<128xi32, #tpu.memory_space<vmem>>)
    %dma_start3A_58 = arith.constant 0 : i32
    %dma_start3A_59 = arith.constant 0 : i32
    %dma_start3A_60 = tpu.memref_slice %arg2[%dma_start3A_58, %dma_start3A_59] : memref<10240x128xf32, #tpu.memory_space<hbm>> -> memref<10240x128xf32, #tpu.memory_space<hbm>>
    tpu.enqueue_indirect_dma source(%dma_start3A_60 : memref<10240x128xf32, #tpu.memory_space<hbm>>) target(%arg10 : memref<128x128xf32, #tpu.memory_space<vmem>>) offsets(%arg6 : memref<128xi32, #tpu.memory_space<vmem>>) semaphore(%arg18 : memref<!tpu.dma_semaphore, #tpu.memory_space<semaphore_mem>>)
    %dma_wait3A_61 = arith.constant 0 : i32
    %dma_wait3A_62 = tpu.memref_slice %arg3[%select_n3A_11, %dma_wait3A_61] : memref<2560x128xi32, #tpu.memory_space<hbm>> -> memref<1x128xi32, #tpu.memory_space<hbm>>
    %dma_wait3A_63 = tpu.memref_squeeze %dma_wait3A_62 : memref<1x128xi32, #tpu.memory_space<hbm>> -> memref<128xi32, #tpu.memory_space<hbm>>
    %dma_wait3A_64 = arith.constant 0 : i32
    %dma_wait3A_65 = tpu.memref_slice %arg3[%select_n3A_11, %dma_wait3A_64] : memref<2560x128xi32, #tpu.memory_space<hbm>> -> memref<1x128xi32, #tpu.memory_space<hbm>>
    %dma_wait3A_66 = tpu.memref_squeeze %dma_wait3A_65 : memref<1x128xi32, #tpu.memory_space<hbm>> -> memref<128xi32, #tpu.memory_space<hbm>>
    tpu.wait_dma2 semaphore(%arg15 : memref<!tpu.dma_semaphore, #tpu.memory_space<semaphore_mem>>) src(%dma_wait3A_66 : memref<128xi32, #tpu.memory_space<hbm>>) dst(%arg7 : memref<128xi32, #tpu.memory_space<vmem>>)
    %dma_start3A_67 = arith.constant 0 : i32
    %dma_start3A_68 = arith.constant 0 : i32
    %dma_start3A_69 = tpu.memref_slice %arg2[%dma_start3A_67, %dma_start3A_68] : memref<10240x128xf32, #tpu.memory_space<hbm>> -> memref<10240x128xf32, #tpu.memory_space<hbm>>
    tpu.enqueue_indirect_dma source(%dma_start3A_69 : memref<10240x128xf32, #tpu.memory_space<hbm>>) target(%arg11 : memref<128x128xf32, #tpu.memory_space<vmem>>) offsets(%arg7 : memref<128xi32, #tpu.memory_space<vmem>>) semaphore(%arg19 : memref<!tpu.dma_semaphore, #tpu.memory_space<semaphore_mem>>)
    %barrier3A = arith.constant 0 : index
    tpu.barrier barrier_id(%barrier3A)
    %sub3A = arith.constant 0 : i32
    %sub3A_70 = arith.subi %select_n3A_3, %sub3A : i32
    %sub3A_71 = arith.constant 2 : i32
    %sub3A_72 = arith.constant 1 : i32
    %sub3A_73 = arith.subi %sub3A_71, %sub3A_72 : i32
    %add3A_74 = arith.addi %sub3A_70, %sub3A_73 : i32
    %div3A = arith.constant 2 : i32
    %div3A_75 = arith.divsi %add3A_74, %div3A : i32
    %while3A = arith.constant 2 : i32
    %while3A_76 = arith.constant 0 : i32
    %while3A_77 = arith.constant 0 : i32
    %while3A_78 = arith.subi %div3A_75, %while3A_77 : i32
    %while3A_79 = arith.addi %while3A_77, %while3A_78 : i32
    %while3A_80 = arith.constant 1 : i32
    %while3A_81 = arith.divsi %while3A_78, %while3A_80 : i32
    %while3A_82 = arith.muli %while3A_81, %while3A_80 : i32
    %while3A_83 = arith.addi %while3A_77, %while3A_82 : i32
    %while3A_84 = arith.constant 1 : i32
    scf.for %while3A_90 = %while3A_77 to %while3A_83 step %while3A_84  : i32 {
      %mul3A_91 = arith.muli %while3A_90, %while3A : i32
      %add3A_92 = arith.addi %while3A_76, %mul3A_91 : i32
      %dma_wait3A_93 = arith.constant 0 : i32
      %dma_wait3A_94 = arith.constant 0 : i32
      %dma_wait3A_95 = tpu.memref_slice %arg2[%dma_wait3A_93, %dma_wait3A_94] : memref<10240x128xf32, #tpu.memory_space<hbm>> -> memref<10240x128xf32, #tpu.memory_space<hbm>>
      tpu.wait_indirect_dma semaphore(%arg18 : memref<!tpu.dma_semaphore, #tpu.memory_space<semaphore_mem>>) src(%dma_wait3A_95 : memref<10240x128xf32, #tpu.memory_space<hbm>>) dst(%arg10 : memref<128x128xf32, #tpu.memory_space<vmem>>)
      %add3A_96 = arith.constant 2 : i32
      %add3A_97 = arith.addi %add3A_92, %add3A_96 : i32
      %lt3A = arith.cmpi slt, %add3A_97, %select_n3A_3 : i32
      %convert_element_type3A = arith.extui %lt3A : i1 to i32
      %cond3A = arith.constant 0 : i32
      %cond3A_98 = arith.cmpi ne, %convert_element_type3A, %cond3A : i32
      scf.if %cond3A_98 {
        %add3A_132 = arith.addi %select_n3A_11, %add3A_92 : i32
        %add3A_133 = arith.constant 2 : i32
        %add3A_134 = arith.addi %add3A_132, %add3A_133 : i32
        %dma_start3A_135 = arith.constant 0 : i32
        %dma_start3A_136 = tpu.memref_slice %arg3[%add3A_134, %dma_start3A_135] : memref<2560x128xi32, #tpu.memory_space<hbm>> -> memref<1x128xi32, #tpu.memory_space<hbm>>
        %dma_start3A_137 = tpu.memref_squeeze %dma_start3A_136 : memref<1x128xi32, #tpu.memory_space<hbm>> -> memref<128xi32, #tpu.memory_space<hbm>>
        %dma_start3A_138 = arith.constant 0 : i32
        %dma_start3A_139 = tpu.memref_slice %arg3[%add3A_134, %dma_start3A_138] : memref<2560x128xi32, #tpu.memory_space<hbm>> -> memref<1x128xi32, #tpu.memory_space<hbm>>
        %dma_start3A_140 = tpu.memref_squeeze %dma_start3A_139 : memref<1x128xi32, #tpu.memory_space<hbm>> -> memref<128xi32, #tpu.memory_space<hbm>>
        tpu.enqueue_dma source(%dma_start3A_140 : memref<128xi32, #tpu.memory_space<hbm>>) target(%arg6 : memref<128xi32, #tpu.memory_space<vmem>>) target_semaphore(%arg14 : memref<!tpu.dma_semaphore, #tpu.memory_space<semaphore_mem>>)
      } else {
      }
      %dma_wait3A_99 = arith.constant 0 : i32
      %dma_wait3A_100 = tpu.memref_slice %arg4[%select_n3A_11, %dma_wait3A_99] : memref<2560x128xi32, #tpu.memory_space<hbm>> -> memref<1x128xi32, #tpu.memory_space<hbm>>
      %dma_wait3A_101 = tpu.memref_squeeze %dma_wait3A_100 : memref<1x128xi32, #tpu.memory_space<hbm>> -> memref<128xi32, #tpu.memory_space<hbm>>
      %dma_wait3A_102 = arith.constant 0 : i32
      %dma_wait3A_103 = tpu.memref_slice %arg4[%select_n3A_11, %dma_wait3A_102] : memref<2560x128xi32, #tpu.memory_space<hbm>> -> memref<1x128xi32, #tpu.memory_space<hbm>>
      %dma_wait3A_104 = tpu.memref_squeeze %dma_wait3A_103 : memref<1x128xi32, #tpu.memory_space<hbm>> -> memref<128xi32, #tpu.memory_space<hbm>>
      tpu.wait_dma2 semaphore(%arg16 : memref<!tpu.dma_semaphore, #tpu.memory_space<semaphore_mem>>) src(%dma_wait3A_104 : memref<128xi32, #tpu.memory_space<hbm>>) dst(%arg8 : memref<128xi32, #tpu.memory_space<vmem>>)
      "tpu.region"() ({
        %run_scoped3A = tpu.sem_alloc : memref<!tpu.dma_semaphore, #tpu.memory_space<semaphore_mem>>
        %dma_start3A_132 = arith.constant 0 : i32
        %dma_start3A_133 = arith.constant 0 : i32
        %dma_start3A_134 = tpu.memref_slice %arg13[%dma_start3A_132, %dma_start3A_133] : memref<10240x128xf32, #tpu.memory_space<vmem_shared>> -> memref<10240x128xf32, #tpu.memory_space<vmem_shared>>
        tpu.enqueue_indirect_dma source(%arg10 : memref<128x128xf32, #tpu.memory_space<vmem>>) target(%dma_start3A_134 : memref<10240x128xf32, #tpu.memory_space<vmem_shared>>) offsets(%arg8 : memref<128xi32, #tpu.memory_space<vmem>>) semaphore(%run_scoped3A : memref<!tpu.dma_semaphore, #tpu.memory_space<semaphore_mem>>) {add = true}
        %dma_wait3A_135 = arith.constant 0 : i32
        %dma_wait3A_136 = arith.constant 0 : i32
        %dma_wait3A_137 = tpu.memref_slice %arg13[%dma_wait3A_135, %dma_wait3A_136] : memref<10240x128xf32, #tpu.memory_space<vmem_shared>> -> memref<10240x128xf32, #tpu.memory_space<vmem_shared>>
        tpu.wait_indirect_dma semaphore(%run_scoped3A : memref<!tpu.dma_semaphore, #tpu.memory_space<semaphore_mem>>) src(%arg10 : memref<128x128xf32, #tpu.memory_space<vmem>>) dst(%dma_wait3A_137 : memref<10240x128xf32, #tpu.memory_space<vmem_shared>>)
        tpu.yield
      }) : () -> ()
      %add3A_105 = arith.constant 2 : i32
      %add3A_106 = arith.addi %add3A_92, %add3A_105 : i32
      %lt3A_107 = arith.cmpi slt, %add3A_106, %select_n3A_3 : i32
      %convert_element_type3A_108 = arith.extui %lt3A_107 : i1 to i32
      %cond3A_109 = arith.constant 0 : i32
      %cond3A_110 = arith.cmpi ne, %convert_element_type3A_108, %cond3A_109 : i32
      scf.if %cond3A_110 {
        %add3A_132 = arith.addi %select_n3A_11, %add3A_92 : i32
        %add3A_133 = arith.constant 2 : i32
        %add3A_134 = arith.addi %add3A_132, %add3A_133 : i32
        %dma_start3A_135 = arith.constant 0 : i32
        %dma_start3A_136 = tpu.memref_slice %arg4[%add3A_134, %dma_start3A_135] : memref<2560x128xi32, #tpu.memory_space<hbm>> -> memref<1x128xi32, #tpu.memory_space<hbm>>
        %dma_start3A_137 = tpu.memref_squeeze %dma_start3A_136 : memref<1x128xi32, #tpu.memory_space<hbm>> -> memref<128xi32, #tpu.memory_space<hbm>>
        %dma_start3A_138 = arith.constant 0 : i32
        %dma_start3A_139 = tpu.memref_slice %arg4[%add3A_134, %dma_start3A_138] : memref<2560x128xi32, #tpu.memory_space<hbm>> -> memref<1x128xi32, #tpu.memory_space<hbm>>
        %dma_start3A_140 = tpu.memref_squeeze %dma_start3A_139 : memref<1x128xi32, #tpu.memory_space<hbm>> -> memref<128xi32, #tpu.memory_space<hbm>>
        tpu.enqueue_dma source(%dma_start3A_140 : memref<128xi32, #tpu.memory_space<hbm>>) target(%arg8 : memref<128xi32, #tpu.memory_space<vmem>>) target_semaphore(%arg16 : memref<!tpu.dma_semaphore, #tpu.memory_space<semaphore_mem>>)
        %dma_wait3A_141 = arith.constant 0 : i32
        %dma_wait3A_142 = tpu.memref_slice %arg3[%select_n3A_11, %dma_wait3A_141] : memref<2560x128xi32, #tpu.memory_space<hbm>> -> memref<1x128xi32, #tpu.memory_space<hbm>>
        %dma_wait3A_143 = tpu.memref_squeeze %dma_wait3A_142 : memref<1x128xi32, #tpu.memory_space<hbm>> -> memref<128xi32, #tpu.memory_space<hbm>>
        %dma_wait3A_144 = arith.constant 0 : i32
        %dma_wait3A_145 = tpu.memref_slice %arg3[%select_n3A_11, %dma_wait3A_144] : memref<2560x128xi32, #tpu.memory_space<hbm>> -> memref<1x128xi32, #tpu.memory_space<hbm>>
        %dma_wait3A_146 = tpu.memref_squeeze %dma_wait3A_145 : memref<1x128xi32, #tpu.memory_space<hbm>> -> memref<128xi32, #tpu.memory_space<hbm>>
        tpu.wait_dma2 semaphore(%arg14 : memref<!tpu.dma_semaphore, #tpu.memory_space<semaphore_mem>>) src(%dma_wait3A_146 : memref<128xi32, #tpu.memory_space<hbm>>) dst(%arg6 : memref<128xi32, #tpu.memory_space<vmem>>)
        %dma_start3A_147 = arith.constant 0 : i32
        %dma_start3A_148 = arith.constant 0 : i32
        %dma_start3A_149 = tpu.memref_slice %arg2[%dma_start3A_147, %dma_start3A_148] : memref<10240x128xf32, #tpu.memory_space<hbm>> -> memref<10240x128xf32, #tpu.memory_space<hbm>>
        tpu.enqueue_indirect_dma source(%dma_start3A_149 : memref<10240x128xf32, #tpu.memory_space<hbm>>) target(%arg10 : memref<128x128xf32, #tpu.memory_space<vmem>>) offsets(%arg6 : memref<128xi32, #tpu.memory_space<vmem>>) semaphore(%arg18 : memref<!tpu.dma_semaphore, #tpu.memory_space<semaphore_mem>>)
      } else {
      }
      %dma_wait3A_111 = arith.constant 0 : i32
      %dma_wait3A_112 = arith.constant 0 : i32
      %dma_wait3A_113 = tpu.memref_slice %arg2[%dma_wait3A_111, %dma_wait3A_112] : memref<10240x128xf32, #tpu.memory_space<hbm>> -> memref<10240x128xf32, #tpu.memory_space<hbm>>
      tpu.wait_indirect_dma semaphore(%arg19 : memref<!tpu.dma_semaphore, #tpu.memory_space<semaphore_mem>>) src(%dma_wait3A_113 : memref<10240x128xf32, #tpu.memory_space<hbm>>) dst(%arg11 : memref<128x128xf32, #tpu.memory_space<vmem>>)
      %add3A_114 = arith.constant 3 : i32
      %add3A_115 = arith.addi %add3A_92, %add3A_114 : i32
      %lt3A_116 = arith.cmpi slt, %add3A_115, %select_n3A_3 : i32
      %convert_element_type3A_117 = arith.extui %lt3A_116 : i1 to i32
      %cond3A_118 = arith.constant 0 : i32
      %cond3A_119 = arith.cmpi ne, %convert_element_type3A_117, %cond3A_118 : i32
      scf.if %cond3A_119 {
        %add3A_132 = arith.addi %select_n3A_11, %add3A_92 : i32
        %add3A_133 = arith.constant 3 : i32
        %add3A_134 = arith.addi %add3A_132, %add3A_133 : i32
        %dma_start3A_135 = arith.constant 0 : i32
        %dma_start3A_136 = tpu.memref_slice %arg3[%add3A_134, %dma_start3A_135] : memref<2560x128xi32, #tpu.memory_space<hbm>> -> memref<1x128xi32, #tpu.memory_space<hbm>>
        %dma_start3A_137 = tpu.memref_squeeze %dma_start3A_136 : memref<1x128xi32, #tpu.memory_space<hbm>> -> memref<128xi32, #tpu.memory_space<hbm>>
        %dma_start3A_138 = arith.constant 0 : i32
        %dma_start3A_139 = tpu.memref_slice %arg3[%add3A_134, %dma_start3A_138] : memref<2560x128xi32, #tpu.memory_space<hbm>> -> memref<1x128xi32, #tpu.memory_space<hbm>>
        %dma_start3A_140 = tpu.memref_squeeze %dma_start3A_139 : memref<1x128xi32, #tpu.memory_space<hbm>> -> memref<128xi32, #tpu.memory_space<hbm>>
        tpu.enqueue_dma source(%dma_start3A_140 : memref<128xi32, #tpu.memory_space<hbm>>) target(%arg7 : memref<128xi32, #tpu.memory_space<vmem>>) target_semaphore(%arg15 : memref<!tpu.dma_semaphore, #tpu.memory_space<semaphore_mem>>)
      } else {
      }
      %dma_wait3A_120 = arith.constant 0 : i32
      %dma_wait3A_121 = tpu.memref_slice %arg4[%select_n3A_11, %dma_wait3A_120] : memref<2560x128xi32, #tpu.memory_space<hbm>> -> memref<1x128xi32, #tpu.memory_space<hbm>>
      %dma_wait3A_122 = tpu.memref_squeeze %dma_wait3A_121 : memref<1x128xi32, #tpu.memory_space<hbm>> -> memref<128xi32, #tpu.memory_space<hbm>>
      %dma_wait3A_123 = arith.constant 0 : i32
      %dma_wait3A_124 = tpu.memref_slice %arg4[%select_n3A_11, %dma_wait3A_123] : memref<2560x128xi32, #tpu.memory_space<hbm>> -> memref<1x128xi32, #tpu.memory_space<hbm>>
      %dma_wait3A_125 = tpu.memref_squeeze %dma_wait3A_124 : memref<1x128xi32, #tpu.memory_space<hbm>> -> memref<128xi32, #tpu.memory_space<hbm>>
      tpu.wait_dma2 semaphore(%arg17 : memref<!tpu.dma_semaphore, #tpu.memory_space<semaphore_mem>>) src(%dma_wait3A_125 : memref<128xi32, #tpu.memory_space<hbm>>) dst(%arg9 : memref<128xi32, #tpu.memory_space<vmem>>)
      "tpu.region"() ({
        %run_scoped3A = tpu.sem_alloc : memref<!tpu.dma_semaphore, #tpu.memory_space<semaphore_mem>>
        %dma_start3A_132 = arith.constant 0 : i32
        %dma_start3A_133 = arith.constant 0 : i32
        %dma_start3A_134 = tpu.memref_slice %arg13[%dma_start3A_132, %dma_start3A_133] : memref<10240x128xf32, #tpu.memory_space<vmem_shared>> -> memref<10240x128xf32, #tpu.memory_space<vmem_shared>>
        tpu.enqueue_indirect_dma source(%arg11 : memref<128x128xf32, #tpu.memory_space<vmem>>) target(%dma_start3A_134 : memref<10240x128xf32, #tpu.memory_space<vmem_shared>>) offsets(%arg9 : memref<128xi32, #tpu.memory_space<vmem>>) semaphore(%run_scoped3A : memref<!tpu.dma_semaphore, #tpu.memory_space<semaphore_mem>>) {add = true}
        %dma_wait3A_135 = arith.constant 0 : i32
        %dma_wait3A_136 = arith.constant 0 : i32
        %dma_wait3A_137 = tpu.memref_slice %arg13[%dma_wait3A_135, %dma_wait3A_136] : memref<10240x128xf32, #tpu.memory_space<vmem_shared>> -> memref<10240x128xf32, #tpu.memory_space<vmem_shared>>
        tpu.wait_indirect_dma semaphore(%run_scoped3A : memref<!tpu.dma_semaphore, #tpu.memory_space<semaphore_mem>>) src(%arg11 : memref<128x128xf32, #tpu.memory_space<vmem>>) dst(%dma_wait3A_137 : memref<10240x128xf32, #tpu.memory_space<vmem_shared>>)
        tpu.yield
      }) : () -> ()
      %add3A_126 = arith.constant 3 : i32
      %add3A_127 = arith.addi %add3A_92, %add3A_126 : i32
      %lt3A_128 = arith.cmpi slt, %add3A_127, %select_n3A_3 : i32
      %convert_element_type3A_129 = arith.extui %lt3A_128 : i1 to i32
      %cond3A_130 = arith.constant 0 : i32
      %cond3A_131 = arith.cmpi ne, %convert_element_type3A_129, %cond3A_130 : i32
      scf.if %cond3A_131 {
        %add3A_132 = arith.addi %select_n3A_11, %add3A_92 : i32
        %add3A_133 = arith.constant 3 : i32
        %add3A_134 = arith.addi %add3A_132, %add3A_133 : i32
        %dma_start3A_135 = arith.constant 0 : i32
        %dma_start3A_136 = tpu.memref_slice %arg4[%add3A_134, %dma_start3A_135] : memref<2560x128xi32, #tpu.memory_space<hbm>> -> memref<1x128xi32, #tpu.memory_space<hbm>>
        %dma_start3A_137 = tpu.memref_squeeze %dma_start3A_136 : memref<1x128xi32, #tpu.memory_space<hbm>> -> memref<128xi32, #tpu.memory_space<hbm>>
        %dma_start3A_138 = arith.constant 0 : i32
        %dma_start3A_139 = tpu.memref_slice %arg4[%add3A_134, %dma_start3A_138] : memref<2560x128xi32, #tpu.memory_space<hbm>> -> memref<1x128xi32, #tpu.memory_space<hbm>>
        %dma_start3A_140 = tpu.memref_squeeze %dma_start3A_139 : memref<1x128xi32, #tpu.memory_space<hbm>> -> memref<128xi32, #tpu.memory_space<hbm>>
        tpu.enqueue_dma source(%dma_start3A_140 : memref<128xi32, #tpu.memory_space<hbm>>) target(%arg9 : memref<128xi32, #tpu.memory_space<vmem>>) target_semaphore(%arg17 : memref<!tpu.dma_semaphore, #tpu.memory_space<semaphore_mem>>)
        %dma_wait3A_141 = arith.constant 0 : i32
        %dma_wait3A_142 = tpu.memref_slice %arg3[%select_n3A_11, %dma_wait3A_141] : memref<2560x128xi32, #tpu.memory_space<hbm>> -> memref<1x128xi32, #tpu.memory_space<hbm>>
        %dma_wait3A_143 = tpu.memref_squeeze %dma_wait3A_142 : memref<1x128xi32, #tpu.memory_space<hbm>> -> memref<128xi32, #tpu.memory_space<hbm>>
        %dma_wait3A_144 = arith.constant 0 : i32
        %dma_wait3A_145 = tpu.memref_slice %arg3[%select_n3A_11, %dma_wait3A_144] : memref<2560x128xi32, #tpu.memory_space<hbm>> -> memref<1x128xi32, #tpu.memory_space<hbm>>
        %dma_wait3A_146 = tpu.memref_squeeze %dma_wait3A_145 : memref<1x128xi32, #tpu.memory_space<hbm>> -> memref<128xi32, #tpu.memory_space<hbm>>
        tpu.wait_dma2 semaphore(%arg15 : memref<!tpu.dma_semaphore, #tpu.memory_space<semaphore_mem>>) src(%dma_wait3A_146 : memref<128xi32, #tpu.memory_space<hbm>>) dst(%arg7 : memref<128xi32, #tpu.memory_space<vmem>>)
        %dma_start3A_147 = arith.constant 0 : i32
        %dma_start3A_148 = arith.constant 0 : i32
        %dma_start3A_149 = tpu.memref_slice %arg2[%dma_start3A_147, %dma_start3A_148] : memref<10240x128xf32, #tpu.memory_space<hbm>> -> memref<10240x128xf32, #tpu.memory_space<hbm>>
        tpu.enqueue_indirect_dma source(%dma_start3A_149 : memref<10240x128xf32, #tpu.memory_space<hbm>>) target(%arg11 : memref<128x128xf32, #tpu.memory_space<vmem>>) offsets(%arg7 : memref<128xi32, #tpu.memory_space<vmem>>) semaphore(%arg19 : memref<!tpu.dma_semaphore, #tpu.memory_space<semaphore_mem>>)
      } else {
      }
    }
    %while3A_85 = arith.constant 1 : i32
    scf.for %while3A_90 = %while3A_83 to %while3A_79 step %while3A_85  : i32 {
      %mul3A_91 = arith.muli %while3A_90, %while3A : i32
      %add3A_92 = arith.addi %while3A_76, %mul3A_91 : i32
      %dma_wait3A_93 = arith.constant 0 : i32
      %dma_wait3A_94 = arith.constant 0 : i32
      %dma_wait3A_95 = tpu.memref_slice %arg2[%dma_wait3A_93, %dma_wait3A_94] : memref<10240x128xf32, #tpu.memory_space<hbm>> -> memref<10240x128xf32, #tpu.memory_space<hbm>>
      tpu.wait_indirect_dma semaphore(%arg18 : memref<!tpu.dma_semaphore, #tpu.memory_space<semaphore_mem>>) src(%dma_wait3A_95 : memref<10240x128xf32, #tpu.memory_space<hbm>>) dst(%arg10 : memref<128x128xf32, #tpu.memory_space<vmem>>)
      %add3A_96 = arith.constant 2 : i32
      %add3A_97 = arith.addi %add3A_92, %add3A_96 : i32
      %lt3A = arith.cmpi slt, %add3A_97, %select_n3A_3 : i32
      %convert_element_type3A = arith.extui %lt3A : i1 to i32
      %cond3A = arith.constant 0 : i32
      %cond3A_98 = arith.cmpi ne, %convert_element_type3A, %cond3A : i32
      scf.if %cond3A_98 {
        %add3A_132 = arith.addi %select_n3A_11, %add3A_92 : i32
        %add3A_133 = arith.constant 2 : i32
        %add3A_134 = arith.addi %add3A_132, %add3A_133 : i32
        %dma_start3A_135 = arith.constant 0 : i32
        %dma_start3A_136 = tpu.memref_slice %arg3[%add3A_134, %dma_start3A_135] : memref<2560x128xi32, #tpu.memory_space<hbm>> -> memref<1x128xi32, #tpu.memory_space<hbm>>
        %dma_start3A_137 = tpu.memref_squeeze %dma_start3A_136 : memref<1x128xi32, #tpu.memory_space<hbm>> -> memref<128xi32, #tpu.memory_space<hbm>>
        %dma_start3A_138 = arith.constant 0 : i32
        %dma_start3A_139 = tpu.memref_slice %arg3[%add3A_134, %dma_start3A_138] : memref<2560x128xi32, #tpu.memory_space<hbm>> -> memref<1x128xi32, #tpu.memory_space<hbm>>
        %dma_start3A_140 = tpu.memref_squeeze %dma_start3A_139 : memref<1x128xi32, #tpu.memory_space<hbm>> -> memref<128xi32, #tpu.memory_space<hbm>>
        tpu.enqueue_dma source(%dma_start3A_140 : memref<128xi32, #tpu.memory_space<hbm>>) target(%arg6 : memref<128xi32, #tpu.memory_space<vmem>>) target_semaphore(%arg14 : memref<!tpu.dma_semaphore, #tpu.memory_space<semaphore_mem>>)
      } else {
      }
      %dma_wait3A_99 = arith.constant 0 : i32
      %dma_wait3A_100 = tpu.memref_slice %arg4[%select_n3A_11, %dma_wait3A_99] : memref<2560x128xi32, #tpu.memory_space<hbm>> -> memref<1x128xi32, #tpu.memory_space<hbm>>
      %dma_wait3A_101 = tpu.memref_squeeze %dma_wait3A_100 : memref<1x128xi32, #tpu.memory_space<hbm>> -> memref<128xi32, #tpu.memory_space<hbm>>
      %dma_wait3A_102 = arith.constant 0 : i32
      %dma_wait3A_103 = tpu.memref_slice %arg4[%select_n3A_11, %dma_wait3A_102] : memref<2560x128xi32, #tpu.memory_space<hbm>> -> memref<1x128xi32, #tpu.memory_space<hbm>>
      %dma_wait3A_104 = tpu.memref_squeeze %dma_wait3A_103 : memref<1x128xi32, #tpu.memory_space<hbm>> -> memref<128xi32, #tpu.memory_space<hbm>>
      tpu.wait_dma2 semaphore(%arg16 : memref<!tpu.dma_semaphore, #tpu.memory_space<semaphore_mem>>) src(%dma_wait3A_104 : memref<128xi32, #tpu.memory_space<hbm>>) dst(%arg8 : memref<128xi32, #tpu.memory_space<vmem>>)
      "tpu.region"() ({
        %run_scoped3A = tpu.sem_alloc : memref<!tpu.dma_semaphore, #tpu.memory_space<semaphore_mem>>
        %dma_start3A_132 = arith.constant 0 : i32
        %dma_start3A_133 = arith.constant 0 : i32
        %dma_start3A_134 = tpu.memref_slice %arg13[%dma_start3A_132, %dma_start3A_133] : memref<10240x128xf32, #tpu.memory_space<vmem_shared>> -> memref<10240x128xf32, #tpu.memory_space<vmem_shared>>
        tpu.enqueue_indirect_dma source(%arg10 : memref<128x128xf32, #tpu.memory_space<vmem>>) target(%dma_start3A_134 : memref<10240x128xf32, #tpu.memory_space<vmem_shared>>) offsets(%arg8 : memref<128xi32, #tpu.memory_space<vmem>>) semaphore(%run_scoped3A : memref<!tpu.dma_semaphore, #tpu.memory_space<semaphore_mem>>) {add = true}
        %dma_wait3A_135 = arith.constant 0 : i32
        %dma_wait3A_136 = arith.constant 0 : i32
        %dma_wait3A_137 = tpu.memref_slice %arg13[%dma_wait3A_135, %dma_wait3A_136] : memref<10240x128xf32, #tpu.memory_space<vmem_shared>> -> memref<10240x128xf32, #tpu.memory_space<vmem_shared>>
        tpu.wait_indirect_dma semaphore(%run_scoped3A : memref<!tpu.dma_semaphore, #tpu.memory_space<semaphore_mem>>) src(%arg10 : memref<128x128xf32, #tpu.memory_space<vmem>>) dst(%dma_wait3A_137 : memref<10240x128xf32, #tpu.memory_space<vmem_shared>>)
        tpu.yield
      }) : () -> ()
      %add3A_105 = arith.constant 2 : i32
      %add3A_106 = arith.addi %add3A_92, %add3A_105 : i32
      %lt3A_107 = arith.cmpi slt, %add3A_106, %select_n3A_3 : i32
      %convert_element_type3A_108 = arith.extui %lt3A_107 : i1 to i32
      %cond3A_109 = arith.constant 0 : i32
      %cond3A_110 = arith.cmpi ne, %convert_element_type3A_108, %cond3A_109 : i32
      scf.if %cond3A_110 {
        %add3A_132 = arith.addi %select_n3A_11, %add3A_92 : i32
        %add3A_133 = arith.constant 2 : i32
        %add3A_134 = arith.addi %add3A_132, %add3A_133 : i32
        %dma_start3A_135 = arith.constant 0 : i32
        %dma_start3A_136 = tpu.memref_slice %arg4[%add3A_134, %dma_start3A_135] : memref<2560x128xi32, #tpu.memory_space<hbm>> -> memref<1x128xi32, #tpu.memory_space<hbm>>
        %dma_start3A_137 = tpu.memref_squeeze %dma_start3A_136 : memref<1x128xi32, #tpu.memory_space<hbm>> -> memref<128xi32, #tpu.memory_space<hbm>>
        %dma_start3A_138 = arith.constant 0 : i32
        %dma_start3A_139 = tpu.memref_slice %arg4[%add3A_134, %dma_start3A_138] : memref<2560x128xi32, #tpu.memory_space<hbm>> -> memref<1x128xi32, #tpu.memory_space<hbm>>
        %dma_start3A_140 = tpu.memref_squeeze %dma_start3A_139 : memref<1x128xi32, #tpu.memory_space<hbm>> -> memref<128xi32, #tpu.memory_space<hbm>>
        tpu.enqueue_dma source(%dma_start3A_140 : memref<128xi32, #tpu.memory_space<hbm>>) target(%arg8 : memref<128xi32, #tpu.memory_space<vmem>>) target_semaphore(%arg16 : memref<!tpu.dma_semaphore, #tpu.memory_space<semaphore_mem>>)
        %dma_wait3A_141 = arith.constant 0 : i32
        %dma_wait3A_142 = tpu.memref_slice %arg3[%select_n3A_11, %dma_wait3A_141] : memref<2560x128xi32, #tpu.memory_space<hbm>> -> memref<1x128xi32, #tpu.memory_space<hbm>>
        %dma_wait3A_143 = tpu.memref_squeeze %dma_wait3A_142 : memref<1x128xi32, #tpu.memory_space<hbm>> -> memref<128xi32, #tpu.memory_space<hbm>>
        %dma_wait3A_144 = arith.constant 0 : i32
        %dma_wait3A_145 = tpu.memref_slice %arg3[%select_n3A_11, %dma_wait3A_144] : memref<2560x128xi32, #tpu.memory_space<hbm>> -> memref<1x128xi32, #tpu.memory_space<hbm>>
        %dma_wait3A_146 = tpu.memref_squeeze %dma_wait3A_145 : memref<1x128xi32, #tpu.memory_space<hbm>> -> memref<128xi32, #tpu.memory_space<hbm>>
        tpu.wait_dma2 semaphore(%arg14 : memref<!tpu.dma_semaphore, #tpu.memory_space<semaphore_mem>>) src(%dma_wait3A_146 : memref<128xi32, #tpu.memory_space<hbm>>) dst(%arg6 : memref<128xi32, #tpu.memory_space<vmem>>)
        %dma_start3A_147 = arith.constant 0 : i32
        %dma_start3A_148 = arith.constant 0 : i32
        %dma_start3A_149 = tpu.memref_slice %arg2[%dma_start3A_147, %dma_start3A_148] : memref<10240x128xf32, #tpu.memory_space<hbm>> -> memref<10240x128xf32, #tpu.memory_space<hbm>>
        tpu.enqueue_indirect_dma source(%dma_start3A_149 : memref<10240x128xf32, #tpu.memory_space<hbm>>) target(%arg10 : memref<128x128xf32, #tpu.memory_space<vmem>>) offsets(%arg6 : memref<128xi32, #tpu.memory_space<vmem>>) semaphore(%arg18 : memref<!tpu.dma_semaphore, #tpu.memory_space<semaphore_mem>>)
      } else {
      }
      %dma_wait3A_111 = arith.constant 0 : i32
      %dma_wait3A_112 = arith.constant 0 : i32
      %dma_wait3A_113 = tpu.memref_slice %arg2[%dma_wait3A_111, %dma_wait3A_112] : memref<10240x128xf32, #tpu.memory_space<hbm>> -> memref<10240x128xf32, #tpu.memory_space<hbm>>
      tpu.wait_indirect_dma semaphore(%arg19 : memref<!tpu.dma_semaphore, #tpu.memory_space<semaphore_mem>>) src(%dma_wait3A_113 : memref<10240x128xf32, #tpu.memory_space<hbm>>) dst(%arg11 : memref<128x128xf32, #tpu.memory_space<vmem>>)
      %add3A_114 = arith.constant 3 : i32
      %add3A_115 = arith.addi %add3A_92, %add3A_114 : i32
      %lt3A_116 = arith.cmpi slt, %add3A_115, %select_n3A_3 : i32
      %convert_element_type3A_117 = arith.extui %lt3A_116 : i1 to i32
      %cond3A_118 = arith.constant 0 : i32
      %cond3A_119 = arith.cmpi ne, %convert_element_type3A_117, %cond3A_118 : i32
      scf.if %cond3A_119 {
        %add3A_132 = arith.addi %select_n3A_11, %add3A_92 : i32
        %add3A_133 = arith.constant 3 : i32
        %add3A_134 = arith.addi %add3A_132, %add3A_133 : i32
        %dma_start3A_135 = arith.constant 0 : i32
        %dma_start3A_136 = tpu.memref_slice %arg3[%add3A_134, %dma_start3A_135] : memref<2560x128xi32, #tpu.memory_space<hbm>> -> memref<1x128xi32, #tpu.memory_space<hbm>>
        %dma_start3A_137 = tpu.memref_squeeze %dma_start3A_136 : memref<1x128xi32, #tpu.memory_space<hbm>> -> memref<128xi32, #tpu.memory_space<hbm>>
        %dma_start3A_138 = arith.constant 0 : i32
        %dma_start3A_139 = tpu.memref_slice %arg3[%add3A_134, %dma_start3A_138] : memref<2560x128xi32, #tpu.memory_space<hbm>> -> memref<1x128xi32, #tpu.memory_space<hbm>>
        %dma_start3A_140 = tpu.memref_squeeze %dma_start3A_139 : memref<1x128xi32, #tpu.memory_space<hbm>> -> memref<128xi32, #tpu.memory_space<hbm>>
        tpu.enqueue_dma source(%dma_start3A_140 : memref<128xi32, #tpu.memory_space<hbm>>) target(%arg7 : memref<128xi32, #tpu.memory_space<vmem>>) target_semaphore(%arg15 : memref<!tpu.dma_semaphore, #tpu.memory_space<semaphore_mem>>)
      } else {
      }
      %dma_wait3A_120 = arith.constant 0 : i32
      %dma_wait3A_121 = tpu.memref_slice %arg4[%select_n3A_11, %dma_wait3A_120] : memref<2560x128xi32, #tpu.memory_space<hbm>> -> memref<1x128xi32, #tpu.memory_space<hbm>>
      %dma_wait3A_122 = tpu.memref_squeeze %dma_wait3A_121 : memref<1x128xi32, #tpu.memory_space<hbm>> -> memref<128xi32, #tpu.memory_space<hbm>>
      %dma_wait3A_123 = arith.constant 0 : i32
      %dma_wait3A_124 = tpu.memref_slice %arg4[%select_n3A_11, %dma_wait3A_123] : memref<2560x128xi32, #tpu.memory_space<hbm>> -> memref<1x128xi32, #tpu.memory_space<hbm>>
      %dma_wait3A_125 = tpu.memref_squeeze %dma_wait3A_124 : memref<1x128xi32, #tpu.memory_space<hbm>> -> memref<128xi32, #tpu.memory_space<hbm>>
      tpu.wait_dma2 semaphore(%arg17 : memref<!tpu.dma_semaphore, #tpu.memory_space<semaphore_mem>>) src(%dma_wait3A_125 : memref<128xi32, #tpu.memory_space<hbm>>) dst(%arg9 : memref<128xi32, #tpu.memory_space<vmem>>)
      "tpu.region"() ({
        %run_scoped3A = tpu.sem_alloc : memref<!tpu.dma_semaphore, #tpu.memory_space<semaphore_mem>>
        %dma_start3A_132 = arith.constant 0 : i32
        %dma_start3A_133 = arith.constant 0 : i32
        %dma_start3A_134 = tpu.memref_slice %arg13[%dma_start3A_132, %dma_start3A_133] : memref<10240x128xf32, #tpu.memory_space<vmem_shared>> -> memref<10240x128xf32, #tpu.memory_space<vmem_shared>>
        tpu.enqueue_indirect_dma source(%arg11 : memref<128x128xf32, #tpu.memory_space<vmem>>) target(%dma_start3A_134 : memref<10240x128xf32, #tpu.memory_space<vmem_shared>>) offsets(%arg9 : memref<128xi32, #tpu.memory_space<vmem>>) semaphore(%run_scoped3A : memref<!tpu.dma_semaphore, #tpu.memory_space<semaphore_mem>>) {add = true}
        %dma_wait3A_135 = arith.constant 0 : i32
        %dma_wait3A_136 = arith.constant 0 : i32
        %dma_wait3A_137 = tpu.memref_slice %arg13[%dma_wait3A_135, %dma_wait3A_136] : memref<10240x128xf32, #tpu.memory_space<vmem_shared>> -> memref<10240x128xf32, #tpu.memory_space<vmem_shared>>
        tpu.wait_indirect_dma semaphore(%run_scoped3A : memref<!tpu.dma_semaphore, #tpu.memory_space<semaphore_mem>>) src(%arg11 : memref<128x128xf32, #tpu.memory_space<vmem>>) dst(%dma_wait3A_137 : memref<10240x128xf32, #tpu.memory_space<vmem_shared>>)
        tpu.yield
      }) : () -> ()
      %add3A_126 = arith.constant 3 : i32
      %add3A_127 = arith.addi %add3A_92, %add3A_126 : i32
      %lt3A_128 = arith.cmpi slt, %add3A_127, %select_n3A_3 : i32
      %convert_element_type3A_129 = arith.extui %lt3A_128 : i1 to i32
      %cond3A_130 = arith.constant 0 : i32
      %cond3A_131 = arith.cmpi ne, %convert_element_type3A_129, %cond3A_130 : i32
      scf.if %cond3A_131 {
        %add3A_132 = arith.addi %select_n3A_11, %add3A_92 : i32
        %add3A_133 = arith.constant 3 : i32
        %add3A_134 = arith.addi %add3A_132, %add3A_133 : i32
        %dma_start3A_135 = arith.constant 0 : i32
        %dma_start3A_136 = tpu.memref_slice %arg4[%add3A_134, %dma_start3A_135] : memref<2560x128xi32, #tpu.memory_space<hbm>> -> memref<1x128xi32, #tpu.memory_space<hbm>>
        %dma_start3A_137 = tpu.memref_squeeze %dma_start3A_136 : memref<1x128xi32, #tpu.memory_space<hbm>> -> memref<128xi32, #tpu.memory_space<hbm>>
        %dma_start3A_138 = arith.constant 0 : i32
        %dma_start3A_139 = tpu.memref_slice %arg4[%add3A_134, %dma_start3A_138] : memref<2560x128xi32, #tpu.memory_space<hbm>> -> memref<1x128xi32, #tpu.memory_space<hbm>>
        %dma_start3A_140 = tpu.memref_squeeze %dma_start3A_139 : memref<1x128xi32, #tpu.memory_space<hbm>> -> memref<128xi32, #tpu.memory_space<hbm>>
        tpu.enqueue_dma source(%dma_start3A_140 : memref<128xi32, #tpu.memory_space<hbm>>) target(%arg9 : memref<128xi32, #tpu.memory_space<vmem>>) target_semaphore(%arg17 : memref<!tpu.dma_semaphore, #tpu.memory_space<semaphore_mem>>)
        %dma_wait3A_141 = arith.constant 0 : i32
        %dma_wait3A_142 = tpu.memref_slice %arg3[%select_n3A_11, %dma_wait3A_141] : memref<2560x128xi32, #tpu.memory_space<hbm>> -> memref<1x128xi32, #tpu.memory_space<hbm>>
        %dma_wait3A_143 = tpu.memref_squeeze %dma_wait3A_142 : memref<1x128xi32, #tpu.memory_space<hbm>> -> memref<128xi32, #tpu.memory_space<hbm>>
        %dma_wait3A_144 = arith.constant 0 : i32
        %dma_wait3A_145 = tpu.memref_slice %arg3[%select_n3A_11, %dma_wait3A_144] : memref<2560x128xi32, #tpu.memory_space<hbm>> -> memref<1x128xi32, #tpu.memory_space<hbm>>
        %dma_wait3A_146 = tpu.memref_squeeze %dma_wait3A_145 : memref<1x128xi32, #tpu.memory_space<hbm>> -> memref<128xi32, #tpu.memory_space<hbm>>
        tpu.wait_dma2 semaphore(%arg15 : memref<!tpu.dma_semaphore, #tpu.memory_space<semaphore_mem>>) src(%dma_wait3A_146 : memref<128xi32, #tpu.memory_space<hbm>>) dst(%arg7 : memref<128xi32, #tpu.memory_space<vmem>>)
        %dma_start3A_147 = arith.constant 0 : i32
        %dma_start3A_148 = arith.constant 0 : i32
        %dma_start3A_149 = tpu.memref_slice %arg2[%dma_start3A_147, %dma_start3A_148] : memref<10240x128xf32, #tpu.memory_space<hbm>> -> memref<10240x128xf32, #tpu.memory_space<hbm>>
        tpu.enqueue_indirect_dma source(%dma_start3A_149 : memref<10240x128xf32, #tpu.memory_space<hbm>>) target(%arg11 : memref<128x128xf32, #tpu.memory_space<vmem>>) offsets(%arg7 : memref<128xi32, #tpu.memory_space<vmem>>) semaphore(%arg19 : memref<!tpu.dma_semaphore, #tpu.memory_space<semaphore_mem>>)
      } else {
      }
    }
    %barrier3A_86 = arith.constant 0 : index
    tpu.barrier barrier_id(%barrier3A_86)
    %mul3A_87 = arith.constant 10240 : i32
    %mul3A_88 = arith.muli %arg0, %mul3A_87 : i32
    %add3A_89 = arith.addi %mul3A_88, %mul3A_0 : i32
    "tpu.region"() ({
      %run_scoped3A = tpu.sem_alloc : memref<!tpu.dma_semaphore, #tpu.memory_space<semaphore_mem>>
      %dma_start3A_90 = arith.constant 0 : i32
      %dma_start3A_91 = tpu.memref_slice %arg5[%add3A_89, %dma_start3A_90] : memref<20480x128xf32, #tpu.memory_space<hbm>> -> memref<640x128xf32, #tpu.memory_space<hbm>>
      %dma_start3A_92 = arith.constant 0 : i32
      %dma_start3A_93 = tpu.memref_slice %arg13[%mul3A_0, %dma_start3A_92] : memref<10240x128xf32, #tpu.memory_space<vmem_shared>> -> memref<640x128xf32, #tpu.memory_space<vmem_shared>>
      tpu.enqueue_dma source(%dma_start3A_93 : memref<640x128xf32, #tpu.memory_space<vmem_shared>>) target(%dma_start3A_91 : memref<640x128xf32, #tpu.memory_space<hbm>>) target_semaphore(%run_scoped3A : memref<!tpu.dma_semaphore, #tpu.memory_space<semaphore_mem>>)
      %dma_wait3A_94 = arith.constant 0 : i32
      %dma_wait3A_95 = tpu.memref_slice %arg5[%add3A_89, %dma_wait3A_94] : memref<20480x128xf32, #tpu.memory_space<hbm>> -> memref<640x128xf32, #tpu.memory_space<hbm>>
      %dma_wait3A_96 = arith.constant 0 : i32
      %dma_wait3A_97 = tpu.memref_slice %arg13[%mul3A_0, %dma_wait3A_96] : memref<10240x128xf32, #tpu.memory_space<vmem_shared>> -> memref<640x128xf32, #tpu.memory_space<vmem_shared>>
      tpu.wait_dma2 semaphore(%run_scoped3A : memref<!tpu.dma_semaphore, #tpu.memory_space<semaphore_mem>>) src(%dma_wait3A_97 : memref<640x128xf32, #tpu.memory_space<vmem_shared>>) dst(%dma_wait3A_95 : memref<640x128xf32, #tpu.memory_space<hbm>>)
      tpu.yield
    }) : () -> ()
    return
  }
}

#map = affine_map<(d0, d1) -> (0, 0)>
module attributes {stable_mosaic.version = 14 : i64} {
  func.func @_sc_pass_body(%arg0: i32, %arg1: i32, %arg2: memref<10240x128xf32, #tpu.memory_space<hbm>>, %arg3: memref<2560x128xi32, #tpu.memory_space<hbm>>, %arg4: memref<2560x128xi32, #tpu.memory_space<hbm>>, %arg5: memref<20480x128xf32, #tpu.memory_space<hbm>>, %arg6: memref<128xi32, #tpu.memory_space<vmem>>, %arg7: memref<128xi32, #tpu.memory_space<vmem>>, %arg8: memref<128xi32, #tpu.memory_space<vmem>>, %arg9: memref<128xi32, #tpu.memory_space<vmem>>, %arg10: memref<128x128xf32, #tpu.memory_space<vmem>>, %arg11: memref<128x128xf32, #tpu.memory_space<vmem>>, %arg12: memref<32x128xf32, #tpu.memory_space<vmem>>, %arg13: memref<10240x128xf32, #tpu.memory_space<vmem_shared>>, %arg14: memref<!tpu.dma_semaphore, #tpu.memory_space<semaphore_mem>>, %arg15: memref<!tpu.dma_semaphore, #tpu.memory_space<semaphore_mem>>, %arg16: memref<!tpu.dma_semaphore, #tpu.memory_space<semaphore_mem>>, %arg17: memref<!tpu.dma_semaphore, #tpu.memory_space<semaphore_mem>>, %arg18: memref<!tpu.dma_semaphore, #tpu.memory_space<semaphore_mem>>, %arg19: memref<!tpu.dma_semaphore, #tpu.memory_space<semaphore_mem>>, %arg20: memref<!tpu.dma_semaphore, #tpu.memory_space<semaphore_mem>>) attributes {dimension_semantics = [#tpu.dimension_semantics<core_parallel>, #tpu.dimension_semantics<subcore_parallel>], iteration_bounds = array<i64: 2, 16>, scalar_prefetch = 0 : i64, scratch_operands = 15 : i64, tpu.core_type = #tpu.core_type<sc_vector_subcore>, window_params = [{transform_indices = #map}, {transform_indices = #map}, {transform_indices = #map}, {transform_indices = #map}]} {
    %mul3A = arith.constant 640 : i32
    %mul3A_0 = arith.muli %arg1, %mul3A : i32
    %eq3A = arith.constant 0 : i32
    %eq3A_1 = arith.cmpi eq, %arg0, %eq3A : i32
    %select_n3A = arith.constant 80 : i32
    %select_n3A_2 = arith.constant 80 : i32
    %select_n3A_3 = arith.select %eq3A_1, %select_n3A_2, %select_n3A : i32
    %eq3A_4 = arith.constant 0 : i32
    %eq3A_5 = arith.cmpi eq, %arg0, %eq3A_4 : i32
    %mul3A_6 = arith.constant 80 : i32
    %mul3A_7 = arith.muli %arg1, %mul3A_6 : i32
    %mul3A_8 = arith.constant 80 : i32
    %mul3A_9 = arith.muli %arg1, %mul3A_8 : i32
    %add3A = arith.constant 1280 : i32
    %add3A_10 = arith.addi %add3A, %mul3A_9 : i32
    %select_n3A_11 = arith.select %eq3A_5, %mul3A_7, %add3A_10 : i32
    %scan3A = arith.constant 0 : i32
    %scan3A_12 = arith.constant 32 : i32
    %scan3A_13 = arith.addi %scan3A, %scan3A_12 : i32
    %scan3A_14 = arith.constant 1 : i32
    scf.for %scan3A_90 = %scan3A to %scan3A_13 step %scan3A_14  : i32 {
      %mul3A_91 = arith.constant 1 : i32
      %mul3A_92 = arith.muli %scan3A_90, %mul3A_91 : i32
      %add3A_93 = arith.constant 0 : i32
      %add3A_94 = arith.addi %add3A_93, %mul3A_92 : i32
      %scan3A_95 = arith.constant 0 : i32
      %scan3A_96 = arith.constant 8 : i32
      %scan3A_97 = arith.addi %scan3A_95, %scan3A_96 : i32
      %scan3A_98 = arith.constant 1 : i32
      scf.for %scan3A_100 = %scan3A_95 to %scan3A_97 step %scan3A_98  : i32 {
        %mul3A_101 = arith.constant 1 : i32
        %mul3A_102 = arith.muli %scan3A_100, %mul3A_101 : i32
        %add3A_103 = arith.constant 0 : i32
        %add3A_104 = arith.addi %add3A_103, %mul3A_102 : i32
        %broadcast_in_dim3A = arith.constant 0.000000e+00 : f32
        %broadcast_in_dim3A_105 = vector.broadcast %broadcast_in_dim3A : f32 to vector<1x16xf32>
        %mul3A_106 = arith.constant 16 : i32
        %mul3A_107 = arith.muli %add3A_104, %mul3A_106 : i32
        %swap3A = arith.index_cast %add3A_94 : i32 to index
        %swap3A_108 = arith.index_cast %mul3A_107 : i32 to index
        %swap3A_109 = tpu.vector_load %arg12[%swap3A, %swap3A_108] {strides = array<i32>} : memref<32x128xf32, #tpu.memory_space<vmem>>, vector<1x16xf32>,
        %swap3A_110 = vector.shape_cast %swap3A_109 : vector<1x16xf32> to vector<1x16xf32>
        %swap3A_111 = vector.shape_cast %broadcast_in_dim3A_105 : vector<1x16xf32> to vector<1x16xf32>
        tpu.vector_store %arg12[%swap3A, %swap3A_108], %swap3A_111 {strides = array<i32>} : memref<32x128xf32, #tpu.memory_space<vmem>>, vector<1x16xf32>,
      }
      %scan3A_99 = arith.constant 8 : i32
    }
    %scan3A_15 = arith.constant 32 : i32
    %scan3A_16 = arith.constant 0 : i32
    %scan3A_17 = arith.constant 20 : i32
    %scan3A_18 = arith.addi %scan3A_16, %scan3A_17 : i32
    %scan3A_19 = arith.constant 1 : i32
    scf.for %scan3A_90 = %scan3A_16 to %scan3A_18 step %scan3A_19  : i32 {
      %mul3A_91 = arith.constant 1 : i32
      %mul3A_92 = arith.muli %scan3A_90, %mul3A_91 : i32
      %add3A_93 = arith.constant 0 : i32
      %add3A_94 = arith.addi %add3A_93, %mul3A_92 : i32
      %mul3A_95 = arith.constant 32 : i32
      %mul3A_96 = arith.muli %add3A_94, %mul3A_95 : i32
      %add3A_97 = arith.addi %mul3A_0, %mul3A_96 : i32
      %dma_start3A_98 = arith.constant 0 : i32
      %dma_start3A_99 = tpu.memref_slice %arg13[%add3A_97, %dma_start3A_98] : memref<10240x128xf32, #tpu.memory_space<vmem_shared>> -> memref<32x128xf32, #tpu.memory_space<vmem_shared>>
      %dma_start3A_100 = arith.constant 0 : i32
      %dma_start3A_101 = tpu.memref_slice %arg13[%add3A_97, %dma_start3A_100] : memref<10240x128xf32, #tpu.memory_space<vmem_shared>> -> memref<32x128xf32, #tpu.memory_space<vmem_shared>>
      tpu.enqueue_dma source(%arg12 : memref<32x128xf32, #tpu.memory_space<vmem>>) target(%dma_start3A_101 : memref<32x128xf32, #tpu.memory_space<vmem_shared>>) target_semaphore(%arg20 : memref<!tpu.dma_semaphore, #tpu.memory_space<semaphore_mem>>)
    }
    %scan3A_20 = arith.constant 20 : i32
    %scan3A_21 = arith.constant 0 : i32
    %scan3A_22 = arith.constant 20 : i32
    %scan3A_23 = arith.addi %scan3A_21, %scan3A_22 : i32
    %scan3A_24 = arith.constant 1 : i32
    scf.for %scan3A_90 = %scan3A_21 to %scan3A_23 step %scan3A_24  : i32 {
      %mul3A_91 = arith.constant 1 : i32
      %mul3A_92 = arith.muli %scan3A_90, %mul3A_91 : i32
      %add3A_93 = arith.constant 0 : i32
      %add3A_94 = arith.addi %add3A_93, %mul3A_92 : i32
      %dma_wait3A_95 = arith.constant 0 : i32
      %dma_wait3A_96 = tpu.memref_slice %arg13[%mul3A_0, %dma_wait3A_95] : memref<10240x128xf32, #tpu.memory_space<vmem_shared>> -> memref<32x128xf32, #tpu.memory_space<vmem_shared>>
      %dma_wait3A_97 = arith.constant 0 : i32
      %dma_wait3A_98 = tpu.memref_slice %arg13[%mul3A_0, %dma_wait3A_97] : memref<10240x128xf32, #tpu.memory_space<vmem_shared>> -> memref<32x128xf32, #tpu.memory_space<vmem_shared>>
      tpu.wait_dma2 semaphore(%arg20 : memref<!tpu.dma_semaphore, #tpu.memory_space<semaphore_mem>>) src(%arg12 : memref<32x128xf32, #tpu.memory_space<vmem>>) dst(%dma_wait3A_98 : memref<32x128xf32, #tpu.memory_space<vmem_shared>>)
    }
    %scan3A_25 = arith.constant 20 : i32
    %dma_start3A = arith.constant 0 : i32
    %dma_start3A_26 = tpu.memref_slice %arg3[%select_n3A_11, %dma_start3A] : memref<2560x128xi32, #tpu.memory_space<hbm>> -> memref<1x128xi32, #tpu.memory_space<hbm>>
    %dma_start3A_27 = tpu.memref_squeeze %dma_start3A_26 : memref<1x128xi32, #tpu.memory_space<hbm>> -> memref<128xi32, #tpu.memory_space<hbm>>
    %dma_start3A_28 = arith.constant 0 : i32
    %dma_start3A_29 = tpu.memref_slice %arg3[%select_n3A_11, %dma_start3A_28] : memref<2560x128xi32, #tpu.memory_space<hbm>> -> memref<1x128xi32, #tpu.memory_space<hbm>>
    %dma_start3A_30 = tpu.memref_squeeze %dma_start3A_29 : memref<1x128xi32, #tpu.memory_space<hbm>> -> memref<128xi32, #tpu.memory_space<hbm>>
    tpu.enqueue_dma source(%dma_start3A_30 : memref<128xi32, #tpu.memory_space<hbm>>) target(%arg6 : memref<128xi32, #tpu.memory_space<vmem>>) target_semaphore(%arg14 : memref<!tpu.dma_semaphore, #tpu.memory_space<semaphore_mem>>)
    %dma_start3A_31 = arith.constant 0 : i32
    %dma_start3A_32 = tpu.memref_slice %arg4[%select_n3A_11, %dma_start3A_31] : memref<2560x128xi32, #tpu.memory_space<hbm>> -> memref<1x128xi32, #tpu.memory_space<hbm>>
    %dma_start3A_33 = tpu.memref_squeeze %dma_start3A_32 : memref<1x128xi32, #tpu.memory_space<hbm>> -> memref<128xi32, #tpu.memory_space<hbm>>
    %dma_start3A_34 = arith.constant 0 : i32
    %dma_start3A_35 = tpu.memref_slice %arg4[%select_n3A_11, %dma_start3A_34] : memref<2560x128xi32, #tpu.memory_space<hbm>> -> memref<1x128xi32, #tpu.memory_space<hbm>>
    %dma_start3A_36 = tpu.memref_squeeze %dma_start3A_35 : memref<1x128xi32, #tpu.memory_space<hbm>> -> memref<128xi32, #tpu.memory_space<hbm>>
    tpu.enqueue_dma source(%dma_start3A_36 : memref<128xi32, #tpu.memory_space<hbm>>) target(%arg8 : memref<128xi32, #tpu.memory_space<vmem>>) target_semaphore(%arg16 : memref<!tpu.dma_semaphore, #tpu.memory_space<semaphore_mem>>)
    %add3A_37 = arith.constant 1 : i32
    %add3A_38 = arith.addi %select_n3A_11, %add3A_37 : i32
    %dma_start3A_39 = arith.constant 0 : i32
    %dma_start3A_40 = tpu.memref_slice %arg3[%add3A_38, %dma_start3A_39] : memref<2560x128xi32, #tpu.memory_space<hbm>> -> memref<1x128xi32, #tpu.memory_space<hbm>>
    %dma_start3A_41 = tpu.memref_squeeze %dma_start3A_40 : memref<1x128xi32, #tpu.memory_space<hbm>> -> memref<128xi32, #tpu.memory_space<hbm>>
    %dma_start3A_42 = arith.constant 0 : i32
    %dma_start3A_43 = tpu.memref_slice %arg3[%add3A_38, %dma_start3A_42] : memref<2560x128xi32, #tpu.memory_space<hbm>> -> memref<1x128xi32, #tpu.memory_space<hbm>>
    %dma_start3A_44 = tpu.memref_squeeze %dma_start3A_43 : memref<1x128xi32, #tpu.memory_space<hbm>> -> memref<128xi32, #tpu.memory_space<hbm>>
    tpu.enqueue_dma source(%dma_start3A_44 : memref<128xi32, #tpu.memory_space<hbm>>) target(%arg7 : memref<128xi32, #tpu.memory_space<vmem>>) target_semaphore(%arg15 : memref<!tpu.dma_semaphore, #tpu.memory_space<semaphore_mem>>)
    %add3A_45 = arith.constant 1 : i32
    %add3A_46 = arith.addi %select_n3A_11, %add3A_45 : i32
    %dma_start3A_47 = arith.constant 0 : i32
    %dma_start3A_48 = tpu.memref_slice %arg4[%add3A_46, %dma_start3A_47] : memref<2560x128xi32, #tpu.memory_space<hbm>> -> memref<1x128xi32, #tpu.memory_space<hbm>>
    %dma_start3A_49 = tpu.memref_squeeze %dma_start3A_48 : memref<1x128xi32, #tpu.memory_space<hbm>> -> memref<128xi32, #tpu.memory_space<hbm>>
    %dma_start3A_50 = arith.constant 0 : i32
    %dma_start3A_51 = tpu.memref_slice %arg4[%add3A_46, %dma_start3A_50] : memref<2560x128xi32, #tpu.memory_space<hbm>> -> memref<1x128xi32, #tpu.memory_space<hbm>>
    %dma_start3A_52 = tpu.memref_squeeze %dma_start3A_51 : memref<1x128xi32, #tpu.memory_space<hbm>> -> memref<128xi32, #tpu.memory_space<hbm>>
    tpu.enqueue_dma source(%dma_start3A_52 : memref<128xi32, #tpu.memory_space<hbm>>) target(%arg9 : memref<128xi32, #tpu.memory_space<vmem>>) target_semaphore(%arg17 : memref<!tpu.dma_semaphore, #tpu.memory_space<semaphore_mem>>)
    %dma_wait3A = arith.constant 0 : i32
    %dma_wait3A_53 = tpu.memref_slice %arg3[%select_n3A_11, %dma_wait3A] : memref<2560x128xi32, #tpu.memory_space<hbm>> -> memref<1x128xi32, #tpu.memory_space<hbm>>
    %dma_wait3A_54 = tpu.memref_squeeze %dma_wait3A_53 : memref<1x128xi32, #tpu.memory_space<hbm>> -> memref<128xi32, #tpu.memory_space<hbm>>
    %dma_wait3A_55 = arith.constant 0 : i32
    %dma_wait3A_56 = tpu.memref_slice %arg3[%select_n3A_11, %dma_wait3A_55] : memref<2560x128xi32, #tpu.memory_space<hbm>> -> memref<1x128xi32, #tpu.memory_space<hbm>>
    %dma_wait3A_57 = tpu.memref_squeeze %dma_wait3A_56 : memref<1x128xi32, #tpu.memory_space<hbm>> -> memref<128xi32, #tpu.memory_space<hbm>>
    tpu.wait_dma2 semaphore(%arg14 : memref<!tpu.dma_semaphore, #tpu.memory_space<semaphore_mem>>) src(%dma_wait3A_57 : memref<128xi32, #tpu.memory_space<hbm>>) dst(%arg6 : memref<128xi32, #tpu.memory_space<vmem>>)
    %dma_start3A_58 = arith.constant 0 : i32
    %dma_start3A_59 = arith.constant 0 : i32
    %dma_start3A_60 = tpu.memref_slice %arg2[%dma_start3A_58, %dma_start3A_59] : memref<10240x128xf32, #tpu.memory_space<hbm>> -> memref<10240x128xf32, #tpu.memory_space<hbm>>
    tpu.enqueue_indirect_dma source(%dma_start3A_60 : memref<10240x128xf32, #tpu.memory_space<hbm>>) target(%arg10 : memref<128x128xf32, #tpu.memory_space<vmem>>) offsets(%arg6 : memref<128xi32, #tpu.memory_space<vmem>>) semaphore(%arg18 : memref<!tpu.dma_semaphore, #tpu.memory_space<semaphore_mem>>)
    %dma_wait3A_61 = arith.constant 0 : i32
    %dma_wait3A_62 = tpu.memref_slice %arg3[%select_n3A_11, %dma_wait3A_61] : memref<2560x128xi32, #tpu.memory_space<hbm>> -> memref<1x128xi32, #tpu.memory_space<hbm>>
    %dma_wait3A_63 = tpu.memref_squeeze %dma_wait3A_62 : memref<1x128xi32, #tpu.memory_space<hbm>> -> memref<128xi32, #tpu.memory_space<hbm>>
    %dma_wait3A_64 = arith.constant 0 : i32
    %dma_wait3A_65 = tpu.memref_slice %arg3[%select_n3A_11, %dma_wait3A_64] : memref<2560x128xi32, #tpu.memory_space<hbm>> -> memref<1x128xi32, #tpu.memory_space<hbm>>
    %dma_wait3A_66 = tpu.memref_squeeze %dma_wait3A_65 : memref<1x128xi32, #tpu.memory_space<hbm>> -> memref<128xi32, #tpu.memory_space<hbm>>
    tpu.wait_dma2 semaphore(%arg15 : memref<!tpu.dma_semaphore, #tpu.memory_space<semaphore_mem>>) src(%dma_wait3A_66 : memref<128xi32, #tpu.memory_space<hbm>>) dst(%arg7 : memref<128xi32, #tpu.memory_space<vmem>>)
    %dma_start3A_67 = arith.constant 0 : i32
    %dma_start3A_68 = arith.constant 0 : i32
    %dma_start3A_69 = tpu.memref_slice %arg2[%dma_start3A_67, %dma_start3A_68] : memref<10240x128xf32, #tpu.memory_space<hbm>> -> memref<10240x128xf32, #tpu.memory_space<hbm>>
    tpu.enqueue_indirect_dma source(%dma_start3A_69 : memref<10240x128xf32, #tpu.memory_space<hbm>>) target(%arg11 : memref<128x128xf32, #tpu.memory_space<vmem>>) offsets(%arg7 : memref<128xi32, #tpu.memory_space<vmem>>) semaphore(%arg19 : memref<!tpu.dma_semaphore, #tpu.memory_space<semaphore_mem>>)
    %barrier3A = arith.constant 0 : index
    tpu.barrier barrier_id(%barrier3A)
    %sub3A = arith.constant 0 : i32
    %sub3A_70 = arith.subi %select_n3A_3, %sub3A : i32
    %sub3A_71 = arith.constant 2 : i32
    %sub3A_72 = arith.constant 1 : i32
    %sub3A_73 = arith.subi %sub3A_71, %sub3A_72 : i32
    %add3A_74 = arith.addi %sub3A_70, %sub3A_73 : i32
    %div3A = arith.constant 2 : i32
    %div3A_75 = arith.divsi %add3A_74, %div3A : i32
    %while3A = arith.constant 2 : i32
    %while3A_76 = arith.constant 0 : i32
    %while3A_77 = arith.constant 0 : i32
    %while3A_78 = arith.subi %div3A_75, %while3A_77 : i32
    %while3A_79 = arith.addi %while3A_77, %while3A_78 : i32
    %while3A_80 = arith.constant 1 : i32
    %while3A_81 = arith.divsi %while3A_78, %while3A_80 : i32
    %while3A_82 = arith.muli %while3A_81, %while3A_80 : i32
    %while3A_83 = arith.addi %while3A_77, %while3A_82 : i32
    %while3A_84 = arith.constant 1 : i32
    scf.for %while3A_90 = %while3A_77 to %while3A_83 step %while3A_84  : i32 {
      %mul3A_91 = arith.muli %while3A_90, %while3A : i32
      %add3A_92 = arith.addi %while3A_76, %mul3A_91 : i32
      %dma_wait3A_93 = arith.constant 0 : i32
      %dma_wait3A_94 = arith.constant 0 : i32
      %dma_wait3A_95 = tpu.memref_slice %arg2[%dma_wait3A_93, %dma_wait3A_94] : memref<10240x128xf32, #tpu.memory_space<hbm>> -> memref<10240x128xf32, #tpu.memory_space<hbm>>
      tpu.wait_indirect_dma semaphore(%arg18 : memref<!tpu.dma_semaphore, #tpu.memory_space<semaphore_mem>>) src(%dma_wait3A_95 : memref<10240x128xf32, #tpu.memory_space<hbm>>) dst(%arg10 : memref<128x128xf32, #tpu.memory_space<vmem>>)
      %add3A_96 = arith.constant 2 : i32
      %add3A_97 = arith.addi %add3A_92, %add3A_96 : i32
      %lt3A = arith.cmpi slt, %add3A_97, %select_n3A_3 : i32
      %convert_element_type3A = arith.extui %lt3A : i1 to i32
      %cond3A = arith.constant 0 : i32
      %cond3A_98 = arith.cmpi ne, %convert_element_type3A, %cond3A : i32
      scf.if %cond3A_98 {
        %add3A_132 = arith.addi %select_n3A_11, %add3A_92 : i32
        %add3A_133 = arith.constant 2 : i32
        %add3A_134 = arith.addi %add3A_132, %add3A_133 : i32
        %dma_start3A_135 = arith.constant 0 : i32
        %dma_start3A_136 = tpu.memref_slice %arg3[%add3A_134, %dma_start3A_135] : memref<2560x128xi32, #tpu.memory_space<hbm>> -> memref<1x128xi32, #tpu.memory_space<hbm>>
        %dma_start3A_137 = tpu.memref_squeeze %dma_start3A_136 : memref<1x128xi32, #tpu.memory_space<hbm>> -> memref<128xi32, #tpu.memory_space<hbm>>
        %dma_start3A_138 = arith.constant 0 : i32
        %dma_start3A_139 = tpu.memref_slice %arg3[%add3A_134, %dma_start3A_138] : memref<2560x128xi32, #tpu.memory_space<hbm>> -> memref<1x128xi32, #tpu.memory_space<hbm>>
        %dma_start3A_140 = tpu.memref_squeeze %dma_start3A_139 : memref<1x128xi32, #tpu.memory_space<hbm>> -> memref<128xi32, #tpu.memory_space<hbm>>
        tpu.enqueue_dma source(%dma_start3A_140 : memref<128xi32, #tpu.memory_space<hbm>>) target(%arg6 : memref<128xi32, #tpu.memory_space<vmem>>) target_semaphore(%arg14 : memref<!tpu.dma_semaphore, #tpu.memory_space<semaphore_mem>>)
      } else {
      }
      %dma_wait3A_99 = arith.constant 0 : i32
      %dma_wait3A_100 = tpu.memref_slice %arg4[%select_n3A_11, %dma_wait3A_99] : memref<2560x128xi32, #tpu.memory_space<hbm>> -> memref<1x128xi32, #tpu.memory_space<hbm>>
      %dma_wait3A_101 = tpu.memref_squeeze %dma_wait3A_100 : memref<1x128xi32, #tpu.memory_space<hbm>> -> memref<128xi32, #tpu.memory_space<hbm>>
      %dma_wait3A_102 = arith.constant 0 : i32
      %dma_wait3A_103 = tpu.memref_slice %arg4[%select_n3A_11, %dma_wait3A_102] : memref<2560x128xi32, #tpu.memory_space<hbm>> -> memref<1x128xi32, #tpu.memory_space<hbm>>
      %dma_wait3A_104 = tpu.memref_squeeze %dma_wait3A_103 : memref<1x128xi32, #tpu.memory_space<hbm>> -> memref<128xi32, #tpu.memory_space<hbm>>
      tpu.wait_dma2 semaphore(%arg16 : memref<!tpu.dma_semaphore, #tpu.memory_space<semaphore_mem>>) src(%dma_wait3A_104 : memref<128xi32, #tpu.memory_space<hbm>>) dst(%arg8 : memref<128xi32, #tpu.memory_space<vmem>>)
      "tpu.region"() ({
        %run_scoped3A = tpu.sem_alloc : memref<!tpu.dma_semaphore, #tpu.memory_space<semaphore_mem>>
        %dma_start3A_132 = arith.constant 0 : i32
        %dma_start3A_133 = arith.constant 0 : i32
        %dma_start3A_134 = tpu.memref_slice %arg13[%dma_start3A_132, %dma_start3A_133] : memref<10240x128xf32, #tpu.memory_space<vmem_shared>> -> memref<10240x128xf32, #tpu.memory_space<vmem_shared>>
        tpu.enqueue_indirect_dma source(%arg10 : memref<128x128xf32, #tpu.memory_space<vmem>>) target(%dma_start3A_134 : memref<10240x128xf32, #tpu.memory_space<vmem_shared>>) offsets(%arg8 : memref<128xi32, #tpu.memory_space<vmem>>) semaphore(%run_scoped3A : memref<!tpu.dma_semaphore, #tpu.memory_space<semaphore_mem>>) {add = true}
        %dma_wait3A_135 = arith.constant 0 : i32
        %dma_wait3A_136 = arith.constant 0 : i32
        %dma_wait3A_137 = tpu.memref_slice %arg13[%dma_wait3A_135, %dma_wait3A_136] : memref<10240x128xf32, #tpu.memory_space<vmem_shared>> -> memref<10240x128xf32, #tpu.memory_space<vmem_shared>>
        tpu.wait_indirect_dma semaphore(%run_scoped3A : memref<!tpu.dma_semaphore, #tpu.memory_space<semaphore_mem>>) src(%arg10 : memref<128x128xf32, #tpu.memory_space<vmem>>) dst(%dma_wait3A_137 : memref<10240x128xf32, #tpu.memory_space<vmem_shared>>)
        tpu.yield
      }) : () -> ()
      %add3A_105 = arith.constant 2 : i32
      %add3A_106 = arith.addi %add3A_92, %add3A_105 : i32
      %lt3A_107 = arith.cmpi slt, %add3A_106, %select_n3A_3 : i32
      %convert_element_type3A_108 = arith.extui %lt3A_107 : i1 to i32
      %cond3A_109 = arith.constant 0 : i32
      %cond3A_110 = arith.cmpi ne, %convert_element_type3A_108, %cond3A_109 : i32
      scf.if %cond3A_110 {
        %add3A_132 = arith.addi %select_n3A_11, %add3A_92 : i32
        %add3A_133 = arith.constant 2 : i32
        %add3A_134 = arith.addi %add3A_132, %add3A_133 : i32
        %dma_start3A_135 = arith.constant 0 : i32
        %dma_start3A_136 = tpu.memref_slice %arg4[%add3A_134, %dma_start3A_135] : memref<2560x128xi32, #tpu.memory_space<hbm>> -> memref<1x128xi32, #tpu.memory_space<hbm>>
        %dma_start3A_137 = tpu.memref_squeeze %dma_start3A_136 : memref<1x128xi32, #tpu.memory_space<hbm>> -> memref<128xi32, #tpu.memory_space<hbm>>
        %dma_start3A_138 = arith.constant 0 : i32
        %dma_start3A_139 = tpu.memref_slice %arg4[%add3A_134, %dma_start3A_138] : memref<2560x128xi32, #tpu.memory_space<hbm>> -> memref<1x128xi32, #tpu.memory_space<hbm>>
        %dma_start3A_140 = tpu.memref_squeeze %dma_start3A_139 : memref<1x128xi32, #tpu.memory_space<hbm>> -> memref<128xi32, #tpu.memory_space<hbm>>
        tpu.enqueue_dma source(%dma_start3A_140 : memref<128xi32, #tpu.memory_space<hbm>>) target(%arg8 : memref<128xi32, #tpu.memory_space<vmem>>) target_semaphore(%arg16 : memref<!tpu.dma_semaphore, #tpu.memory_space<semaphore_mem>>)
        %dma_wait3A_141 = arith.constant 0 : i32
        %dma_wait3A_142 = tpu.memref_slice %arg3[%select_n3A_11, %dma_wait3A_141] : memref<2560x128xi32, #tpu.memory_space<hbm>> -> memref<1x128xi32, #tpu.memory_space<hbm>>
        %dma_wait3A_143 = tpu.memref_squeeze %dma_wait3A_142 : memref<1x128xi32, #tpu.memory_space<hbm>> -> memref<128xi32, #tpu.memory_space<hbm>>
        %dma_wait3A_144 = arith.constant 0 : i32
        %dma_wait3A_145 = tpu.memref_slice %arg3[%select_n3A_11, %dma_wait3A_144] : memref<2560x128xi32, #tpu.memory_space<hbm>> -> memref<1x128xi32, #tpu.memory_space<hbm>>
        %dma_wait3A_146 = tpu.memref_squeeze %dma_wait3A_145 : memref<1x128xi32, #tpu.memory_space<hbm>> -> memref<128xi32, #tpu.memory_space<hbm>>
        tpu.wait_dma2 semaphore(%arg14 : memref<!tpu.dma_semaphore, #tpu.memory_space<semaphore_mem>>) src(%dma_wait3A_146 : memref<128xi32, #tpu.memory_space<hbm>>) dst(%arg6 : memref<128xi32, #tpu.memory_space<vmem>>)
        %dma_start3A_147 = arith.constant 0 : i32
        %dma_start3A_148 = arith.constant 0 : i32
        %dma_start3A_149 = tpu.memref_slice %arg2[%dma_start3A_147, %dma_start3A_148] : memref<10240x128xf32, #tpu.memory_space<hbm>> -> memref<10240x128xf32, #tpu.memory_space<hbm>>
        tpu.enqueue_indirect_dma source(%dma_start3A_149 : memref<10240x128xf32, #tpu.memory_space<hbm>>) target(%arg10 : memref<128x128xf32, #tpu.memory_space<vmem>>) offsets(%arg6 : memref<128xi32, #tpu.memory_space<vmem>>) semaphore(%arg18 : memref<!tpu.dma_semaphore, #tpu.memory_space<semaphore_mem>>)
      } else {
      }
      %dma_wait3A_111 = arith.constant 0 : i32
      %dma_wait3A_112 = arith.constant 0 : i32
      %dma_wait3A_113 = tpu.memref_slice %arg2[%dma_wait3A_111, %dma_wait3A_112] : memref<10240x128xf32, #tpu.memory_space<hbm>> -> memref<10240x128xf32, #tpu.memory_space<hbm>>
      tpu.wait_indirect_dma semaphore(%arg19 : memref<!tpu.dma_semaphore, #tpu.memory_space<semaphore_mem>>) src(%dma_wait3A_113 : memref<10240x128xf32, #tpu.memory_space<hbm>>) dst(%arg11 : memref<128x128xf32, #tpu.memory_space<vmem>>)
      %add3A_114 = arith.constant 3 : i32
      %add3A_115 = arith.addi %add3A_92, %add3A_114 : i32
      %lt3A_116 = arith.cmpi slt, %add3A_115, %select_n3A_3 : i32
      %convert_element_type3A_117 = arith.extui %lt3A_116 : i1 to i32
      %cond3A_118 = arith.constant 0 : i32
      %cond3A_119 = arith.cmpi ne, %convert_element_type3A_117, %cond3A_118 : i32
      scf.if %cond3A_119 {
        %add3A_132 = arith.addi %select_n3A_11, %add3A_92 : i32
        %add3A_133 = arith.constant 3 : i32
        %add3A_134 = arith.addi %add3A_132, %add3A_133 : i32
        %dma_start3A_135 = arith.constant 0 : i32
        %dma_start3A_136 = tpu.memref_slice %arg3[%add3A_134, %dma_start3A_135] : memref<2560x128xi32, #tpu.memory_space<hbm>> -> memref<1x128xi32, #tpu.memory_space<hbm>>
        %dma_start3A_137 = tpu.memref_squeeze %dma_start3A_136 : memref<1x128xi32, #tpu.memory_space<hbm>> -> memref<128xi32, #tpu.memory_space<hbm>>
        %dma_start3A_138 = arith.constant 0 : i32
        %dma_start3A_139 = tpu.memref_slice %arg3[%add3A_134, %dma_start3A_138] : memref<2560x128xi32, #tpu.memory_space<hbm>> -> memref<1x128xi32, #tpu.memory_space<hbm>>
        %dma_start3A_140 = tpu.memref_squeeze %dma_start3A_139 : memref<1x128xi32, #tpu.memory_space<hbm>> -> memref<128xi32, #tpu.memory_space<hbm>>
        tpu.enqueue_dma source(%dma_start3A_140 : memref<128xi32, #tpu.memory_space<hbm>>) target(%arg7 : memref<128xi32, #tpu.memory_space<vmem>>) target_semaphore(%arg15 : memref<!tpu.dma_semaphore, #tpu.memory_space<semaphore_mem>>)
      } else {
      }
      %dma_wait3A_120 = arith.constant 0 : i32
      %dma_wait3A_121 = tpu.memref_slice %arg4[%select_n3A_11, %dma_wait3A_120] : memref<2560x128xi32, #tpu.memory_space<hbm>> -> memref<1x128xi32, #tpu.memory_space<hbm>>
      %dma_wait3A_122 = tpu.memref_squeeze %dma_wait3A_121 : memref<1x128xi32, #tpu.memory_space<hbm>> -> memref<128xi32, #tpu.memory_space<hbm>>
      %dma_wait3A_123 = arith.constant 0 : i32
      %dma_wait3A_124 = tpu.memref_slice %arg4[%select_n3A_11, %dma_wait3A_123] : memref<2560x128xi32, #tpu.memory_space<hbm>> -> memref<1x128xi32, #tpu.memory_space<hbm>>
      %dma_wait3A_125 = tpu.memref_squeeze %dma_wait3A_124 : memref<1x128xi32, #tpu.memory_space<hbm>> -> memref<128xi32, #tpu.memory_space<hbm>>
      tpu.wait_dma2 semaphore(%arg17 : memref<!tpu.dma_semaphore, #tpu.memory_space<semaphore_mem>>) src(%dma_wait3A_125 : memref<128xi32, #tpu.memory_space<hbm>>) dst(%arg9 : memref<128xi32, #tpu.memory_space<vmem>>)
      "tpu.region"() ({
        %run_scoped3A = tpu.sem_alloc : memref<!tpu.dma_semaphore, #tpu.memory_space<semaphore_mem>>
        %dma_start3A_132 = arith.constant 0 : i32
        %dma_start3A_133 = arith.constant 0 : i32
        %dma_start3A_134 = tpu.memref_slice %arg13[%dma_start3A_132, %dma_start3A_133] : memref<10240x128xf32, #tpu.memory_space<vmem_shared>> -> memref<10240x128xf32, #tpu.memory_space<vmem_shared>>
        tpu.enqueue_indirect_dma source(%arg11 : memref<128x128xf32, #tpu.memory_space<vmem>>) target(%dma_start3A_134 : memref<10240x128xf32, #tpu.memory_space<vmem_shared>>) offsets(%arg9 : memref<128xi32, #tpu.memory_space<vmem>>) semaphore(%run_scoped3A : memref<!tpu.dma_semaphore, #tpu.memory_space<semaphore_mem>>) {add = true}
        %dma_wait3A_135 = arith.constant 0 : i32
        %dma_wait3A_136 = arith.constant 0 : i32
        %dma_wait3A_137 = tpu.memref_slice %arg13[%dma_wait3A_135, %dma_wait3A_136] : memref<10240x128xf32, #tpu.memory_space<vmem_shared>> -> memref<10240x128xf32, #tpu.memory_space<vmem_shared>>
        tpu.wait_indirect_dma semaphore(%run_scoped3A : memref<!tpu.dma_semaphore, #tpu.memory_space<semaphore_mem>>) src(%arg11 : memref<128x128xf32, #tpu.memory_space<vmem>>) dst(%dma_wait3A_137 : memref<10240x128xf32, #tpu.memory_space<vmem_shared>>)
        tpu.yield
      }) : () -> ()
      %add3A_126 = arith.constant 3 : i32
      %add3A_127 = arith.addi %add3A_92, %add3A_126 : i32
      %lt3A_128 = arith.cmpi slt, %add3A_127, %select_n3A_3 : i32
      %convert_element_type3A_129 = arith.extui %lt3A_128 : i1 to i32
      %cond3A_130 = arith.constant 0 : i32
      %cond3A_131 = arith.cmpi ne, %convert_element_type3A_129, %cond3A_130 : i32
      scf.if %cond3A_131 {
        %add3A_132 = arith.addi %select_n3A_11, %add3A_92 : i32
        %add3A_133 = arith.constant 3 : i32
        %add3A_134 = arith.addi %add3A_132, %add3A_133 : i32
        %dma_start3A_135 = arith.constant 0 : i32
        %dma_start3A_136 = tpu.memref_slice %arg4[%add3A_134, %dma_start3A_135] : memref<2560x128xi32, #tpu.memory_space<hbm>> -> memref<1x128xi32, #tpu.memory_space<hbm>>
        %dma_start3A_137 = tpu.memref_squeeze %dma_start3A_136 : memref<1x128xi32, #tpu.memory_space<hbm>> -> memref<128xi32, #tpu.memory_space<hbm>>
        %dma_start3A_138 = arith.constant 0 : i32
        %dma_start3A_139 = tpu.memref_slice %arg4[%add3A_134, %dma_start3A_138] : memref<2560x128xi32, #tpu.memory_space<hbm>> -> memref<1x128xi32, #tpu.memory_space<hbm>>
        %dma_start3A_140 = tpu.memref_squeeze %dma_start3A_139 : memref<1x128xi32, #tpu.memory_space<hbm>> -> memref<128xi32, #tpu.memory_space<hbm>>
        tpu.enqueue_dma source(%dma_start3A_140 : memref<128xi32, #tpu.memory_space<hbm>>) target(%arg9 : memref<128xi32, #tpu.memory_space<vmem>>) target_semaphore(%arg17 : memref<!tpu.dma_semaphore, #tpu.memory_space<semaphore_mem>>)
        %dma_wait3A_141 = arith.constant 0 : i32
        %dma_wait3A_142 = tpu.memref_slice %arg3[%select_n3A_11, %dma_wait3A_141] : memref<2560x128xi32, #tpu.memory_space<hbm>> -> memref<1x128xi32, #tpu.memory_space<hbm>>
        %dma_wait3A_143 = tpu.memref_squeeze %dma_wait3A_142 : memref<1x128xi32, #tpu.memory_space<hbm>> -> memref<128xi32, #tpu.memory_space<hbm>>
        %dma_wait3A_144 = arith.constant 0 : i32
        %dma_wait3A_145 = tpu.memref_slice %arg3[%select_n3A_11, %dma_wait3A_144] : memref<2560x128xi32, #tpu.memory_space<hbm>> -> memref<1x128xi32, #tpu.memory_space<hbm>>
        %dma_wait3A_146 = tpu.memref_squeeze %dma_wait3A_145 : memref<1x128xi32, #tpu.memory_space<hbm>> -> memref<128xi32, #tpu.memory_space<hbm>>
        tpu.wait_dma2 semaphore(%arg15 : memref<!tpu.dma_semaphore, #tpu.memory_space<semaphore_mem>>) src(%dma_wait3A_146 : memref<128xi32, #tpu.memory_space<hbm>>) dst(%arg7 : memref<128xi32, #tpu.memory_space<vmem>>)
        %dma_start3A_147 = arith.constant 0 : i32
        %dma_start3A_148 = arith.constant 0 : i32
        %dma_start3A_149 = tpu.memref_slice %arg2[%dma_start3A_147, %dma_start3A_148] : memref<10240x128xf32, #tpu.memory_space<hbm>> -> memref<10240x128xf32, #tpu.memory_space<hbm>>
        tpu.enqueue_indirect_dma source(%dma_start3A_149 : memref<10240x128xf32, #tpu.memory_space<hbm>>) target(%arg11 : memref<128x128xf32, #tpu.memory_space<vmem>>) offsets(%arg7 : memref<128xi32, #tpu.memory_space<vmem>>) semaphore(%arg19 : memref<!tpu.dma_semaphore, #tpu.memory_space<semaphore_mem>>)
      } else {
      }
    }
    %while3A_85 = arith.constant 1 : i32
    scf.for %while3A_90 = %while3A_83 to %while3A_79 step %while3A_85  : i32 {
      %mul3A_91 = arith.muli %while3A_90, %while3A : i32
      %add3A_92 = arith.addi %while3A_76, %mul3A_91 : i32
      %dma_wait3A_93 = arith.constant 0 : i32
      %dma_wait3A_94 = arith.constant 0 : i32
      %dma_wait3A_95 = tpu.memref_slice %arg2[%dma_wait3A_93, %dma_wait3A_94] : memref<10240x128xf32, #tpu.memory_space<hbm>> -> memref<10240x128xf32, #tpu.memory_space<hbm>>
      tpu.wait_indirect_dma semaphore(%arg18 : memref<!tpu.dma_semaphore, #tpu.memory_space<semaphore_mem>>) src(%dma_wait3A_95 : memref<10240x128xf32, #tpu.memory_space<hbm>>) dst(%arg10 : memref<128x128xf32, #tpu.memory_space<vmem>>)
      %add3A_96 = arith.constant 2 : i32
      %add3A_97 = arith.addi %add3A_92, %add3A_96 : i32
      %lt3A = arith.cmpi slt, %add3A_97, %select_n3A_3 : i32
      %convert_element_type3A = arith.extui %lt3A : i1 to i32
      %cond3A = arith.constant 0 : i32
      %cond3A_98 = arith.cmpi ne, %convert_element_type3A, %cond3A : i32
      scf.if %cond3A_98 {
        %add3A_132 = arith.addi %select_n3A_11, %add3A_92 : i32
        %add3A_133 = arith.constant 2 : i32
        %add3A_134 = arith.addi %add3A_132, %add3A_133 : i32
        %dma_start3A_135 = arith.constant 0 : i32
        %dma_start3A_136 = tpu.memref_slice %arg3[%add3A_134, %dma_start3A_135] : memref<2560x128xi32, #tpu.memory_space<hbm>> -> memref<1x128xi32, #tpu.memory_space<hbm>>
        %dma_start3A_137 = tpu.memref_squeeze %dma_start3A_136 : memref<1x128xi32, #tpu.memory_space<hbm>> -> memref<128xi32, #tpu.memory_space<hbm>>
        %dma_start3A_138 = arith.constant 0 : i32
        %dma_start3A_139 = tpu.memref_slice %arg3[%add3A_134, %dma_start3A_138] : memref<2560x128xi32, #tpu.memory_space<hbm>> -> memref<1x128xi32, #tpu.memory_space<hbm>>
        %dma_start3A_140 = tpu.memref_squeeze %dma_start3A_139 : memref<1x128xi32, #tpu.memory_space<hbm>> -> memref<128xi32, #tpu.memory_space<hbm>>
        tpu.enqueue_dma source(%dma_start3A_140 : memref<128xi32, #tpu.memory_space<hbm>>) target(%arg6 : memref<128xi32, #tpu.memory_space<vmem>>) target_semaphore(%arg14 : memref<!tpu.dma_semaphore, #tpu.memory_space<semaphore_mem>>)
      } else {
      }
      %dma_wait3A_99 = arith.constant 0 : i32
      %dma_wait3A_100 = tpu.memref_slice %arg4[%select_n3A_11, %dma_wait3A_99] : memref<2560x128xi32, #tpu.memory_space<hbm>> -> memref<1x128xi32, #tpu.memory_space<hbm>>
      %dma_wait3A_101 = tpu.memref_squeeze %dma_wait3A_100 : memref<1x128xi32, #tpu.memory_space<hbm>> -> memref<128xi32, #tpu.memory_space<hbm>>
      %dma_wait3A_102 = arith.constant 0 : i32
      %dma_wait3A_103 = tpu.memref_slice %arg4[%select_n3A_11, %dma_wait3A_102] : memref<2560x128xi32, #tpu.memory_space<hbm>> -> memref<1x128xi32, #tpu.memory_space<hbm>>
      %dma_wait3A_104 = tpu.memref_squeeze %dma_wait3A_103 : memref<1x128xi32, #tpu.memory_space<hbm>> -> memref<128xi32, #tpu.memory_space<hbm>>
      tpu.wait_dma2 semaphore(%arg16 : memref<!tpu.dma_semaphore, #tpu.memory_space<semaphore_mem>>) src(%dma_wait3A_104 : memref<128xi32, #tpu.memory_space<hbm>>) dst(%arg8 : memref<128xi32, #tpu.memory_space<vmem>>)
      "tpu.region"() ({
        %run_scoped3A = tpu.sem_alloc : memref<!tpu.dma_semaphore, #tpu.memory_space<semaphore_mem>>
        %dma_start3A_132 = arith.constant 0 : i32
        %dma_start3A_133 = arith.constant 0 : i32
        %dma_start3A_134 = tpu.memref_slice %arg13[%dma_start3A_132, %dma_start3A_133] : memref<10240x128xf32, #tpu.memory_space<vmem_shared>> -> memref<10240x128xf32, #tpu.memory_space<vmem_shared>>
        tpu.enqueue_indirect_dma source(%arg10 : memref<128x128xf32, #tpu.memory_space<vmem>>) target(%dma_start3A_134 : memref<10240x128xf32, #tpu.memory_space<vmem_shared>>) offsets(%arg8 : memref<128xi32, #tpu.memory_space<vmem>>) semaphore(%run_scoped3A : memref<!tpu.dma_semaphore, #tpu.memory_space<semaphore_mem>>) {add = true}
        %dma_wait3A_135 = arith.constant 0 : i32
        %dma_wait3A_136 = arith.constant 0 : i32
        %dma_wait3A_137 = tpu.memref_slice %arg13[%dma_wait3A_135, %dma_wait3A_136] : memref<10240x128xf32, #tpu.memory_space<vmem_shared>> -> memref<10240x128xf32, #tpu.memory_space<vmem_shared>>
        tpu.wait_indirect_dma semaphore(%run_scoped3A : memref<!tpu.dma_semaphore, #tpu.memory_space<semaphore_mem>>) src(%arg10 : memref<128x128xf32, #tpu.memory_space<vmem>>) dst(%dma_wait3A_137 : memref<10240x128xf32, #tpu.memory_space<vmem_shared>>)
        tpu.yield
      }) : () -> ()
      %add3A_105 = arith.constant 2 : i32
      %add3A_106 = arith.addi %add3A_92, %add3A_105 : i32
      %lt3A_107 = arith.cmpi slt, %add3A_106, %select_n3A_3 : i32
      %convert_element_type3A_108 = arith.extui %lt3A_107 : i1 to i32
      %cond3A_109 = arith.constant 0 : i32
      %cond3A_110 = arith.cmpi ne, %convert_element_type3A_108, %cond3A_109 : i32
      scf.if %cond3A_110 {
        %add3A_132 = arith.addi %select_n3A_11, %add3A_92 : i32
        %add3A_133 = arith.constant 2 : i32
        %add3A_134 = arith.addi %add3A_132, %add3A_133 : i32
        %dma_start3A_135 = arith.constant 0 : i32
        %dma_start3A_136 = tpu.memref_slice %arg4[%add3A_134, %dma_start3A_135] : memref<2560x128xi32, #tpu.memory_space<hbm>> -> memref<1x128xi32, #tpu.memory_space<hbm>>
        %dma_start3A_137 = tpu.memref_squeeze %dma_start3A_136 : memref<1x128xi32, #tpu.memory_space<hbm>> -> memref<128xi32, #tpu.memory_space<hbm>>
        %dma_start3A_138 = arith.constant 0 : i32
        %dma_start3A_139 = tpu.memref_slice %arg4[%add3A_134, %dma_start3A_138] : memref<2560x128xi32, #tpu.memory_space<hbm>> -> memref<1x128xi32, #tpu.memory_space<hbm>>
        %dma_start3A_140 = tpu.memref_squeeze %dma_start3A_139 : memref<1x128xi32, #tpu.memory_space<hbm>> -> memref<128xi32, #tpu.memory_space<hbm>>
        tpu.enqueue_dma source(%dma_start3A_140 : memref<128xi32, #tpu.memory_space<hbm>>) target(%arg8 : memref<128xi32, #tpu.memory_space<vmem>>) target_semaphore(%arg16 : memref<!tpu.dma_semaphore, #tpu.memory_space<semaphore_mem>>)
        %dma_wait3A_141 = arith.constant 0 : i32
        %dma_wait3A_142 = tpu.memref_slice %arg3[%select_n3A_11, %dma_wait3A_141] : memref<2560x128xi32, #tpu.memory_space<hbm>> -> memref<1x128xi32, #tpu.memory_space<hbm>>
        %dma_wait3A_143 = tpu.memref_squeeze %dma_wait3A_142 : memref<1x128xi32, #tpu.memory_space<hbm>> -> memref<128xi32, #tpu.memory_space<hbm>>
        %dma_wait3A_144 = arith.constant 0 : i32
        %dma_wait3A_145 = tpu.memref_slice %arg3[%select_n3A_11, %dma_wait3A_144] : memref<2560x128xi32, #tpu.memory_space<hbm>> -> memref<1x128xi32, #tpu.memory_space<hbm>>
        %dma_wait3A_146 = tpu.memref_squeeze %dma_wait3A_145 : memref<1x128xi32, #tpu.memory_space<hbm>> -> memref<128xi32, #tpu.memory_space<hbm>>
        tpu.wait_dma2 semaphore(%arg14 : memref<!tpu.dma_semaphore, #tpu.memory_space<semaphore_mem>>) src(%dma_wait3A_146 : memref<128xi32, #tpu.memory_space<hbm>>) dst(%arg6 : memref<128xi32, #tpu.memory_space<vmem>>)
        %dma_start3A_147 = arith.constant 0 : i32
        %dma_start3A_148 = arith.constant 0 : i32
        %dma_start3A_149 = tpu.memref_slice %arg2[%dma_start3A_147, %dma_start3A_148] : memref<10240x128xf32, #tpu.memory_space<hbm>> -> memref<10240x128xf32, #tpu.memory_space<hbm>>
        tpu.enqueue_indirect_dma source(%dma_start3A_149 : memref<10240x128xf32, #tpu.memory_space<hbm>>) target(%arg10 : memref<128x128xf32, #tpu.memory_space<vmem>>) offsets(%arg6 : memref<128xi32, #tpu.memory_space<vmem>>) semaphore(%arg18 : memref<!tpu.dma_semaphore, #tpu.memory_space<semaphore_mem>>)
      } else {
      }
      %dma_wait3A_111 = arith.constant 0 : i32
      %dma_wait3A_112 = arith.constant 0 : i32
      %dma_wait3A_113 = tpu.memref_slice %arg2[%dma_wait3A_111, %dma_wait3A_112] : memref<10240x128xf32, #tpu.memory_space<hbm>> -> memref<10240x128xf32, #tpu.memory_space<hbm>>
      tpu.wait_indirect_dma semaphore(%arg19 : memref<!tpu.dma_semaphore, #tpu.memory_space<semaphore_mem>>) src(%dma_wait3A_113 : memref<10240x128xf32, #tpu.memory_space<hbm>>) dst(%arg11 : memref<128x128xf32, #tpu.memory_space<vmem>>)
      %add3A_114 = arith.constant 3 : i32
      %add3A_115 = arith.addi %add3A_92, %add3A_114 : i32
      %lt3A_116 = arith.cmpi slt, %add3A_115, %select_n3A_3 : i32
      %convert_element_type3A_117 = arith.extui %lt3A_116 : i1 to i32
      %cond3A_118 = arith.constant 0 : i32
      %cond3A_119 = arith.cmpi ne, %convert_element_type3A_117, %cond3A_118 : i32
      scf.if %cond3A_119 {
        %add3A_132 = arith.addi %select_n3A_11, %add3A_92 : i32
        %add3A_133 = arith.constant 3 : i32
        %add3A_134 = arith.addi %add3A_132, %add3A_133 : i32
        %dma_start3A_135 = arith.constant 0 : i32
        %dma_start3A_136 = tpu.memref_slice %arg3[%add3A_134, %dma_start3A_135] : memref<2560x128xi32, #tpu.memory_space<hbm>> -> memref<1x128xi32, #tpu.memory_space<hbm>>
        %dma_start3A_137 = tpu.memref_squeeze %dma_start3A_136 : memref<1x128xi32, #tpu.memory_space<hbm>> -> memref<128xi32, #tpu.memory_space<hbm>>
        %dma_start3A_138 = arith.constant 0 : i32
        %dma_start3A_139 = tpu.memref_slice %arg3[%add3A_134, %dma_start3A_138] : memref<2560x128xi32, #tpu.memory_space<hbm>> -> memref<1x128xi32, #tpu.memory_space<hbm>>
        %dma_start3A_140 = tpu.memref_squeeze %dma_start3A_139 : memref<1x128xi32, #tpu.memory_space<hbm>> -> memref<128xi32, #tpu.memory_space<hbm>>
        tpu.enqueue_dma source(%dma_start3A_140 : memref<128xi32, #tpu.memory_space<hbm>>) target(%arg7 : memref<128xi32, #tpu.memory_space<vmem>>) target_semaphore(%arg15 : memref<!tpu.dma_semaphore, #tpu.memory_space<semaphore_mem>>)
      } else {
      }
      %dma_wait3A_120 = arith.constant 0 : i32
      %dma_wait3A_121 = tpu.memref_slice %arg4[%select_n3A_11, %dma_wait3A_120] : memref<2560x128xi32, #tpu.memory_space<hbm>> -> memref<1x128xi32, #tpu.memory_space<hbm>>
      %dma_wait3A_122 = tpu.memref_squeeze %dma_wait3A_121 : memref<1x128xi32, #tpu.memory_space<hbm>> -> memref<128xi32, #tpu.memory_space<hbm>>
      %dma_wait3A_123 = arith.constant 0 : i32
      %dma_wait3A_124 = tpu.memref_slice %arg4[%select_n3A_11, %dma_wait3A_123] : memref<2560x128xi32, #tpu.memory_space<hbm>> -> memref<1x128xi32, #tpu.memory_space<hbm>>
      %dma_wait3A_125 = tpu.memref_squeeze %dma_wait3A_124 : memref<1x128xi32, #tpu.memory_space<hbm>> -> memref<128xi32, #tpu.memory_space<hbm>>
      tpu.wait_dma2 semaphore(%arg17 : memref<!tpu.dma_semaphore, #tpu.memory_space<semaphore_mem>>) src(%dma_wait3A_125 : memref<128xi32, #tpu.memory_space<hbm>>) dst(%arg9 : memref<128xi32, #tpu.memory_space<vmem>>)
      "tpu.region"() ({
        %run_scoped3A = tpu.sem_alloc : memref<!tpu.dma_semaphore, #tpu.memory_space<semaphore_mem>>
        %dma_start3A_132 = arith.constant 0 : i32
        %dma_start3A_133 = arith.constant 0 : i32
        %dma_start3A_134 = tpu.memref_slice %arg13[%dma_start3A_132, %dma_start3A_133] : memref<10240x128xf32, #tpu.memory_space<vmem_shared>> -> memref<10240x128xf32, #tpu.memory_space<vmem_shared>>
        tpu.enqueue_indirect_dma source(%arg11 : memref<128x128xf32, #tpu.memory_space<vmem>>) target(%dma_start3A_134 : memref<10240x128xf32, #tpu.memory_space<vmem_shared>>) offsets(%arg9 : memref<128xi32, #tpu.memory_space<vmem>>) semaphore(%run_scoped3A : memref<!tpu.dma_semaphore, #tpu.memory_space<semaphore_mem>>) {add = true}
        %dma_wait3A_135 = arith.constant 0 : i32
        %dma_wait3A_136 = arith.constant 0 : i32
        %dma_wait3A_137 = tpu.memref_slice %arg13[%dma_wait3A_135, %dma_wait3A_136] : memref<10240x128xf32, #tpu.memory_space<vmem_shared>> -> memref<10240x128xf32, #tpu.memory_space<vmem_shared>>
        tpu.wait_indirect_dma semaphore(%run_scoped3A : memref<!tpu.dma_semaphore, #tpu.memory_space<semaphore_mem>>) src(%arg11 : memref<128x128xf32, #tpu.memory_space<vmem>>) dst(%dma_wait3A_137 : memref<10240x128xf32, #tpu.memory_space<vmem_shared>>)
        tpu.yield
      }) : () -> ()
      %add3A_126 = arith.constant 3 : i32
      %add3A_127 = arith.addi %add3A_92, %add3A_126 : i32
      %lt3A_128 = arith.cmpi slt, %add3A_127, %select_n3A_3 : i32
      %convert_element_type3A_129 = arith.extui %lt3A_128 : i1 to i32
      %cond3A_130 = arith.constant 0 : i32
      %cond3A_131 = arith.cmpi ne, %convert_element_type3A_129, %cond3A_130 : i32
      scf.if %cond3A_131 {
        %add3A_132 = arith.addi %select_n3A_11, %add3A_92 : i32
        %add3A_133 = arith.constant 3 : i32
        %add3A_134 = arith.addi %add3A_132, %add3A_133 : i32
        %dma_start3A_135 = arith.constant 0 : i32
        %dma_start3A_136 = tpu.memref_slice %arg4[%add3A_134, %dma_start3A_135] : memref<2560x128xi32, #tpu.memory_space<hbm>> -> memref<1x128xi32, #tpu.memory_space<hbm>>
        %dma_start3A_137 = tpu.memref_squeeze %dma_start3A_136 : memref<1x128xi32, #tpu.memory_space<hbm>> -> memref<128xi32, #tpu.memory_space<hbm>>
        %dma_start3A_138 = arith.constant 0 : i32
        %dma_start3A_139 = tpu.memref_slice %arg4[%add3A_134, %dma_start3A_138] : memref<2560x128xi32, #tpu.memory_space<hbm>> -> memref<1x128xi32, #tpu.memory_space<hbm>>
        %dma_start3A_140 = tpu.memref_squeeze %dma_start3A_139 : memref<1x128xi32, #tpu.memory_space<hbm>> -> memref<128xi32, #tpu.memory_space<hbm>>
        tpu.enqueue_dma source(%dma_start3A_140 : memref<128xi32, #tpu.memory_space<hbm>>) target(%arg9 : memref<128xi32, #tpu.memory_space<vmem>>) target_semaphore(%arg17 : memref<!tpu.dma_semaphore, #tpu.memory_space<semaphore_mem>>)
        %dma_wait3A_141 = arith.constant 0 : i32
        %dma_wait3A_142 = tpu.memref_slice %arg3[%select_n3A_11, %dma_wait3A_141] : memref<2560x128xi32, #tpu.memory_space<hbm>> -> memref<1x128xi32, #tpu.memory_space<hbm>>
        %dma_wait3A_143 = tpu.memref_squeeze %dma_wait3A_142 : memref<1x128xi32, #tpu.memory_space<hbm>> -> memref<128xi32, #tpu.memory_space<hbm>>
        %dma_wait3A_144 = arith.constant 0 : i32
        %dma_wait3A_145 = tpu.memref_slice %arg3[%select_n3A_11, %dma_wait3A_144] : memref<2560x128xi32, #tpu.memory_space<hbm>> -> memref<1x128xi32, #tpu.memory_space<hbm>>
        %dma_wait3A_146 = tpu.memref_squeeze %dma_wait3A_145 : memref<1x128xi32, #tpu.memory_space<hbm>> -> memref<128xi32, #tpu.memory_space<hbm>>
        tpu.wait_dma2 semaphore(%arg15 : memref<!tpu.dma_semaphore, #tpu.memory_space<semaphore_mem>>) src(%dma_wait3A_146 : memref<128xi32, #tpu.memory_space<hbm>>) dst(%arg7 : memref<128xi32, #tpu.memory_space<vmem>>)
        %dma_start3A_147 = arith.constant 0 : i32
        %dma_start3A_148 = arith.constant 0 : i32
        %dma_start3A_149 = tpu.memref_slice %arg2[%dma_start3A_147, %dma_start3A_148] : memref<10240x128xf32, #tpu.memory_space<hbm>> -> memref<10240x128xf32, #tpu.memory_space<hbm>>
        tpu.enqueue_indirect_dma source(%dma_start3A_149 : memref<10240x128xf32, #tpu.memory_space<hbm>>) target(%arg11 : memref<128x128xf32, #tpu.memory_space<vmem>>) offsets(%arg7 : memref<128xi32, #tpu.memory_space<vmem>>) semaphore(%arg19 : memref<!tpu.dma_semaphore, #tpu.memory_space<semaphore_mem>>)
      } else {
      }
    }
    %barrier3A_86 = arith.constant 0 : index
    tpu.barrier barrier_id(%barrier3A_86)
    %mul3A_87 = arith.constant 10240 : i32
    %mul3A_88 = arith.muli %arg0, %mul3A_87 : i32
    %add3A_89 = arith.addi %mul3A_88, %mul3A_0 : i32
    "tpu.region"() ({
      %run_scoped3A = tpu.sem_alloc : memref<!tpu.dma_semaphore, #tpu.memory_space<semaphore_mem>>
      %dma_start3A_90 = arith.constant 0 : i32
      %dma_start3A_91 = tpu.memref_slice %arg5[%add3A_89, %dma_start3A_90] : memref<20480x128xf32, #tpu.memory_space<hbm>> -> memref<640x128xf32, #tpu.memory_space<hbm>>
      %dma_start3A_92 = arith.constant 0 : i32
      %dma_start3A_93 = tpu.memref_slice %arg13[%mul3A_0, %dma_start3A_92] : memref<10240x128xf32, #tpu.memory_space<vmem_shared>> -> memref<640x128xf32, #tpu.memory_space<vmem_shared>>
      tpu.enqueue_dma source(%dma_start3A_93 : memref<640x128xf32, #tpu.memory_space<vmem_shared>>) target(%dma_start3A_91 : memref<640x128xf32, #tpu.memory_space<hbm>>) target_semaphore(%run_scoped3A : memref<!tpu.dma_semaphore, #tpu.memory_space<semaphore_mem>>)
      %dma_wait3A_94 = arith.constant 0 : i32
      %dma_wait3A_95 = tpu.memref_slice %arg5[%add3A_89, %dma_wait3A_94] : memref<20480x128xf32, #tpu.memory_space<hbm>> -> memref<640x128xf32, #tpu.memory_space<hbm>>
      %dma_wait3A_96 = arith.constant 0 : i32
      %dma_wait3A_97 = tpu.memref_slice %arg13[%mul3A_0, %dma_wait3A_96] : memref<10240x128xf32, #tpu.memory_space<vmem_shared>> -> memref<640x128xf32, #tpu.memory_space<vmem_shared>>
      tpu.wait_dma2 semaphore(%run_scoped3A : memref<!tpu.dma_semaphore, #tpu.memory_space<semaphore_mem>>) src(%dma_wait3A_97 : memref<640x128xf32, #tpu.memory_space<vmem_shared>>) dst(%dma_wait3A_95 : memref<640x128xf32, #tpu.memory_space<hbm>>)
      tpu.yield
    }) : () -> ()
    return
  }
}

module attributes {stable_mosaic.version = 14 : i64} {
  func.func @_tc_mm1_body(%arg0: i32, %arg1: memref<2048x128xf32, #tpu.memory_space<vmem>>, %arg2: memref<128x128xf32, #tpu.memory_space<vmem>>, %arg3: memref<2048x128xf32, #tpu.memory_space<vmem>>) attributes {dimension_semantics = [#tpu.dimension_semantics<arbitrary>], iteration_bounds = array<i64: 5>, scalar_prefetch = 0 : i64, scratch_operands = 0 : i64, tpu.core_type = #tpu.core_type<tc>, window_params = [{transform_indices = @transform_0, window_bounds = array<i64: 2048, 128>}, {pipeline_mode = #tpu.pipeline_mode<synchronous>, transform_indices = @transform_1, window_bounds = array<i64: 128, 128>}, {transform_indices = @transform_2, window_bounds = array<i64: 2048, 128>}]} {
    %get3A = arith.constant 0 : index
    %get3A_0 = arith.constant 0 : index
    %get3A_1 = vector.load %arg1[%get3A, %get3A_0] : memref<2048x128xf32, #tpu.memory_space<vmem>>, vector<2048x128xf32>
    %get3A_2 = arith.constant 0 : index
    %get3A_3 = arith.constant 0 : index
    %get3A_4 = vector.load %arg2[%get3A_2, %get3A_3] : memref<128x128xf32, #tpu.memory_space<vmem>>, vector<128x128xf32>
    %dot_general3A = arith.constant dense<0.000000e+00> : vector<2048x128xf32>
    %dot_general3A_5 = tpu.matmul %get3A_1, %get3A_4, %dot_general3A {dimension_numbers = #tpu.dot_dimension_numbers<[1], [0], [0], [1], [0, 0, 1, 1], [], []>, transpose_lhs_hint = false} : vector<2048x128xf32>, vector<128x128xf32>, vector<2048x128xf32> -> vector<2048x128xf32>
    %swap3A = arith.constant 0 : index
    %swap3A_6 = arith.constant 0 : index
    %swap3A_7 = vector.load %arg3[%swap3A, %swap3A_6] : memref<2048x128xf32, #tpu.memory_space<vmem>>, vector<2048x128xf32>
    tpu.vector_store %arg3[%swap3A, %swap3A_6], %dot_general3A_5 {strides = array<i32>} : memref<2048x128xf32, #tpu.memory_space<vmem>>, vector<2048x128xf32>,
    return
  }
  func.func @transform_0(%arg0: i32) -> (i32, i32) {
    %add3A = arith.constant 0 : i32
    %add3A_0 = arith.addi %arg0, %add3A : i32
    %c0_i32 = arith.constant 0 : i32
    %c0_i32_1 = arith.constant 0 : i32
    return %add3A_0, %c0_i32 : i32, i32
  }
  func.func @transform_1(%arg0: i32) -> (i32, i32) {
    %c0_i32 = arith.constant 0 : i32
    %c0_i32_0 = arith.constant 0 : i32
    %c0_i32_1 = arith.constant 0 : i32
    return %c0_i32, %c0_i32_0 : i32, i32
  }
  func.func @transform_2(%arg0: i32) -> (i32, i32) {
    %add3A = arith.constant 0 : i32
    %add3A_0 = arith.addi %arg0, %add3A : i32
    %c0_i32 = arith.constant 0 : i32
    %c0_i32_1 = arith.constant 0 : i32
    return %add3A_0, %c0_i32 : i32, i32
  }
}

module attributes {stable_mosaic.version = 14 : i64} {
  func.func @_tc_scale1_body(%arg0: i32, %arg1: memref<2048x128xf32, #tpu.memory_space<vmem>>, %arg2: memref<2048x128xf32, #tpu.memory_space<vmem>>, %arg3: memref<2048x128xf32, #tpu.memory_space<vmem>>, %arg4: memref<2048x128xf32, #tpu.memory_space<vmem>>, %arg5: memref<2048x128xf32, #tpu.memory_space<vmem>>) attributes {dimension_semantics = [#tpu.dimension_semantics<arbitrary>], iteration_bounds = array<i64: 5>, scalar_prefetch = 0 : i64, scratch_operands = 0 : i64, tpu.core_type = #tpu.core_type<tc>, window_params = [{transform_indices = @transform_0, window_bounds = array<i64: 2048, 128>}, {transform_indices = @transform_1, window_bounds = array<i64: 2048, 128>}, {transform_indices = @transform_2, window_bounds = array<i64: 2048, 128>}, {transform_indices = @transform_3, window_bounds = array<i64: 2048, 128>}, {transform_indices = @transform_4, window_bounds = array<i64: 2048, 128>}]} {
    %get3A = arith.constant 0 : index
    %get3A_0 = arith.constant 0 : index
    %get3A_1 = vector.load %arg1[%get3A, %get3A_0] : memref<2048x128xf32, #tpu.memory_space<vmem>>, vector<2048x128xf32>
    %get3A_2 = arith.constant 0 : index
    %get3A_3 = arith.constant 0 : index
    %get3A_4 = vector.load %arg2[%get3A_2, %get3A_3] : memref<2048x128xf32, #tpu.memory_space<vmem>>, vector<2048x128xf32>
    %add3A = arith.addf %get3A_1, %get3A_4 : vector<2048x128xf32>
    %add3A_5 = arith.constant 1.000000e+00 : f32
    %add3A_6 = vector.broadcast %add3A_5 : f32 to vector<2048x128xf32>
    %add3A_7 = arith.addf %add3A, %add3A_6 : vector<2048x128xf32>
    %rsqrt3A = math.rsqrt %add3A_7 : vector<2048x128xf32>
    %swap3A = arith.constant 0 : index
    %swap3A_8 = arith.constant 0 : index
    %swap3A_9 = vector.load %arg4[%swap3A, %swap3A_8] : memref<2048x128xf32, #tpu.memory_space<vmem>>, vector<2048x128xf32>
    tpu.vector_store %arg4[%swap3A, %swap3A_8], %rsqrt3A {strides = array<i32>} : memref<2048x128xf32, #tpu.memory_space<vmem>>, vector<2048x128xf32>,
    %get3A_10 = arith.constant 0 : index
    %get3A_11 = arith.constant 0 : index
    %get3A_12 = vector.load %arg3[%get3A_10, %get3A_11] : memref<2048x128xf32, #tpu.memory_space<vmem>>, vector<2048x128xf32>
    %mul3A = arith.mulf %rsqrt3A, %get3A_12 : vector<2048x128xf32>
    %swap3A_13 = arith.constant 0 : index
    %swap3A_14 = arith.constant 0 : index
    %swap3A_15 = vector.load %arg5[%swap3A_13, %swap3A_14] : memref<2048x128xf32, #tpu.memory_space<vmem>>, vector<2048x128xf32>
    tpu.vector_store %arg5[%swap3A_13, %swap3A_14], %mul3A {strides = array<i32>} : memref<2048x128xf32, #tpu.memory_space<vmem>>, vector<2048x128xf32>,
    return
  }
  func.func @transform_0(%arg0: i32) -> (i32, i32) {
    %add3A = arith.constant 0 : i32
    %add3A_0 = arith.addi %arg0, %add3A : i32
    %c0_i32 = arith.constant 0 : i32
    %c0_i32_1 = arith.constant 0 : i32
    return %add3A_0, %c0_i32 : i32, i32
  }
  func.func @transform_1(%arg0: i32) -> (i32, i32) {
    %add3A = arith.constant 5 : i32
    %add3A_0 = arith.addi %arg0, %add3A : i32
    %c0_i32 = arith.constant 0 : i32
    %c0_i32_1 = arith.constant 0 : i32
    return %add3A_0, %c0_i32 : i32, i32
  }
  func.func @transform_2(%arg0: i32) -> (i32, i32) {
    %add3A = arith.constant 0 : i32
    %add3A_0 = arith.addi %arg0, %add3A : i32
    %c0_i32 = arith.constant 0 : i32
    %c0_i32_1 = arith.constant 0 : i32
    return %add3A_0, %c0_i32 : i32, i32
  }
  func.func @transform_3(%arg0: i32) -> (i32, i32) {
    %add3A = arith.constant 0 : i32
    %add3A_0 = arith.addi %arg0, %add3A : i32
    %c0_i32 = arith.constant 0 : i32
    %c0_i32_1 = arith.constant 0 : i32
    return %add3A_0, %c0_i32 : i32, i32
  }
  func.func @transform_4(%arg0: i32) -> (i32, i32) {
    %add3A = arith.constant 0 : i32
    %add3A_0 = arith.addi %arg0, %add3A : i32
    %c0_i32 = arith.constant 0 : i32
    %c0_i32_1 = arith.constant 0 : i32
    return %add3A_0, %c0_i32 : i32, i32
  }
}

module attributes {stable_mosaic.version = 14 : i64} {
  func.func @_tc_mid_body(%arg0: i32, %arg1: memref<2048x128xf32, #tpu.memory_space<vmem>>, %arg2: memref<2048x128xf32, #tpu.memory_space<vmem>>, %arg3: memref<2048x128xf32, #tpu.memory_space<vmem>>, %arg4: memref<2048x128xf32, #tpu.memory_space<vmem>>, %arg5: memref<1x128xf32, #tpu.memory_space<vmem>>, %arg6: memref<2048x128xf32, #tpu.memory_space<vmem>>, %arg7: memref<2048x128xf32, #tpu.memory_space<vmem>>) attributes {dimension_semantics = [#tpu.dimension_semantics<arbitrary>], iteration_bounds = array<i64: 5>, scalar_prefetch = 0 : i64, scratch_operands = 0 : i64, tpu.core_type = #tpu.core_type<tc>, window_params = [{transform_indices = @transform_0, window_bounds = array<i64: 2048, 128>}, {transform_indices = @transform_1, window_bounds = array<i64: 2048, 128>}, {transform_indices = @transform_2, window_bounds = array<i64: 2048, 128>}, {transform_indices = @transform_3, window_bounds = array<i64: 2048, 128>}, {pipeline_mode = #tpu.pipeline_mode<synchronous>, transform_indices = @transform_4, window_bounds = array<i64: 1, 128>}, {transform_indices = @transform_5, window_bounds = array<i64: 2048, 128>}, {transform_indices = @transform_6, window_bounds = array<i64: 2048, 128>}]} {
    %get3A = arith.constant 0 : index
    %get3A_0 = arith.constant 0 : index
    %get3A_1 = vector.load %arg3[%get3A, %get3A_0] : memref<2048x128xf32, #tpu.memory_space<vmem>>, vector<2048x128xf32>
    %get3A_2 = arith.constant 0 : index
    %get3A_3 = arith.constant 0 : index
    %get3A_4 = vector.load %arg1[%get3A_2, %get3A_3] : memref<2048x128xf32, #tpu.memory_space<vmem>>, vector<2048x128xf32>
    %get3A_5 = arith.constant 0 : index
    %get3A_6 = arith.constant 0 : index
    %get3A_7 = vector.load %arg2[%get3A_5, %get3A_6] : memref<2048x128xf32, #tpu.memory_space<vmem>>, vector<2048x128xf32>
    %add3A = arith.addf %get3A_4, %get3A_7 : vector<2048x128xf32>
    %mul3A = arith.mulf %get3A_1, %add3A : vector<2048x128xf32>
    %mul3A_8 = arith.mulf %get3A_1, %get3A_1 : vector<2048x128xf32>
    %get3A_9 = arith.constant 0 : index
    %get3A_10 = arith.constant 0 : index
    %get3A_11 = vector.load %arg4[%get3A_9, %get3A_10] : memref<2048x128xf32, #tpu.memory_space<vmem>>, vector<2048x128xf32>
    %mul3A_12 = arith.mulf %mul3A_8, %get3A_11 : vector<2048x128xf32>
    %add3A_13 = arith.addf %mul3A, %mul3A_12 : vector<2048x128xf32>
    %get3A_14 = arith.constant 0 : index
    %get3A_15 = arith.constant 0 : index
    %get3A_16 = vector.load %arg5[%get3A_14, %get3A_15] : memref<1x128xf32, #tpu.memory_space<vmem>>, vector<1x128xf32>
    %add3A_17 = vector.broadcast %get3A_16 : vector<1x128xf32> to vector<2048x128xf32>
    %add3A_18 = arith.addf %add3A_13, %add3A_17 : vector<2048x128xf32>
    %max3A = arith.constant 0.000000e+00 : f32
    %max3A_19 = vector.broadcast %max3A : f32 to vector<2048x128xf32>
    %max3A_20 = arith.maximumf %add3A_18, %max3A_19 : vector<2048x128xf32>
    %swap3A = arith.constant 0 : index
    %swap3A_21 = arith.constant 0 : index
    %swap3A_22 = vector.load %arg6[%swap3A, %swap3A_21] : memref<2048x128xf32, #tpu.memory_space<vmem>>, vector<2048x128xf32>
    tpu.vector_store %arg6[%swap3A, %swap3A_21], %max3A_20 {strides = array<i32>} : memref<2048x128xf32, #tpu.memory_space<vmem>>, vector<2048x128xf32>,
    %mul3A_23 = arith.mulf %get3A_1, %max3A_20 : vector<2048x128xf32>
    %swap3A_24 = arith.constant 0 : index
    %swap3A_25 = arith.constant 0 : index
    %swap3A_26 = vector.load %arg7[%swap3A_24, %swap3A_25] : memref<2048x128xf32, #tpu.memory_space<vmem>>, vector<2048x128xf32>
    tpu.vector_store %arg7[%swap3A_24, %swap3A_25], %mul3A_23 {strides = array<i32>} : memref<2048x128xf32, #tpu.memory_space<vmem>>, vector<2048x128xf32>,
    return
  }
  func.func @transform_0(%arg0: i32) -> (i32, i32) {
    %add3A = arith.constant 0 : i32
    %add3A_0 = arith.addi %arg0, %add3A : i32
    %c0_i32 = arith.constant 0 : i32
    %c0_i32_1 = arith.constant 0 : i32
    return %add3A_0, %c0_i32 : i32, i32
  }
  func.func @transform_1(%arg0: i32) -> (i32, i32) {
    %add3A = arith.constant 5 : i32
    %add3A_0 = arith.addi %arg0, %add3A : i32
    %c0_i32 = arith.constant 0 : i32
    %c0_i32_1 = arith.constant 0 : i32
    return %add3A_0, %c0_i32 : i32, i32
  }
  func.func @transform_2(%arg0: i32) -> (i32, i32) {
    %add3A = arith.constant 0 : i32
    %add3A_0 = arith.addi %arg0, %add3A : i32
    %c0_i32 = arith.constant 0 : i32
    %c0_i32_1 = arith.constant 0 : i32
    return %add3A_0, %c0_i32 : i32, i32
  }
  func.func @transform_3(%arg0: i32) -> (i32, i32) {
    %add3A = arith.constant 0 : i32
    %add3A_0 = arith.addi %arg0, %add3A : i32
    %c0_i32 = arith.constant 0 : i32
    %c0_i32_1 = arith.constant 0 : i32
    return %add3A_0, %c0_i32 : i32, i32
  }
  func.func @transform_4(%arg0: i32) -> (i32, i32) {
    %c0_i32 = arith.constant 0 : i32
    %c0_i32_0 = arith.constant 0 : i32
    %c0_i32_1 = arith.constant 0 : i32
    return %c0_i32, %c0_i32_0 : i32, i32
  }
  func.func @transform_5(%arg0: i32) -> (i32, i32) {
    %add3A = arith.constant 0 : i32
    %add3A_0 = arith.addi %arg0, %add3A : i32
    %c0_i32 = arith.constant 0 : i32
    %c0_i32_1 = arith.constant 0 : i32
    return %add3A_0, %c0_i32 : i32, i32
  }
  func.func @transform_6(%arg0: i32) -> (i32, i32) {
    %add3A = arith.constant 0 : i32
    %add3A_0 = arith.addi %arg0, %add3A : i32
    %c0_i32 = arith.constant 0 : i32
    %c0_i32_1 = arith.constant 0 : i32
    return %add3A_0, %c0_i32 : i32, i32
  }
}

module attributes {stable_mosaic.version = 14 : i64} {
  func.func @_tc_out_body(%arg0: i32, %arg1: memref<2048x128xf32, #tpu.memory_space<vmem>>, %arg2: memref<2048x128xf32, #tpu.memory_space<vmem>>, %arg3: memref<2048x128xf32, #tpu.memory_space<vmem>>, %arg4: memref<2048x128xf32, #tpu.memory_space<vmem>>, %arg5: memref<128x64xf32, #tpu.memory_space<vmem>>, %arg6: memref<128x64xf32, #tpu.memory_space<vmem>>, %arg7: memref<1x64xf32, #tpu.memory_space<vmem>>, %arg8: memref<1x64xf32, #tpu.memory_space<vmem>>, %arg9: memref<2048x64xf32, #tpu.memory_space<vmem>>, %arg10: memref<2048x64xf32, #tpu.memory_space<vmem>>) attributes {dimension_semantics = [#tpu.dimension_semantics<arbitrary>], iteration_bounds = array<i64: 5>, scalar_prefetch = 0 : i64, scratch_operands = 0 : i64, tpu.core_type = #tpu.core_type<tc>, window_params = [{transform_indices = @transform_0, window_bounds = array<i64: 2048, 128>}, {transform_indices = @transform_1, window_bounds = array<i64: 2048, 128>}, {transform_indices = @transform_2, window_bounds = array<i64: 2048, 128>}, {transform_indices = @transform_3, window_bounds = array<i64: 2048, 128>}, {pipeline_mode = #tpu.pipeline_mode<synchronous>, transform_indices = @transform_4, window_bounds = array<i64: 128, 64>}, {pipeline_mode = #tpu.pipeline_mode<synchronous>, transform_indices = @transform_5, window_bounds = array<i64: 128, 64>}, {pipeline_mode = #tpu.pipeline_mode<synchronous>, transform_indices = @transform_6, window_bounds = array<i64: 1, 64>}, {pipeline_mode = #tpu.pipeline_mode<synchronous>, transform_indices = @transform_7, window_bounds = array<i64: 1, 64>}, {transform_indices = @transform_8, window_bounds = array<i64: 2048, 64>}, {transform_indices = @transform_9, window_bounds = array<i64: 2048, 64>}]} {
    %get3A = arith.constant 0 : index
    %get3A_0 = arith.constant 0 : index
    %get3A_1 = vector.load %arg3[%get3A, %get3A_0] : memref<2048x128xf32, #tpu.memory_space<vmem>>, vector<2048x128xf32>
    %get3A_2 = arith.constant 0 : index
    %get3A_3 = arith.constant 0 : index
    %get3A_4 = vector.load %arg1[%get3A_2, %get3A_3] : memref<2048x128xf32, #tpu.memory_space<vmem>>, vector<2048x128xf32>
    %get3A_5 = arith.constant 0 : index
    %get3A_6 = arith.constant 0 : index
    %get3A_7 = vector.load %arg2[%get3A_5, %get3A_6] : memref<2048x128xf32, #tpu.memory_space<vmem>>, vector<2048x128xf32>
    %add3A = arith.addf %get3A_4, %get3A_7 : vector<2048x128xf32>
    %mul3A = arith.mulf %get3A_1, %add3A : vector<2048x128xf32>
    %mul3A_8 = arith.mulf %get3A_1, %get3A_1 : vector<2048x128xf32>
    %get3A_9 = arith.constant 0 : index
    %get3A_10 = arith.constant 0 : index
    %get3A_11 = vector.load %arg4[%get3A_9, %get3A_10] : memref<2048x128xf32, #tpu.memory_space<vmem>>, vector<2048x128xf32>
    %mul3A_12 = arith.mulf %mul3A_8, %get3A_11 : vector<2048x128xf32>
    %add3A_13 = arith.addf %mul3A, %mul3A_12 : vector<2048x128xf32>
    %get3A_14 = arith.constant 0 : index
    %get3A_15 = arith.constant 0 : index
    %get3A_16 = vector.load %arg5[%get3A_14, %get3A_15] : memref<128x64xf32, #tpu.memory_space<vmem>>, vector<128x64xf32>
    %dot_general3A = arith.constant dense<0.000000e+00> : vector<2048x64xf32>
    %dot_general3A_17 = tpu.matmul %add3A_13, %get3A_16, %dot_general3A {dimension_numbers = #tpu.dot_dimension_numbers<[1], [0], [0], [1], [0, 0, 1, 1], [], []>, transpose_lhs_hint = false} : vector<2048x128xf32>, vector<128x64xf32>, vector<2048x64xf32> -> vector<2048x64xf32>
    %get3A_18 = arith.constant 0 : index
    %get3A_19 = arith.constant 0 : index
    %get3A_20 = vector.load %arg7[%get3A_18, %get3A_19] : memref<1x64xf32, #tpu.memory_space<vmem>>, vector<1x64xf32>
    %add3A_21 = vector.broadcast %get3A_20 : vector<1x64xf32> to vector<2048x64xf32>
    %add3A_22 = arith.addf %dot_general3A_17, %add3A_21 : vector<2048x64xf32>
    %swap3A = arith.constant 0 : index
    %swap3A_23 = arith.constant 0 : index
    %swap3A_24 = vector.load %arg9[%swap3A, %swap3A_23] : memref<2048x64xf32, #tpu.memory_space<vmem>>, vector<2048x64xf32>
    tpu.vector_store %arg9[%swap3A, %swap3A_23], %add3A_22 {strides = array<i32>} : memref<2048x64xf32, #tpu.memory_space<vmem>>, vector<2048x64xf32>,
    %get3A_25 = arith.constant 0 : index
    %get3A_26 = arith.constant 0 : index
    %get3A_27 = vector.load %arg6[%get3A_25, %get3A_26] : memref<128x64xf32, #tpu.memory_space<vmem>>, vector<128x64xf32>
    %dot_general3A_28 = arith.constant dense<0.000000e+00> : vector<2048x64xf32>
    %dot_general3A_29 = tpu.matmul %add3A_13, %get3A_27, %dot_general3A_28 {dimension_numbers = #tpu.dot_dimension_numbers<[1], [0], [0], [1], [0, 0, 1, 1], [], []>, transpose_lhs_hint = false} : vector<2048x128xf32>, vector<128x64xf32>, vector<2048x64xf32> -> vector<2048x64xf32>
    %get3A_30 = arith.constant 0 : index
    %get3A_31 = arith.constant 0 : index
    %get3A_32 = vector.load %arg8[%get3A_30, %get3A_31] : memref<1x64xf32, #tpu.memory_space<vmem>>, vector<1x64xf32>
    %add3A_33 = vector.broadcast %get3A_32 : vector<1x64xf32> to vector<2048x64xf32>
    %add3A_34 = arith.addf %dot_general3A_29, %add3A_33 : vector<2048x64xf32>
    %swap3A_35 = arith.constant 0 : index
    %swap3A_36 = arith.constant 0 : index
    %swap3A_37 = vector.load %arg10[%swap3A_35, %swap3A_36] : memref<2048x64xf32, #tpu.memory_space<vmem>>, vector<2048x64xf32>
    tpu.vector_store %arg10[%swap3A_35, %swap3A_36], %add3A_34 {strides = array<i32>} : memref<2048x64xf32, #tpu.memory_space<vmem>>, vector<2048x64xf32>,
    return
  }
  func.func @transform_0(%arg0: i32) -> (i32, i32) {
    %add3A = arith.constant 0 : i32
    %add3A_0 = arith.addi %arg0, %add3A : i32
    %c0_i32 = arith.constant 0 : i32
    %c0_i32_1 = arith.constant 0 : i32
    return %add3A_0, %c0_i32 : i32, i32
  }
  func.func @transform_1(%arg0: i32) -> (i32, i32) {
    %add3A = arith.constant 5 : i32
    %add3A_0 = arith.addi %arg0, %add3A : i32
    %c0_i32 = arith.constant 0 : i32
    %c0_i32_1 = arith.constant 0 : i32
    return %add3A_0, %c0_i32 : i32, i32
  }
  func.func @transform_2(%arg0: i32) -> (i32, i32) {
    %add3A = arith.constant 0 : i32
    %add3A_0 = arith.addi %arg0, %add3A : i32
    %c0_i32 = arith.constant 0 : i32
    %c0_i32_1 = arith.constant 0 : i32
    return %add3A_0, %c0_i32 : i32, i32
  }
  func.func @transform_3(%arg0: i32) -> (i32, i32) {
    %add3A = arith.constant 0 : i32
    %add3A_0 = arith.addi %arg0, %add3A : i32
    %c0_i32 = arith.constant 0 : i32
    %c0_i32_1 = arith.constant 0 : i32
    return %add3A_0, %c0_i32 : i32, i32
  }
  func.func @transform_4(%arg0: i32) -> (i32, i32) {
    %c0_i32 = arith.constant 0 : i32
    %c0_i32_0 = arith.constant 0 : i32
    %c0_i32_1 = arith.constant 0 : i32
    return %c0_i32, %c0_i32_0 : i32, i32
  }
  func.func @transform_5(%arg0: i32) -> (i32, i32) {
    %c0_i32 = arith.constant 0 : i32
    %c0_i32_0 = arith.constant 0 : i32
    %c0_i32_1 = arith.constant 0 : i32
    return %c0_i32, %c0_i32_0 : i32, i32
  }
  func.func @transform_6(%arg0: i32) -> (i32, i32) {
    %c0_i32 = arith.constant 0 : i32
    %c0_i32_0 = arith.constant 0 : i32
    %c0_i32_1 = arith.constant 0 : i32
    return %c0_i32, %c0_i32_0 : i32, i32
  }
  func.func @transform_7(%arg0: i32) -> (i32, i32) {
    %c0_i32 = arith.constant 0 : i32
    %c0_i32_0 = arith.constant 0 : i32
    %c0_i32_1 = arith.constant 0 : i32
    return %c0_i32, %c0_i32_0 : i32, i32
  }
  func.func @transform_8(%arg0: i32) -> (i32, i32) {
    %c0_i32 = arith.constant 0 : i32
    %c0_i32_0 = arith.constant 0 : i32
    return %arg0, %c0_i32 : i32, i32
  }
  func.func @transform_9(%arg0: i32) -> (i32, i32) {
    %c0_i32 = arith.constant 0 : i32
    %c0_i32_0 = arith.constant 0 : i32
    return %arg0, %c0_i32 : i32, i32
  }
}

</mosaic_0001>

<sc_bundles>
// kernel: kernel.12.cloned.1.call-start
scs
__scs_entry_jumppad:
0x0: {  	(pc) =	sbr.rel $0x88, $3  }
0x1: {  	(tag) =	ssettag $0x0;
	lr =	simm.s32 $0x1  }
0x2: {  	[smem:$0x3F99] =	sst lr;
	_ =	strace $0xD0000000  }
0x3: {  	_ = 	snop  }
0x4: {  	_ = 	snop  }
0x5: {  	_ = 	snop  }
0x6: {  	_ = 	snop  }
0x7: {  	_ = 	snop  }
__scs_overlays_trampoline_lowered:
0x8: {  	[smem:$0x3FA8] =	sst s0  }
0x9: {  	[smem:$0x3FA9] =	sst s1  }
0xa: {  	[smem:$0x3FAA] =	sst s2  }
0xb: {  	[smem:$0x3FAB] =	sst s3  }
0xc: {  	[smem:$0x3FAC] =	sst s4  }
0xd: {  	[smem:$0x3FAD] =	sst s5  }
0xe: {  	[smem:$0x3FAE] =	sst s6  }
0xf: {  	[smem:$0x3FAF] =	sst s7  }
0x10: {  	[smem:$0x3FB0] =	sst s8  }
0x11: {  	[smem:$0x3FB1] =	sst s9;
	s0 =	simm.s32 @!p0 $0x0  }
0x12: {  	s1 =	sld [smem:$0x3F97];
	s0 =	simm.s32 @p0 $0x1  }
0x13: {  	[smem:$0x3FB2] =	sst s0;
	s0 =	simm.s32 @!p1 $0x0  }
0x14: {  	s2 =	sld [smem:$0x3F96];
	s0 =	simm.s32 @p1 $0x1  }
0x15: {  	[smem:$0x3FB3] =	sst s0;
	s0 =	simm.s32 @!p2 $0x0  }
0x16: {  	s3 =	sld [smem:$0x3FDB];
	s0 =	simm.s32 @p2 $0x1  }
0x17: {  	s4 =	simm.s32 $0x1BF5;
	[smem:$0x3FB5] =	sst s0  }
0x18: {  	s0 =	sld [smem:$0x3F98];
	_ =	swait.ge [sflag:s4], $0x0  }
0x19: {  	s7 =	sld [smem:$0x3F99]  }
0x1a: {  	s8 =	sadd.s32 $0xFFFFE003, lr  }
0x1b: {  	s9 =	sadd.s32 $0xFFFFFEF7, lr;
	s5 =	simm.s32 $0xFFFFFFFF;
	p2 =	slt.u32 s8, $0xFFFFF086  }
0x1c: {  	p1 =	slt.u32 s9, $0xF7A;
	s5 =	simm.s32 @!p2 $0x0  }
0x1d: {  	s5 =	simm.s32 @p1 $0x1;
	p0 =	seq.s32 s7, s2  }
0x1e: {  	s7 =	smul.u32 @!p0 $0xF7A, s2;
	p2 =	seq.s32 @!p0 s5, $0x0  }
0x1f: {  	s9 =	smul.u32 $0xF7A, s1;
	s8 =	simm.s32 @!p0 $0x1BF5;
	p2 =	por !p2, p0  }
0x20: {  	[sflag:s8] =	ssyncset.s32 @!p0 $0xFFFFF086;
	s6 =	sadd.s32 @!p0 s3, s7;
	s7 =	simm.s32 @!p0 $0x108  }
0x21: {  	s3 =	sadd.s32 s3, s9;
	s6 =	sadd.s32 @!p0 $0x88, s6;
	s7 =	simm.s32 @p2 $0x1082  }
0x22: {  	[simem:s7], [sflag:s8] =	dma.local @!p0 [hbm:s6], $0xF7A  }
0x23: {  	s9 =	sor.u32 $0xD0000000, s2;
	s6 =	simm.s32 $0x108;
	_ =	swait.ge @!p0 [sflag:s8], $0x0  }
0x24: {  	s3 =	sadd.s32 $0x88, s3;
	s6 =	simm.s32 @!p1 $0x1082;
	[sflag:s4] =	ssyncset.s32 $0xFFFFF086  }
0x25: {  	[simem:s6], [sflag:s4] =	dma.local [hbm:s3], $0xF7A  }
0x26: {  	[smem:$0x3F99] =	sst s1;
	(tag) =	ssettag s2;
	_ =	strace s9  }
0x27: {  	s1 =	sld [smem:$0x3FA9]  }
0x28: {  	s2 =	sld [smem:$0x3FAA]  }
0x29: {  	s4 =	sld [smem:$0x3FAC]  }
0x2a: {  	p0 =	seq.s32 s5, $0x0;
	s5 =	sld [smem:$0x3FAD]  }
0x2b: {  	s6 =	sld [smem:$0x3FAE]  }
0x2c: {  	s7 =	sld [smem:$0x3FAF]  }
0x2d: {  	s3 =	simm.s32 $0x108;
	s8 =	sld [smem:$0x3FB0]  }
0x2e: {  	s3 =	simm.s32 @!p0 $0x1082;
	s9 =	sld [smem:$0x3FB1]  }
0x2f: {  	lr =	sadd.s32 s0, s3;
	s0 =	sld [smem:$0x3FA8]  }
0x30: {  	s3 =	sld [smem:$0x3FAB]  }
0x31: {  	[smem:$0x3FB4] =	sst s10  }
0x32: {  	s10 =	sld [smem:$0x3FB2];
	_ =	sdelay $0x3  }
0x33: {  	p0 =	seq.s32 s10, $0x1;
	s10 =	sld [smem:$0x3FB4];
	_ =	sdelay $0x3  }
0x34: {  	[smem:$0x3FB4] =	sst s10  }
0x35: {  	s10 =	sld [smem:$0x3FB3];
	_ =	sdelay $0x3  }
0x36: {  	p1 =	seq.s32 s10, $0x1;
	s10 =	sld [smem:$0x3FB4];
	_ =	sdelay $0x3  }
0x37: {  	[smem:$0x3FB4] =	sst s10  }
0x38: {  	s10 =	sld [smem:$0x3FB5]  }
0x39: {  	_ = 	snop;
	(pc) =	sbr.ind lr, $3  }
0x3a: {  	_ = 	snop  }
0x3b: {  	_ = 	snop  }
0x3c: {  	p2 =	seq.s32 s10, $0x1;
	s10 =	sld [smem:$0x3FB4]  }
0x3d: {  	_ =	shalt  }
0x3e: {  	_ =	shalt  }
0x3f: {  	_ =	shalt  }
0x40: {  	_ =	shalt  }
0x41: {  	_ =	shalt  }
0x42: {  	_ =	shalt  }
0x43: {  	_ =	shalt  }
0x44: {  	_ =	shalt  }
0x45: {  	_ =	shalt  }
0x46: {  	_ =	shalt  }
0x47: {  	_ =	shalt  }
0x48: {  	_ =	shalt  }
0x49: {  	_ =	shalt  }
0x4a: {  	_ =	shalt  }
0x4b: {  	_ =	shalt  }
0x4c: {  	_ =	shalt  }
0x4d: {  	_ =	shalt  }
0x4e: {  	_ =	shalt  }
0x4f: {  	_ =	shalt  }
0x50: {  	_ =	shalt  }
0x51: {  	_ =	shalt  }
0x52: {  	_ =	shalt  }
0x53: {  	_ =	shalt  }
0x54: {  	_ =	shalt  }
0x55: {  	_ =	shalt  }
0x56: {  	_ =	shalt  }
0x57: {  	_ =	shalt  }
0x58: {  	_ =	shalt  }
0x59: {  	_ =	shalt  }
0x5a: {  	_ =	shalt  }
0x5b: {  	_ =	shalt  }
0x5c: {  	_ =	shalt  }
0x5d: {  	_ =	shalt  }
0x5e: {  	_ =	shalt  }
0x5f: {  	_ =	shalt  }
0x60: {  	_ =	shalt  }
0x61: {  	_ =	shalt  }
0x62: {  	_ =	shalt  }
0x63: {  	_ =	shalt  }
0x64: {  	_ =	shalt  }
0x65: {  	_ =	shalt  }
0x66: {  	_ =	shalt  }
0x67: {  	_ =	shalt  }
0x68: {  	_ =	shalt  }
0x69: {  	_ =	shalt  }
0x6a: {  	_ =	shalt  }
0x6b: {  	_ =	shalt  }
0x6c: {  	_ =	shalt  }
0x6d: {  	_ =	shalt  }
0x6e: {  	_ =	shalt  }
0x6f: {  	_ =	shalt  }
0x70: {  	_ =	shalt  }
0x71: {  	_ =	shalt  }
0x72: {  	_ =	shalt  }
0x73: {  	_ =	shalt  }
0x74: {  	_ =	shalt  }
0x75: {  	_ =	shalt  }
0x76: {  	_ =	shalt  }
0x77: {  	_ =	shalt  }
0x78: {  	_ =	shalt  }
0x79: {  	_ =	shalt  }
0x7a: {  	_ =	shalt  }
0x7b: {  	_ =	shalt  }
0x7c: {  	_ =	shalt  }
0x7d: {  	_ =	shalt  }
0x7e: {  	_ =	shalt  }
0x7f: {  	_ =	shalt  }
0x80: {  	_ =	shalt  }
0x81: {  	_ =	shalt  }
0x82: {  	_ =	shalt  }
0x83: {  	_ =	shalt  }
0x84: {  	_ =	shalt  }
0x85: {  	_ =	shalt  }
0x86: {  	_ =	shalt  }
0x87: {  	_ =	shalt  }
.Lfunc_end0:
.L_simem_size_0:
called_computation.1_lowered:
.L_overlay_start_0:
0x88: {  	s2 =	sld [smem:$0x3FD9]  }
0x89: {  	s3 =	sld [smem:$0x3FFE];
	_ =	sdelay $0x1  }
0x8a: {  	s1 =	srdreg.scid  }
0x8b: {  	s0 =	sand.u32 $0x1, s1  }
0x8c: {  	s14 =	sshll.u32 s0, $0xA;
	s2 =	sadd.s32 s3, s2  }
0x8d: {  	s2 =	sadd.s32 s2, s14  }
0x8e: {  	[smem:$0x3FC0] =	sst s2  }
0x8f: {  	_ = 	snop  }
0x90: {  	s2 =	sld [smem:$0x3FD0];
	_ =	sdelay $0x2  }
0x91: {  	s15 =	simm.s32 $0xA;
	s4 =	simm.s32 $0x10  }
0x92: {  	[smem:s4], [sflag:s15] =	dma.local [hbm:s2], $0x1  }
0x93: {  	_ =	swait.eq [sflag:s15], $0x1  }
0x94: {  	[sflag:s15] =	ssyncset.done $0x0  }
0x95: {  	s16 =	sld [smem:$0x10];
	[sflag:s15] =	ssyncadd.s32 $0xFFFFFFFF  }
0x96: {  	s17 =	sld [smem:$0x11];
	(tm) =	ssettm $0x1  }
0x97: {  	s18 =	sld [smem:$0x3FFB];
	_ =	sdelay $0x3  }
0x98: {  	_ =	strace s18  }
0x99: {  	s4 =	sld [smem:$0x3FFC];
	_ =	sdelay $0x3  }
0x9a: {  	_ =	strace s4  }
0x9b: {  	s4 =	sld [smem:$0x3FFD];
	_ =	sdelay $0x3  }
0x9c: {  	_ =	strace s4  }
0x9d: {  	_ =	strace $0x8FFFFFFF  }
0x9e: {  	s19 =	sld [smem:$0x3FDB];
	_ =	sdelay $0x1  }
0x9f: {  	s5 =	simm.s32 $_scs_section_size  }
0xa0: {  	s6 =	simm.s32 $_size__tile_overlayer_lowered;
	s7 =	simm.s32 $_tile_overlayer_lowered  }
0xa1: {  	s22 =	simm.s32 $0x1BFF;
	s21 =	sshll.u32 s7, $0x1;
	s4 =	sadd.s32 s5, s19  }
0xa2: {  	s8 =	simm.s32 $0x0;
	s20 =	sshll.u32 s6, $0x1;
	s6 =	sadd.s32 s21, s4  }
0xa3: {  	[timem:s8], [sflag:s22] =	dma.local [hbm:s6], s20  }
0xa4: {  	_ =	swait.ge [sflag:s22], s20  }
0xa5: {  	s5 =	ssub.s32 $0x0, s20;
	[sflag:s22] =	ssyncset.done $0x0  }
0xa6: {  	[sflag:s22] =	ssyncadd.s32 s5;
	_ =	sdelay $0x1  }
0xa7: {  	s23 =	simm.s32 $0x1B8B  }
0xa8: {  	_ =	swait.ge [sflag:s23], $0x1  }
0xa9: {  	[sflag:s23] =	ssyncset.done $0x0  }
0xaa: {  	s25 =	simm.s32 $0x1B8E;
	s24 =	sld [smem:$0x3FFE];
	[sflag:s23] =	ssyncadd.s32 $0xFFFFFFFF  }
0xab: {  	s26 =	simm.s32 $execute0_lowered;
	[smem:$0x3FD2] =	sst s25  }
0xac: {  	s6 =	sshll.u32 s26, $0x1;
	_ =	strace $0x80000049;
	[dreg:$0x1] =	wrdreg $0xFFFFFFFF  }
0xad: {  	s28 =	simm.s32 $_size_execute0_lowered;
	s4 =	sadd.s32 s4, s6;
	[dreg:$0x0] =	wrdreg $0x0  }
0xae: {  	s6 =	sshll.u32 s28, $0x1;
	[dreg:$0x2] =	wrdreg s4  }
0xaf: {  	[dreg:$0x3] =	wrdreg s6  }
0xb0: {  	[dreg:$0x4] =	wrdreg $0xC0  }
0xb1: {  	_ =	task [dreg:s8], $0x5FFFF  }
0xb2: {  	[dreg:$0x1] =	wrdreg $0xFFFFFFFF  }
0xb3: {  	[dreg:$0x0] =	wrdreg $0x60  }
0xb4: {  	[dreg:$0x2] =	wrdreg s24  }
0xb5: {  	[dreg:$0x3] =	wrdreg s16  }
0xb6: {  	[dreg:$0x4] =	wrdreg s17  }
0xb7: {  	[dreg:$0x5] =	wrdreg $0x92000  }
0xb8: {  	[dreg:$0x6] =	wrdreg $0x9  }
0xb9: {  	_ =	task.clear_ibuf [dreg:s8], $0x7FFFF;
	_ =	strace $0x90000049  }
0xba: {  	s29 =	simm.s32 $0x9;
	_ =	strace $0x8000004B  }
0xbb: {  	_ =	swait.ge [sflag:s29], $0x1  }
0xbc: {  	[sflag:s29] =	ssyncadd.s32 $0xFFFFFFFF  }
0xbd: {  	_ =	strace $0x9000004B  }
0xbe: {  	_ =	sfence  }
0xbf: {  	s30 =	sld [smem:$0x0];
	_ =	sdelay $0x2  }
0xc0: {  	s31 =	sshll.u32 s1, $0xD;
	s1 =	sshrl.u32 s1, $0x2  }
0xc1: {  	s3 =	sand.u32 $0x4000, s31;
	s1 =	sadd.s32 s1, s30  }
0xc2: {  	s0 =	sor.u32 s3, s0;
	s1 =	sshll.u32 s1, $0x11  }
0xc3: {  	s0 =	sor.u32 s1, s0  }
0xc4: {  	s0 =	sadd.s32 $0x8F2B, s0  }
0xc5: {  	[sflag:s0] =	ssyncadd.remote.s32 $0x1  }
0xc6: {  	_ =	sfence.sel $0xFFFF  }
0xc7: {  	[dreg:$0x0] =	wrdreg $0xFFFFFFFF;
	(pc) =	sbr.abs _section_cstart, $3  }
0xc8: {  	[dreg:$0x1] =	wrdreg $0xFFFFFFFF  }
0xc9: {  	_ =	task.clear_ibuf [dreg:s8], $0x2FFFF;
	_ =	strace $0x9FFFFFFF  }
0xca: {  	(tm) =	ssettm $0x7FFFFFFF  }
0xcb: {  	_ =	shalt  }
tec
execute0_lowered:
.L_overlay_start_1:
0x0: {  	(tag) =	ssettag $0x1  }
0x1: {  	s0 =	rddreg [dreg:$0x0]  }
0x2: {  	s1 =	rddreg [dreg:$0x1]  }
0x3: {  	s8 =	rddreg [dreg:$0x2];
	s10 =	stileid.u32  }
0x4: {  	s2 =	rddreg [dreg:$0x3];
	s6 =	smul.u32 $0x2800, s10  }
0x5: {  	s4 =	srdreg.scid;
	s3 =	simm.s32 $0x0;
	s9 =	smul.u32 $0x50, s10  }
0x6: {  	s5 =	sand.u32 $0x1, s4;
	[smem:$0x7FF] =	sst s3;
	s10 =	smul.u32 $0x50000, s10  }
0x7: {  	s4 =	sadd.s32 $0x2400, s0;
	s7 =	smul.u32 $0x28000, s5;
	_ =	strace $0x8000004A  }
0x8: {  	s24 =	ssub.s32 $0x2, s5;
	p0 =	seq.s32 s5, $0x0;
	s5 =	sadd.s32 $0x500, s9  }
0x9: {  	s25 =	sshrl.u32 s24, $0x1;
	s10 =	sshrl.u32 s10, $0x2;
	s6 =	sadd.s32 s6, s7  }
0xa: {  	s5 =	smov.u32 @p0 s9;
	s26 =	ssub.s32 s24, s25;
	s9 =	simm.s32 $0x80  }
0xb: {  	s0 =	sadd.s32 s6, s0;
	s11 =	sshll.u32 s5, $0x4;
	s14 =	smax.u32 s26, $0x1  }
0xc: {  	s5 =	sadd.s32 s10, s2;
	s0 =	sadd.s32 $0x2A400, s0;
	[dreg:$0x8] =	wrdreg s14  }
0xd: {  	s10 =	simm.s32 $0x180;
	s15 =	sadd.s32 $0x1000, s5;
	[dreg:$0x7] =	wrdreg s0  }
0xe: {  	s6 =	sadd.s32 s1, s11;
	s16 =	sadd.s32 $0x2000, s5;
	[dreg:$0x9] =	wrdreg s15  }
0xf: {  	s12 =	sor.u32 $0x10, s11;
	s17 =	sadd.s32 $0x3000, s5;
	[dreg:$0xa] =	wrdreg s16  }
0x10: {  	s7 =	sadd.s32 s8, s11;
	s18 =	sadd.s32 $0x4000, s5;
	[dreg:$0xb] =	wrdreg s17  }
0x11: {  	s19 =	sadd.s32 $0x5000, s5;
	s20 =	sadd.s32 $0x6000, s5;
	[dreg:$0xc] =	wrdreg s18  }
0x12: {  	s21 =	sadd.s32 $0x7000, s5;
	s22 =	sadd.s32 $0x8000, s5;
	[dreg:$0xd] =	wrdreg s19  }
0x13: {  	s23 =	sadd.s32 $0x9000, s5;
	s24 =	sadd.s32 $0xA000, s5;
	[dreg:$0xe] =	wrdreg s20  }
0x14: {  	s25 =	sadd.s32 $0xB000, s5;
	s26 =	sadd.s32 $0xC000, s5;
	[dreg:$0xf] =	wrdreg s21  }
0x15: {  	s28 =	sadd.s32 $0x10000, s5;
	s29 =	sadd.s32 $0x11000, s5;
	[dreg:$0x10] =	wrdreg s22  }
0x16: {  	s30 =	sadd.s32 $0x12000, s5;
	s31 =	sadd.s32 $0x13000, s5;
	[dreg:$0x11] =	wrdreg s23  }
0x17: {  	s11 =	simm.s32 $0x1;
	s14 =	simm.s32 $0x4200;
	[dreg:$0x12] =	wrdreg s24  }
0x18: {  	s1 =	sadd.s32 s1, s12;
	s13 =	sadd.s32 s8, s12;
	[dreg:$0x13] =	wrdreg s25  }
0x19: {  	[dreg:$0x14] =	wrdreg s26;
	s24 =	sadd.s32 $0xD000, s5;
	s25 =	sadd.s32 $0xE000, s5  }
.Ltmp0:
0x1a: {  	s26 =	sadd.s32 $0xF000, s5;
	s0 =	simm.s32 $0x8200;
	(pc) =	sbr.rel .LBB2_1-.Ltmp0, $4  }
0x1b: {  	s8 =	simm.s32 $0x100;
	s12 =	simm.s32 $0x200;
	s15 =	simm.s32 $0x5  }
0x1c: {  	s16 =	simm.s32 $0x3;
	s17 =	simm.s32 $0x8;
	s18 =	simm.s32 $0x6  }
0x1d: {  	s19 =	simm.s32 $0x4;
	s20 =	simm.s32 $0x0;
	[dreg:$0x5] =	wrdreg s1  }
0x1e: {  	v0 =	vimm.f32 $0.0e+00;
	[dreg:$0x6] =	wrdreg s13;
	s1 =	simm.s32 $0x7;
	s13 =	simm.s32 $0x2  }
.LBB2_6:
0x1f: {  	_ =	swait.ge [sflag:s18], $0x4000  }
0x20: {  	[sflag:s18] =	ssyncset.done $0x0  }
0x21: {  	[sflag:s18] =	ssyncadd.s32 $0xFFFFC000  }
0x22: {  	_ =	swait.ge [sflag:s19], $0x80  }
0x23: {  	[sflag:s19] =	ssyncset.done $0x0  }
0x24: {  	[sflag:s19] =	ssyncadd.s32 $0xFFFFFF80  }
0x25: {  	[spmem:s2] =	stream.indirect.scatter.add.f32 [tilespmem:s14], [sflag:$0x8], $0x80, s10, s9, $0xb8;
	[tilespmem:$0x1D200] =	vst v63  }
0x26: {  	_ =	swait.ge [sflag:s17], $0x4000  }
0x27: {  	[sflag:s17] =	ssyncset.done $0x0  }
0x28: {  	s21 =	stileid.u32;
	[sflag:s17] =	ssyncadd.s32 $0xFFFFC000  }
0x29: {  	s21 =	sshll.u32 s21, $0x6;
	[bflag:$0x0] =	sbarrier.arrive $0xFFFF  }
0x2a: {  	s22 =	sshrl.u32 s5, $0x3;
	s21 =	sor.u32 $0x1C08, s21;
	s23 =	rddreg [dreg:$0x7]  }
0x2b: {  	[hbm:s23], [sflag:s21] =	dma.local [spmem:s22], $0x2800  }
0x2c: {  	_ =	swait.ge [sflag:s17], $0x2800  }
0x2d: {  	s20 =	sadd.s32 $0x1, s20;
	s23 =	rddreg [dreg:$0x8]  }
0x2e: {  	p0 =	sne.s32 s20, s23  }
.Ltmp1:
0x2f: {  	_ = 	snop;
	(pc) =	sbr.rel @!p0 .LBB2_7-.Ltmp1, $3  }
0x30: {  	_ =	sdelay $0x1  }
0x31: {  	[sflag:s17] =	ssyncset.done $0x0  }
0x32: {  	[sflag:s17] =	ssyncadd.s32 $0xFFFFD800  }
.LBB2_1:
0x33: {  	s21 =	simm.s32 $0x0;
	s22 =	simm.s32 $0x200  }
.LBB2_2:
0x34: {  	p0 =	sne.s32 s22, $0x3E00;
	[tilespmem:s21+$0x8270] =	vst v0  }
0x35: {  	[tilespmem:s21+$0x8200] =	vst v0  }
0x36: {  	[tilespmem:s21+$0x8210] =	vst v0  }
.Ltmp2:
0x37: {  	[tilespmem:s21+$0x8220] =	vst v0;
	(pc) =	sbr.rel @p0 .LBB2_2-.Ltmp2, $4  }
0x38: {  	[tilespmem:s21+$0x8230] =	vst v0  }
0x39: {  	[tilespmem:s21+$0x8240] =	vst v0  }
0x3a: {  	[tilespmem:s21+$0x8250] =	vst v0  }
0x3b: {  	[tilespmem:s21+$0x8260] =	vst v0;
	s21 =	sshra.s32 s22, $0x2;
	s22 =	sadd.s32 $0x200, s22  }
0x3c: {  	[tilespmem:s21+$0x8270] =	vst v0  }
0x3d: {  	[tilespmem:s21+$0x8200] =	vst v0  }
0x3e: {  	[tilespmem:s21+$0x8210] =	vst v0  }
0x3f: {  	[tilespmem:s21+$0x8220] =	vst v0  }
0x40: {  	[tilespmem:s21+$0x8230] =	vst v0  }
0x41: {  	[tilespmem:s21+$0x8240] =	vst v0  }
0x42: {  	[tilespmem:s21+$0x8250] =	vst v0  }
0x43: {  	[tilespmem:s21+$0x8260] =	vst v0  }
0x44: {  	[spmem:s5] =	stream.linear.scatter [tilespmem:s0], [sflag:$0x7], $0x1000, $0x38;
	[tilespmem:$0x1D200] =	vst v63  }
0x45: {  	s22 =	rddreg [dreg:$0x9]  }
0x46: {  	[spmem:s22] =	stream.linear.scatter [tilespmem:s0], [sflag:$0x7], $0x1000, $0x38;
	[tilespmem:$0x1D200] =	vst v63  }
0x47: {  	s23 =	rddreg [dreg:$0xa]  }
0x48: {  	[spmem:s23] =	stream.linear.scatter [tilespmem:s0], [sflag:$0x7], $0x1000, $0x38;
	[tilespmem:$0x1D200] =	vst v63  }
0x49: {  	s22 =	rddreg [dreg:$0xb]  }
0x4a: {  	[spmem:s22] =	stream.linear.scatter [tilespmem:s0], [sflag:$0x7], $0x1000, $0x38;
	[tilespmem:$0x1D200] =	vst v63  }
0x4b: {  	s23 =	rddreg [dreg:$0xc]  }
0x4c: {  	[spmem:s23] =	stream.linear.scatter [tilespmem:s0], [sflag:$0x7], $0x1000, $0x38;
	[tilespmem:$0x1D200] =	vst v63  }
0x4d: {  	s22 =	rddreg [dreg:$0xd]  }
0x4e: {  	[spmem:s22] =	stream.linear.scatter [tilespmem:s0], [sflag:$0x7], $0x1000, $0x38;
	[tilespmem:$0x1D200] =	vst v63  }
0x4f: {  	s23 =	rddreg [dreg:$0xe]  }
0x50: {  	[spmem:s23] =	stream.linear.scatter [tilespmem:s0], [sflag:$0x7], $0x1000, $0x38;
	[tilespmem:$0x1D200] =	vst v63  }
0x51: {  	s22 =	rddreg [dreg:$0xf]  }
0x52: {  	[spmem:s22] =	stream.linear.scatter [tilespmem:s0], [sflag:$0x7], $0x1000, $0x38;
	[tilespmem:$0x1D200] =	vst v63  }
0x53: {  	s23 =	rddreg [dreg:$0x10]  }
0x54: {  	[spmem:s23] =	stream.linear.scatter [tilespmem:s0], [sflag:$0x7], $0x1000, $0x38;
	[tilespmem:$0x1D200] =	vst v63  }
0x55: {  	s22 =	rddreg [dreg:$0x11]  }
0x56: {  	[spmem:s22] =	stream.linear.scatter [tilespmem:s0], [sflag:$0x7], $0x1000, $0x38;
	[tilespmem:$0x1D200] =	vst v63  }
0x57: {  	s23 =	rddreg [dreg:$0x12]  }
0x58: {  	[spmem:s23] =	stream.linear.scatter [tilespmem:s0], [sflag:$0x7], $0x1000, $0x38;
	[tilespmem:$0x1D200] =	vst v63  }
0x59: {  	s22 =	rddreg [dreg:$0x13]  }
0x5a: {  	[spmem:s22] =	stream.linear.scatter [tilespmem:s0], [sflag:$0x7], $0x1000, $0x38;
	[tilespmem:$0x1D200] =	vst v63  }
0x5b: {  	s23 =	rddreg [dreg:$0x14]  }
0x5c: {  	[spmem:s23] =	stream.linear.scatter [tilespmem:s0], [sflag:$0x7], $0x1000, $0x38;
	[tilespmem:$0x1D200] =	vst v63  }
0x5d: {  	_ = 	snop  }
0x5e: {  	[spmem:s24] =	stream.linear.scatter [tilespmem:s0], [sflag:$0x7], $0x1000, $0x38;
	[tilespmem:$0x1D200] =	vst v63  }
0x5f: {  	_ = 	snop  }
0x60: {  	[spmem:s25] =	stream.linear.scatter [tilespmem:s0], [sflag:$0x7], $0x1000, $0x38;
	[tilespmem:$0x1D200] =	vst v63  }
0x61: {  	_ = 	snop  }
0x62: {  	[spmem:s26] =	stream.linear.scatter [tilespmem:s0], [sflag:$0x7], $0x1000, $0x38;
	[tilespmem:$0x1D200] =	vst v63  }
0x63: {  	_ = 	snop  }
0x64: {  	[spmem:s28] =	stream.linear.scatter [tilespmem:s0], [sflag:$0x7], $0x1000, $0x38;
	[tilespmem:$0x1D200] =	vst v63  }
0x65: {  	_ = 	snop  }
0x66: {  	[spmem:s29] =	stream.linear.scatter [tilespmem:s0], [sflag:$0x7], $0x1000, $0x38;
	[tilespmem:$0x1D200] =	vst v63  }
0x67: {  	_ = 	snop  }
0x68: {  	[spmem:s30] =	stream.linear.scatter [tilespmem:s0], [sflag:$0x7], $0x1000, $0x38;
	[tilespmem:$0x1D200] =	vst v63  }
0x69: {  	_ = 	snop  }
0x6a: {  	[spmem:s31] =	stream.linear.scatter [tilespmem:s0], [sflag:$0x7], $0x1000, $0x38;
	[tilespmem:$0x1D200] =	vst v63  }
0x6b: {  	_ =	swait.ge [sflag:s1], $0x1000  }
0x6c: {  	[sflag:s1] =	ssyncset.done $0x0  }
0x6d: {  	[sflag:s1] =	ssyncadd.s32 $0xFFFFF000  }
0x6e: {  	_ =	swait.ge [sflag:s1], $0x1000  }
0x6f: {  	[sflag:s1] =	ssyncset.done $0x0  }
0x70: {  	[sflag:s1] =	ssyncadd.s32 $0xFFFFF000  }
0x71: {  	_ =	swait.ge [sflag:s1], $0x1000  }
0x72: {  	[sflag:s1] =	ssyncset.done $0x0  }
0x73: {  	[sflag:s1] =	ssyncadd.s32 $0xFFFFF000  }
0x74: {  	_ =	swait.ge [sflag:s1], $0x1000  }
0x75: {  	[sflag:s1] =	ssyncset.done $0x0  }
0x76: {  	[sflag:s1] =	ssyncadd.s32 $0xFFFFF000  }
0x77: {  	_ =	swait.ge [sflag:s1], $0x1000  }
0x78: {  	[sflag:s1] =	ssyncset.done $0x0  }
0x79: {  	[sflag:s1] =	ssyncadd.s32 $0xFFFFF000  }
0x7a: {  	_ =	swait.ge [sflag:s1], $0x1000  }
0x7b: {  	[sflag:s1] =	ssyncset.done $0x0  }
0x7c: {  	[sflag:s1] =	ssyncadd.s32 $0xFFFFF000  }
0x7d: {  	_ =	swait.ge [sflag:s1], $0x1000  }
0x7e: {  	[sflag:s1] =	ssyncset.done $0x0  }
0x7f: {  	[sflag:s1] =	ssyncadd.s32 $0xFFFFF000  }
0x80: {  	_ =	swait.ge [sflag:s1], $0x1000  }
0x81: {  	[sflag:s1] =	ssyncset.done $0x0  }
0x82: {  	[sflag:s1] =	ssyncadd.s32 $0xFFFFF000  }
0x83: {  	_ =	swait.ge [sflag:s1], $0x1000  }
0x84: {  	[sflag:s1] =	ssyncset.done $0x0  }
0x85: {  	[sflag:s1] =	ssyncadd.s32 $0xFFFFF000  }
0x86: {  	_ =	swait.ge [sflag:s1], $0x1000  }
0x87: {  	[sflag:s1] =	ssyncset.done $0x0  }
0x88: {  	[sflag:s1] =	ssyncadd.s32 $0xFFFFF000  }
0x89: {  	_ =	swait.ge [sflag:s1], $0x1000  }
0x8a: {  	[sflag:s1] =	ssyncset.done $0x0  }
0x8b: {  	[sflag:s1] =	ssyncadd.s32 $0xFFFFF000  }
0x8c: {  	_ =	swait.ge [sflag:s1], $0x1000  }
0x8d: {  	[sflag:s1] =	ssyncset.done $0x0  }
0x8e: {  	[sflag:s1] =	ssyncadd.s32 $0xFFFFF000  }
0x8f: {  	_ =	swait.ge [sflag:s1], $0x1000  }
0x90: {  	[sflag:s1] =	ssyncset.done $0x0  }
0x91: {  	[sflag:s1] =	ssyncadd.s32 $0xFFFFF000  }
0x92: {  	_ =	swait.ge [sflag:s1], $0x1000  }
0x93: {  	[sflag:s1] =	ssyncset.done $0x0  }
0x94: {  	[sflag:s1] =	ssyncadd.s32 $0xFFFFF000  }
0x95: {  	_ =	swait.ge [sflag:s1], $0x1000  }
0x96: {  	[sflag:s1] =	ssyncset.done $0x0  }
0x97: {  	[sflag:s1] =	ssyncadd.s32 $0xFFFFF000  }
0x98: {  	_ =	swait.ge [sflag:s1], $0x1000  }
0x99: {  	[sflag:s1] =	ssyncset.done $0x0  }
0x9a: {  	[sflag:s1] =	ssyncadd.s32 $0xFFFFF000  }
0x9b: {  	_ =	swait.ge [sflag:s1], $0x1000  }
0x9c: {  	[sflag:s1] =	ssyncset.done $0x0  }
0x9d: {  	[sflag:s1] =	ssyncadd.s32 $0xFFFFF000  }
0x9e: {  	_ =	swait.ge [sflag:s1], $0x1000  }
0x9f: {  	[sflag:s1] =	ssyncset.done $0x0  }
0xa0: {  	[sflag:s1] =	ssyncadd.s32 $0xFFFFF000  }
0xa1: {  	_ =	swait.ge [sflag:s1], $0x1000  }
0xa2: {  	[sflag:s1] =	ssyncset.done $0x0  }
0xa3: {  	[sflag:s1] =	ssyncadd.s32 $0xFFFFF000  }
0xa4: {  	_ =	swait.ge [sflag:s1], $0x1000  }
0xa5: {  	[sflag:s1] =	ssyncset.done $0x0  }
0xa6: {  	[sflag:s1] =	ssyncadd.s32 $0xFFFFF000  }
0xa7: {  	[tilespmem:s3], [sflag:$0x1] =	stream.linear.gather [hbm4b:s6+s3], $0x80, $0x38;
	[tilespmem:$0x1D200] =	vst v63  }
0xa8: {  	_ = 	snop  }
0xa9: {  	[tilespmem:s8], [sflag:$0x3] =	stream.linear.gather [hbm4b:s7+s3], $0x80, $0x38;
	[tilespmem:$0x1D200] =	vst v63  }
0xaa: {  	s22 =	rddreg [dreg:$0x5]  }
0xab: {  	[tilespmem:s9], [sflag:$0x2] =	stream.linear.gather [hbm4b:s22+s3], $0x80, $0x38;
	[tilespmem:$0x1D200] =	vst v63  }
0xac: {  	s23 =	rddreg [dreg:$0x6]  }
0xad: {  	[tilespmem:s10], [sflag:$0x4] =	stream.linear.gather [hbm4b:s23+s3], $0x80, $0x38;
	[tilespmem:$0x1D200] =	vst v63  }
0xae: {  	_ =	swait.ge [sflag:s11], $0x80  }
0xaf: {  	[sflag:s11] =	ssyncset.done $0x0  }
0xb0: {  	[sflag:s11] =	ssyncadd.s32 $0xFFFFFF80  }
0xb1: {  	[tilespmem:s12], [sflag:$0x5] =	stream.indirect.gather [hbm4b:s4+s9], $0x80, s3, s9, $0xb8;
	[tilespmem:$0x1D200] =	vst v63  }
0xb2: {  	_ =	swait.ge [sflag:s13], $0x80  }
0xb3: {  	[sflag:s13] =	ssyncset.done $0x0  }
0xb4: {  	[sflag:s13] =	ssyncadd.s32 $0xFFFFFF80  }
0xb5: {  	[tilespmem:s14], [sflag:$0x6] =	stream.indirect.gather [hbm4b:s4+s9], $0x80, s9, s9, $0xb8;
	[tilespmem:$0x1D200] =	vst v63  }
0xb6: {  	s21 =	simm.s32 $0xFFFFFB20;
	[bflag:$0x0] =	sbarrier.arrive $0xFFFF  }
.LBB2_4:
0xb7: {  	_ =	swait.ge [sflag:s15], $0x4000;
	p0 =	seq.s32 s21, $0x0  }
0xb8: {  	[sflag:s15] =	ssyncset.done $0x0;
	s22 =	sadd.s32 @!p0 s21, s6  }
0xb9: {  	s23 =	simm.s32 @!p0 $0x0;
	[sflag:s15] =	ssyncadd.s32 $0xFFFFC000;
	s22 =	sadd.s32 @!p0 $0x500, s22  }
0xba: {  	[tilespmem:s23], [sflag:$0x1] =	stream.linear.gather @!p0 [hbm4b:s22+s23], $0x80, $0x38;
	[tilespmem:$0x1D200] =	vst v63  }
0xbb: {  	_ =	swait.ge [sflag:s16], $0x80  }
0xbc: {  	[sflag:s16] =	ssyncset.done $0x0  }
.Ltmp3:
0xbd: {  	[sflag:s16] =	ssyncadd.s32 $0xFFFFFF80;
	(pc) =	sbr.rel @p0 .LBB2_6-.Ltmp3, $4  }
0xbe: {  	[spmem:s2] =	stream.indirect.scatter.add.f32 [tilespmem:s12], [sflag:$0x8], $0x80, s8, s9, $0xb8;
	[tilespmem:$0x1D200] =	vst v63  }
0xbf: {  	_ =	swait.ge [sflag:s17], $0x4000  }
0xc0: {  	[sflag:s17] =	ssyncset.done $0x0  }
0xc1: {  	[sflag:s17] =	ssyncadd.s32 $0xFFFFC000  }
0xc2: {  	s22 =	sadd.s32 s21, s7  }
0xc3: {  	s23 =	sadd.s32 $0x500, s22  }
0xc4: {  	[tilespmem:s8], [sflag:$0x3] =	stream.linear.gather [hbm4b:s23+s3], $0x80, $0x38;
	[tilespmem:$0x1D200] =	vst v63  }
0xc5: {  	_ =	swait.ge [sflag:s11], $0x80  }
0xc6: {  	[sflag:s11] =	ssyncset.done $0x0  }
0xc7: {  	[sflag:s11] =	ssyncadd.s32 $0xFFFFFF80  }
0xc8: {  	[tilespmem:s12], [sflag:$0x5] =	stream.indirect.gather [hbm4b:s4+s9], $0x80, s3, s9, $0xb8;
	[tilespmem:$0x1D200] =	vst v63  }
0xc9: {  	_ =	swait.ge [sflag:s18], $0x4000  }
0xca: {  	s23 =	sadd.s32 s21, s6;
	[sflag:s18] =	ssyncset.done $0x0  }
0xcb: {  	s23 =	sadd.s32 $0x510, s23;
	[sflag:s18] =	ssyncadd.s32 $0xFFFFC000  }
0xcc: {  	[tilespmem:s9], [sflag:$0x2] =	stream.linear.gather [hbm4b:s23+s3], $0x80, $0x38;
	[tilespmem:$0x1D200] =	vst v63  }
0xcd: {  	_ =	swait.ge [sflag:s19], $0x80  }
0xce: {  	[sflag:s19] =	ssyncset.done $0x0  }
0xcf: {  	[sflag:s19] =	ssyncadd.s32 $0xFFFFFF80  }
0xd0: {  	[spmem:s2] =	stream.indirect.scatter.add.f32 [tilespmem:s14], [sflag:$0x8], $0x80, s10, s9, $0xb8;
	[tilespmem:$0x1D200] =	vst v63  }
0xd1: {  	_ =	swait.ge [sflag:s17], $0x4000  }
0xd2: {  	[sflag:s17] =	ssyncset.done $0x0  }
0xd3: {  	s22 =	sadd.s32 $0x510, s22;
	[sflag:s17] =	ssyncadd.s32 $0xFFFFC000  }
0xd4: {  	[tilespmem:s10], [sflag:$0x4] =	stream.linear.gather [hbm4b:s22+s3], $0x80, $0x38;
	[tilespmem:$0x1D200] =	vst v63  }
.Ltmp4:
0xd5: {  	_ = 	snop;
	(pc) =	sbr.rel .LBB2_4-.Ltmp4, $4  }
0xd6: {  	_ =	swait.ge [sflag:s13], $0x80  }
0xd7: {  	[sflag:s13] =	ssyncset.done $0x0  }
0xd8: {  	s21 =	sadd.s32 $0x20, s21;
	[sflag:s13] =	ssyncadd.s32 $0xFFFFFF80  }
0xd9: {  	[tilespmem:s14], [sflag:$0x6] =	stream.indirect.gather [hbm4b:s4+s9], $0x80, s9, s9, $0xb8;
	[tilespmem:$0x1D200] =	vst v63  }
.LBB2_7:
0xda: {  	_ =	sfence.sel $0x180000  }
0xdb: {  	[bflag:$0x0] =	sbarrier.arrive $0xFFFF  }
0xdc: {  	_ =	strace $0x9000004A  }
0xdd: {  	s0 =	stileid.u32;
	[bflag:$0x2] =	sbarrier.arrive $0xFFFF  }
0xde: {  	p0 =	sne.s32 s0, $0x0;
	s0 =	rddreg [dreg:$0x4]  }
0xdf: {  	s0 =	sadd.s32 @!p0 $0x100000, s0  }
0xe0: {  	[sflag:s0] =	ssyncadd.tile.s32 @!p0 $0x1;
	_ =	shalt  }
.Lfunc_end2:
_tile_overlayer_lowered:
.L_overlay_start_2:
0xe1: {  	(tag) =	ssettag $0x2  }
0xe2: {  	s0 =	rddreg [dreg:$0x0];
	s2 =	stileid.u32  }
0xe3: {  	s1 =	rddreg [dreg:$0x1];
	p0 =	sne.s32 s2, $0x0  }
0xe4: {  	s3 =	rddreg [dreg:$0x2];
	[bflag:$0x3] =	sbarrier.arrive $0xFFFF;
	s2 =	simm.s32 @!p0 $0x1C08  }
0xe5: {  	[timem:s3], [sflag:s2] =	dma.local @!p0 [hbm:s0], s1  }
0xe6: {  	s0 =	simm.s32 @!p0 $0x8  }
0xe7: {  	_ =	swait.ge @!p0 [sflag:s0], s1  }
0xe8: {  	s1 =	ssub.s32 @!p0 $0x0, s1;
	[sflag:s0] =	ssyncset.done @!p0 $0x0  }
0xe9: {  	[sflag:s0] =	ssyncadd.s32 @!p0 s1  }
0xea: {  	[bflag:$0x3] =	sbarrier.arrive $0xFFFF  }
0xeb: {  	_ =	shalt  }

// kernel: kernel.15.cloned.1.call-start
scs
__scs_entry_jumppad:
0x0: {  	(pc) =	sbr.rel $0x88, $3  }
0x1: {  	(tag) =	ssettag $0x0;
	lr =	simm.s32 $0x1  }
0x2: {  	[smem:$0x3F99] =	sst lr;
	_ =	strace $0xD0000000  }
0x3: {  	_ = 	snop  }
0x4: {  	_ = 	snop  }
0x5: {  	_ = 	snop  }
0x6: {  	_ = 	snop  }
0x7: {  	_ = 	snop  }
__scs_overlays_trampoline_lowered:
0x8: {  	[smem:$0x3FA8] =	sst s0  }
0x9: {  	[smem:$0x3FA9] =	sst s1  }
0xa: {  	[smem:$0x3FAA] =	sst s2  }
0xb: {  	[smem:$0x3FAB] =	sst s3  }
0xc: {  	[smem:$0x3FAC] =	sst s4  }
0xd: {  	[smem:$0x3FAD] =	sst s5  }
0xe: {  	[smem:$0x3FAE] =	sst s6  }
0xf: {  	[smem:$0x3FAF] =	sst s7  }
0x10: {  	[smem:$0x3FB0] =	sst s8  }
0x11: {  	[smem:$0x3FB1] =	sst s9;
	s0 =	simm.s32 @!p0 $0x0  }
0x12: {  	s1 =	sld [smem:$0x3F97];
	s0 =	simm.s32 @p0 $0x1  }
0x13: {  	[smem:$0x3FB2] =	sst s0;
	s0 =	simm.s32 @!p1 $0x0  }
0x14: {  	s2 =	sld [smem:$0x3F96];
	s0 =	simm.s32 @p1 $0x1  }
0x15: {  	[smem:$0x3FB3] =	sst s0;
	s0 =	simm.s32 @!p2 $0x0  }
0x16: {  	s3 =	sld [smem:$0x3FDB];
	s0 =	simm.s32 @p2 $0x1  }
0x17: {  	s4 =	simm.s32 $0x1BF5;
	[smem:$0x3FB5] =	sst s0  }
0x18: {  	s0 =	sld [smem:$0x3F98];
	_ =	swait.ge [sflag:s4], $0x0  }
0x19: {  	s7 =	sld [smem:$0x3F99]  }
0x1a: {  	s8 =	sadd.s32 $0xFFFFE003, lr  }
0x1b: {  	s9 =	sadd.s32 $0xFFFFFEF7, lr;
	s5 =	simm.s32 $0xFFFFFFFF;
	p2 =	slt.u32 s8, $0xFFFFF086  }
0x1c: {  	p1 =	slt.u32 s9, $0xF7A;
	s5 =	simm.s32 @!p2 $0x0  }
0x1d: {  	s5 =	simm.s32 @p1 $0x1;
	p0 =	seq.s32 s7, s2  }
0x1e: {  	s7 =	smul.u32 @!p0 $0xF7A, s2;
	p2 =	seq.s32 @!p0 s5, $0x0  }
0x1f: {  	s9 =	smul.u32 $0xF7A, s1;
	s8 =	simm.s32 @!p0 $0x1BF5;
	p2 =	por !p2, p0  }
0x20: {  	[sflag:s8] =	ssyncset.s32 @!p0 $0xFFFFF086;
	s6 =	sadd.s32 @!p0 s3, s7;
	s7 =	simm.s32 @!p0 $0x108  }
0x21: {  	s3 =	sadd.s32 s3, s9;
	s6 =	sadd.s32 @!p0 $0x88, s6;
	s7 =	simm.s32 @p2 $0x1082  }
0x22: {  	[simem:s7], [sflag:s8] =	dma.local @!p0 [hbm:s6], $0xF7A  }
0x23: {  	s9 =	sor.u32 $0xD0000000, s2;
	s6 =	simm.s32 $0x108;
	_ =	swait.ge @!p0 [sflag:s8], $0x0  }
0x24: {  	s3 =	sadd.s32 $0x88, s3;
	s6 =	simm.s32 @!p1 $0x1082;
	[sflag:s4] =	ssyncset.s32 $0xFFFFF086  }
0x25: {  	[simem:s6], [sflag:s4] =	dma.local [hbm:s3], $0xF7A  }
0x26: {  	[smem:$0x3F99] =	sst s1;
	(tag) =	ssettag s2;
	_ =	strace s9  }
0x27: {  	s1 =	sld [smem:$0x3FA9]  }
0x28: {  	s2 =	sld [smem:$0x3FAA]  }
0x29: {  	s4 =	sld [smem:$0x3FAC]  }
0x2a: {  	p0 =	seq.s32 s5, $0x0;
	s5 =	sld [smem:$0x3FAD]  }
0x2b: {  	s6 =	sld [smem:$0x3FAE]  }
0x2c: {  	s7 =	sld [smem:$0x3FAF]  }
0x2d: {  	s3 =	simm.s32 $0x108;
	s8 =	sld [smem:$0x3FB0]  }
0x2e: {  	s3 =	simm.s32 @!p0 $0x1082;
	s9 =	sld [smem:$0x3FB1]  }
0x2f: {  	lr =	sadd.s32 s0, s3;
	s0 =	sld [smem:$0x3FA8]  }
0x30: {  	s3 =	sld [smem:$0x3FAB]  }
0x31: {  	[smem:$0x3FB4] =	sst s10  }
0x32: {  	s10 =	sld [smem:$0x3FB2];
	_ =	sdelay $0x3  }
0x33: {  	p0 =	seq.s32 s10, $0x1;
	s10 =	sld [smem:$0x3FB4];
	_ =	sdelay $0x3  }
0x34: {  	[smem:$0x3FB4] =	sst s10  }
0x35: {  	s10 =	sld [smem:$0x3FB3];
	_ =	sdelay $0x3  }
0x36: {  	p1 =	seq.s32 s10, $0x1;
	s10 =	sld [smem:$0x3FB4];
	_ =	sdelay $0x3  }
0x37: {  	[smem:$0x3FB4] =	sst s10  }
0x38: {  	s10 =	sld [smem:$0x3FB5]  }
0x39: {  	_ = 	snop;
	(pc) =	sbr.ind lr, $3  }
0x3a: {  	_ = 	snop  }
0x3b: {  	_ = 	snop  }
0x3c: {  	p2 =	seq.s32 s10, $0x1;
	s10 =	sld [smem:$0x3FB4]  }
0x3d: {  	_ =	shalt  }
0x3e: {  	_ =	shalt  }
0x3f: {  	_ =	shalt  }
0x40: {  	_ =	shalt  }
0x41: {  	_ =	shalt  }
0x42: {  	_ =	shalt  }
0x43: {  	_ =	shalt  }
0x44: {  	_ =	shalt  }
0x45: {  	_ =	shalt  }
0x46: {  	_ =	shalt  }
0x47: {  	_ =	shalt  }
0x48: {  	_ =	shalt  }
0x49: {  	_ =	shalt  }
0x4a: {  	_ =	shalt  }
0x4b: {  	_ =	shalt  }
0x4c: {  	_ =	shalt  }
0x4d: {  	_ =	shalt  }
0x4e: {  	_ =	shalt  }
0x4f: {  	_ =	shalt  }
0x50: {  	_ =	shalt  }
0x51: {  	_ =	shalt  }
0x52: {  	_ =	shalt  }
0x53: {  	_ =	shalt  }
0x54: {  	_ =	shalt  }
0x55: {  	_ =	shalt  }
0x56: {  	_ =	shalt  }
0x57: {  	_ =	shalt  }
0x58: {  	_ =	shalt  }
0x59: {  	_ =	shalt  }
0x5a: {  	_ =	shalt  }
0x5b: {  	_ =	shalt  }
0x5c: {  	_ =	shalt  }
0x5d: {  	_ =	shalt  }
0x5e: {  	_ =	shalt  }
0x5f: {  	_ =	shalt  }
0x60: {  	_ =	shalt  }
0x61: {  	_ =	shalt  }
0x62: {  	_ =	shalt  }
0x63: {  	_ =	shalt  }
0x64: {  	_ =	shalt  }
0x65: {  	_ =	shalt  }
0x66: {  	_ =	shalt  }
0x67: {  	_ =	shalt  }
0x68: {  	_ =	shalt  }
0x69: {  	_ =	shalt  }
0x6a: {  	_ =	shalt  }
0x6b: {  	_ =	shalt  }
0x6c: {  	_ =	shalt  }
0x6d: {  	_ =	shalt  }
0x6e: {  	_ =	shalt  }
0x6f: {  	_ =	shalt  }
0x70: {  	_ =	shalt  }
0x71: {  	_ =	shalt  }
0x72: {  	_ =	shalt  }
0x73: {  	_ =	shalt  }
0x74: {  	_ =	shalt  }
0x75: {  	_ =	shalt  }
0x76: {  	_ =	shalt  }
0x77: {  	_ =	shalt  }
0x78: {  	_ =	shalt  }
0x79: {  	_ =	shalt  }
0x7a: {  	_ =	shalt  }
0x7b: {  	_ =	shalt  }
0x7c: {  	_ =	shalt  }
0x7d: {  	_ =	shalt  }
0x7e: {  	_ =	shalt  }
0x7f: {  	_ =	shalt  }
0x80: {  	_ =	shalt  }
0x81: {  	_ =	shalt  }
0x82: {  	_ =	shalt  }
0x83: {  	_ =	shalt  }
0x84: {  	_ =	shalt  }
0x85: {  	_ =	shalt  }
0x86: {  	_ =	shalt  }
0x87: {  	_ =	shalt  }
.Lfunc_end0:
.L_simem_size_0:
called_computation.2_lowered:
.L_overlay_start_0:
0x88: {  	s2 =	sld [smem:$0x3FD9]  }
0x89: {  	s3 =	sld [smem:$0x3FFE];
	_ =	sdelay $0x1  }
0x8a: {  	s1 =	srdreg.scid  }
0x8b: {  	s0 =	sand.u32 $0x1, s1  }
0x8c: {  	s14 =	sshll.u32 s0, $0xA;
	s2 =	sadd.s32 s3, s2  }
0x8d: {  	s2 =	sadd.s32 s2, s14  }
0x8e: {  	[smem:$0x3FC0] =	sst s2  }
0x8f: {  	_ = 	snop  }
0x90: {  	s2 =	sld [smem:$0x3FD0];
	_ =	sdelay $0x2  }
0x91: {  	s15 =	simm.s32 $0xA;
	s4 =	simm.s32 $0x10  }
0x92: {  	[smem:s4], [sflag:s15] =	dma.local [hbm:s2], $0x1  }
0x93: {  	_ =	swait.eq [sflag:s15], $0x1  }
0x94: {  	[sflag:s15] =	ssyncset.done $0x0  }
0x95: {  	s16 =	sld [smem:$0x10];
	[sflag:s15] =	ssyncadd.s32 $0xFFFFFFFF  }
0x96: {  	s17 =	sld [smem:$0x11];
	(tm) =	ssettm $0x1  }
0x97: {  	s18 =	sld [smem:$0x3FFB];
	_ =	sdelay $0x3  }
0x98: {  	_ =	strace s18  }
0x99: {  	s4 =	sld [smem:$0x3FFC];
	_ =	sdelay $0x3  }
0x9a: {  	_ =	strace s4  }
0x9b: {  	s4 =	sld [smem:$0x3FFD];
	_ =	sdelay $0x3  }
0x9c: {  	_ =	strace s4  }
0x9d: {  	_ =	strace $0x8FFFFFFF  }
0x9e: {  	s19 =	sld [smem:$0x3FDB];
	_ =	sdelay $0x1  }
0x9f: {  	s5 =	simm.s32 $_scs_section_size  }
0xa0: {  	s6 =	simm.s32 $_size__tile_overlayer_lowered;
	s7 =	simm.s32 $_tile_overlayer_lowered  }
0xa1: {  	s22 =	simm.s32 $0x1BFF;
	s21 =	sshll.u32 s7, $0x1;
	s4 =	sadd.s32 s5, s19  }
0xa2: {  	s8 =	simm.s32 $0x0;
	s20 =	sshll.u32 s6, $0x1;
	s6 =	sadd.s32 s21, s4  }
0xa3: {  	[timem:s8], [sflag:s22] =	dma.local [hbm:s6], s20  }
0xa4: {  	_ =	swait.ge [sflag:s22], s20  }
0xa5: {  	s5 =	ssub.s32 $0x0, s20;
	[sflag:s22] =	ssyncset.done $0x0  }
0xa6: {  	[sflag:s22] =	ssyncadd.s32 s5;
	_ =	sdelay $0x1  }
0xa7: {  	s23 =	simm.s32 $0x1B8B  }
0xa8: {  	_ =	swait.ge [sflag:s23], $0x1  }
0xa9: {  	[sflag:s23] =	ssyncset.done $0x0  }
0xaa: {  	s25 =	simm.s32 $0x1B8E;
	s24 =	sld [smem:$0x3FFE];
	[sflag:s23] =	ssyncadd.s32 $0xFFFFFFFF  }
0xab: {  	s26 =	simm.s32 $execute0_lowered;
	[smem:$0x3FD2] =	sst s25  }
0xac: {  	s6 =	sshll.u32 s26, $0x1;
	_ =	strace $0x8000004C;
	[dreg:$0x1] =	wrdreg $0xFFFFFFFF  }
0xad: {  	s28 =	simm.s32 $_size_execute0_lowered;
	s4 =	sadd.s32 s4, s6;
	[dreg:$0x0] =	wrdreg $0x0  }
0xae: {  	s6 =	sshll.u32 s28, $0x1;
	[dreg:$0x2] =	wrdreg s4  }
0xaf: {  	[dreg:$0x3] =	wrdreg s6  }
0xb0: {  	[dreg:$0x4] =	wrdreg $0xC0  }
0xb1: {  	_ =	task [dreg:s8], $0x5FFFF  }
0xb2: {  	[dreg:$0x1] =	wrdreg $0xFFFFFFFF  }
0xb3: {  	[dreg:$0x0] =	wrdreg $0x60  }
0xb4: {  	[dreg:$0x2] =	wrdreg s24  }
0xb5: {  	[dreg:$0x3] =	wrdreg s16  }
0xb6: {  	[dreg:$0x4] =	wrdreg s17  }
0xb7: {  	[dreg:$0x5] =	wrdreg $0x92000  }
0xb8: {  	[dreg:$0x6] =	wrdreg $0x9  }
0xb9: {  	_ =	task.clear_ibuf [dreg:s8], $0x7FFFF;
	_ =	strace $0x9000004C  }
0xba: {  	s29 =	simm.s32 $0x9;
	_ =	strace $0x8000004E  }
0xbb: {  	_ =	swait.ge [sflag:s29], $0x1  }
0xbc: {  	[sflag:s29] =	ssyncadd.s32 $0xFFFFFFFF  }
0xbd: {  	_ =	strace $0x9000004E  }
0xbe: {  	_ =	sfence  }
0xbf: {  	s30 =	sld [smem:$0x0];
	_ =	sdelay $0x2  }
0xc0: {  	s31 =	sshll.u32 s1, $0xD;
	s1 =	sshrl.u32 s1, $0x2  }
0xc1: {  	s3 =	sand.u32 $0x4000, s31;
	s1 =	sadd.s32 s1, s30  }
0xc2: {  	s0 =	sor.u32 s3, s0;
	s1 =	sshll.u32 s1, $0x11  }
0xc3: {  	s0 =	sor.u32 s1, s0  }
0xc4: {  	s0 =	sadd.s32 $0x8F2B, s0  }
0xc5: {  	[sflag:s0] =	ssyncadd.remote.s32 $0x1  }
0xc6: {  	_ =	sfence.sel $0xFFFF  }
0xc7: {  	[dreg:$0x0] =	wrdreg $0xFFFFFFFF;
	(pc) =	sbr.abs _section_cstart, $3  }
0xc8: {  	[dreg:$0x1] =	wrdreg $0xFFFFFFFF  }
0xc9: {  	_ =	task.clear_ibuf [dreg:s8], $0x2FFFF;
	_ =	strace $0x9FFFFFFF  }
0xca: {  	(tm) =	ssettm $0x7FFFFFFF  }
0xcb: {  	_ =	shalt  }
tec
execute0_lowered:
.L_overlay_start_1:
0x0: {  	(tag) =	ssettag $0x1  }
0x1: {  	s0 =	rddreg [dreg:$0x0]  }
0x2: {  	s1 =	rddreg [dreg:$0x1]  }
0x3: {  	s8 =	rddreg [dreg:$0x2];
	s10 =	stileid.u32  }
0x4: {  	s2 =	rddreg [dreg:$0x3];
	s6 =	smul.u32 $0x2800, s10  }
0x5: {  	s4 =	srdreg.scid;
	s3 =	simm.s32 $0x0;
	s9 =	smul.u32 $0x50, s10  }
0x6: {  	s5 =	sand.u32 $0x1, s4;
	[smem:$0x7FF] =	sst s3;
	s10 =	smul.u32 $0x50000, s10  }
0x7: {  	s4 =	sadd.s32 $0x2400, s0;
	s7 =	smul.u32 $0x28000, s5;
	_ =	strace $0x8000004D  }
0x8: {  	s24 =	ssub.s32 $0x2, s5;
	p0 =	seq.s32 s5, $0x0;
	s5 =	sadd.s32 $0x500, s9  }
0x9: {  	s25 =	sshrl.u32 s24, $0x1;
	s10 =	sshrl.u32 s10, $0x2;
	s6 =	sadd.s32 s6, s7  }
0xa: {  	s5 =	smov.u32 @p0 s9;
	s26 =	ssub.s32 s24, s25;
	s9 =	simm.s32 $0x80  }
0xb: {  	s0 =	sadd.s32 s6, s0;
	s11 =	sshll.u32 s5, $0x4;
	s14 =	smax.u32 s26, $0x1  }
0xc: {  	s5 =	sadd.s32 s10, s2;
	s0 =	sadd.s32 $0x2A400, s0;
	[dreg:$0x8] =	wrdreg s14  }
0xd: {  	s10 =	simm.s32 $0x180;
	s15 =	sadd.s32 $0x1000, s5;
	[dreg:$0x7] =	wrdreg s0  }
0xe: {  	s6 =	sadd.s32 s1, s11;
	s16 =	sadd.s32 $0x2000, s5;
	[dreg:$0x9] =	wrdreg s15  }
0xf: {  	s12 =	sor.u32 $0x10, s11;
	s17 =	sadd.s32 $0x3000, s5;
	[dreg:$0xa] =	wrdreg s16  }
0x10: {  	s7 =	sadd.s32 s8, s11;
	s18 =	sadd.s32 $0x4000, s5;
	[dreg:$0xb] =	wrdreg s17  }
0x11: {  	s19 =	sadd.s32 $0x5000, s5;
	s20 =	sadd.s32 $0x6000, s5;
	[dreg:$0xc] =	wrdreg s18  }
0x12: {  	s21 =	sadd.s32 $0x7000, s5;
	s22 =	sadd.s32 $0x8000, s5;
	[dreg:$0xd] =	wrdreg s19  }
0x13: {  	s23 =	sadd.s32 $0x9000, s5;
	s24 =	sadd.s32 $0xA000, s5;
	[dreg:$0xe] =	wrdreg s20  }
0x14: {  	s25 =	sadd.s32 $0xB000, s5;
	s26 =	sadd.s32 $0xC000, s5;
	[dreg:$0xf] =	wrdreg s21  }
0x15: {  	s28 =	sadd.s32 $0x10000, s5;
	s29 =	sadd.s32 $0x11000, s5;
	[dreg:$0x10] =	wrdreg s22  }
0x16: {  	s30 =	sadd.s32 $0x12000, s5;
	s31 =	sadd.s32 $0x13000, s5;
	[dreg:$0x11] =	wrdreg s23  }
0x17: {  	s11 =	simm.s32 $0x1;
	s14 =	simm.s32 $0x4200;
	[dreg:$0x12] =	wrdreg s24  }
0x18: {  	s1 =	sadd.s32 s1, s12;
	s13 =	sadd.s32 s8, s12;
	[dreg:$0x13] =	wrdreg s25  }
0x19: {  	[dreg:$0x14] =	wrdreg s26;
	s24 =	sadd.s32 $0xD000, s5;
	s25 =	sadd.s32 $0xE000, s5  }
.Ltmp0:
0x1a: {  	s26 =	sadd.s32 $0xF000, s5;
	s0 =	simm.s32 $0x8200;
	(pc) =	sbr.rel .LBB2_1-.Ltmp0, $4  }
0x1b: {  	s8 =	simm.s32 $0x100;
	s12 =	simm.s32 $0x200;
	s15 =	simm.s32 $0x5  }
0x1c: {  	s16 =	simm.s32 $0x3;
	s17 =	simm.s32 $0x8;
	s18 =	simm.s32 $0x6  }
0x1d: {  	s19 =	simm.s32 $0x4;
	s20 =	simm.s32 $0x0;
	[dreg:$0x5] =	wrdreg s1  }
0x1e: {  	v0 =	vimm.f32 $0.0e+00;
	[dreg:$0x6] =	wrdreg s13;
	s1 =	simm.s32 $0x7;
	s13 =	simm.s32 $0x2  }
.LBB2_6:
0x1f: {  	_ =	swait.ge [sflag:s18], $0x4000  }
0x20: {  	[sflag:s18] =	ssyncset.done $0x0  }
0x21: {  	[sflag:s18] =	ssyncadd.s32 $0xFFFFC000  }
0x22: {  	_ =	swait.ge [sflag:s19], $0x80  }
0x23: {  	[sflag:s19] =	ssyncset.done $0x0  }
0x24: {  	[sflag:s19] =	ssyncadd.s32 $0xFFFFFF80  }
0x25: {  	[spmem:s2] =	stream.indirect.scatter.add.f32 [tilespmem:s14], [sflag:$0x8], $0x80, s10, s9, $0xb8;
	[tilespmem:$0x1D200] =	vst v63  }
0x26: {  	_ =	swait.ge [sflag:s17], $0x4000  }
0x27: {  	[sflag:s17] =	ssyncset.done $0x0  }
0x28: {  	s21 =	stileid.u32;
	[sflag:s17] =	ssyncadd.s32 $0xFFFFC000  }
0x29: {  	s21 =	sshll.u32 s21, $0x6;
	[bflag:$0x0] =	sbarrier.arrive $0xFFFF  }
0x2a: {  	s22 =	sshrl.u32 s5, $0x3;
	s21 =	sor.u32 $0x1C08, s21;
	s23 =	rddreg [dreg:$0x7]  }
0x2b: {  	[hbm:s23], [sflag:s21] =	dma.local [spmem:s22], $0x2800  }
0x2c: {  	_ =	swait.ge [sflag:s17], $0x2800  }
0x2d: {  	s20 =	sadd.s32 $0x1, s20;
	s23 =	rddreg [dreg:$0x8]  }
0x2e: {  	p0 =	sne.s32 s20, s23  }
.Ltmp1:
0x2f: {  	_ = 	snop;
	(pc) =	sbr.rel @!p0 .LBB2_7-.Ltmp1, $3  }
0x30: {  	_ =	sdelay $0x1  }
0x31: {  	[sflag:s17] =	ssyncset.done $0x0  }
0x32: {  	[sflag:s17] =	ssyncadd.s32 $0xFFFFD800  }
.LBB2_1:
0x33: {  	s21 =	simm.s32 $0x0;
	s22 =	simm.s32 $0x200  }
.LBB2_2:
0x34: {  	p0 =	sne.s32 s22, $0x3E00;
	[tilespmem:s21+$0x8270] =	vst v0  }
0x35: {  	[tilespmem:s21+$0x8200] =	vst v0  }
0x36: {  	[tilespmem:s21+$0x8210] =	vst v0  }
.Ltmp2:
0x37: {  	[tilespmem:s21+$0x8220] =	vst v0;
	(pc) =	sbr.rel @p0 .LBB2_2-.Ltmp2, $4  }
0x38: {  	[tilespmem:s21+$0x8230] =	vst v0  }
0x39: {  	[tilespmem:s21+$0x8240] =	vst v0  }
0x3a: {  	[tilespmem:s21+$0x8250] =	vst v0  }
0x3b: {  	[tilespmem:s21+$0x8260] =	vst v0;
	s21 =	sshra.s32 s22, $0x2;
	s22 =	sadd.s32 $0x200, s22  }
0x3c: {  	[tilespmem:s21+$0x8270] =	vst v0  }
0x3d: {  	[tilespmem:s21+$0x8200] =	vst v0  }
0x3e: {  	[tilespmem:s21+$0x8210] =	vst v0  }
0x3f: {  	[tilespmem:s21+$0x8220] =	vst v0  }
0x40: {  	[tilespmem:s21+$0x8230] =	vst v0  }
0x41: {  	[tilespmem:s21+$0x8240] =	vst v0  }
0x42: {  	[tilespmem:s21+$0x8250] =	vst v0  }
0x43: {  	[tilespmem:s21+$0x8260] =	vst v0  }
0x44: {  	[spmem:s5] =	stream.linear.scatter [tilespmem:s0], [sflag:$0x7], $0x1000, $0x38;
	[tilespmem:$0x1D200] =	vst v63  }
0x45: {  	s22 =	rddreg [dreg:$0x9]  }
0x46: {  	[spmem:s22] =	stream.linear.scatter [tilespmem:s0], [sflag:$0x7], $0x1000, $0x38;
	[tilespmem:$0x1D200] =	vst v63  }
0x47: {  	s23 =	rddreg [dreg:$0xa]  }
0x48: {  	[spmem:s23] =	stream.linear.scatter [tilespmem:s0], [sflag:$0x7], $0x1000, $0x38;
	[tilespmem:$0x1D200] =	vst v63  }
0x49: {  	s22 =	rddreg [dreg:$0xb]  }
0x4a: {  	[spmem:s22] =	stream.linear.scatter [tilespmem:s0], [sflag:$0x7], $0x1000, $0x38;
	[tilespmem:$0x1D200] =	vst v63  }
0x4b: {  	s23 =	rddreg [dreg:$0xc]  }
0x4c: {  	[spmem:s23] =	stream.linear.scatter [tilespmem:s0], [sflag:$0x7], $0x1000, $0x38;
	[tilespmem:$0x1D200] =	vst v63  }
0x4d: {  	s22 =	rddreg [dreg:$0xd]  }
0x4e: {  	[spmem:s22] =	stream.linear.scatter [tilespmem:s0], [sflag:$0x7], $0x1000, $0x38;
	[tilespmem:$0x1D200] =	vst v63  }
0x4f: {  	s23 =	rddreg [dreg:$0xe]  }
0x50: {  	[spmem:s23] =	stream.linear.scatter [tilespmem:s0], [sflag:$0x7], $0x1000, $0x38;
	[tilespmem:$0x1D200] =	vst v63  }
0x51: {  	s22 =	rddreg [dreg:$0xf]  }
0x52: {  	[spmem:s22] =	stream.linear.scatter [tilespmem:s0], [sflag:$0x7], $0x1000, $0x38;
	[tilespmem:$0x1D200] =	vst v63  }
0x53: {  	s23 =	rddreg [dreg:$0x10]  }
0x54: {  	[spmem:s23] =	stream.linear.scatter [tilespmem:s0], [sflag:$0x7], $0x1000, $0x38;
	[tilespmem:$0x1D200] =	vst v63  }
0x55: {  	s22 =	rddreg [dreg:$0x11]  }
0x56: {  	[spmem:s22] =	stream.linear.scatter [tilespmem:s0], [sflag:$0x7], $0x1000, $0x38;
	[tilespmem:$0x1D200] =	vst v63  }
0x57: {  	s23 =	rddreg [dreg:$0x12]  }
0x58: {  	[spmem:s23] =	stream.linear.scatter [tilespmem:s0], [sflag:$0x7], $0x1000, $0x38;
	[tilespmem:$0x1D200] =	vst v63  }
0x59: {  	s22 =	rddreg [dreg:$0x13]  }
0x5a: {  	[spmem:s22] =	stream.linear.scatter [tilespmem:s0], [sflag:$0x7], $0x1000, $0x38;
	[tilespmem:$0x1D200] =	vst v63  }
0x5b: {  	s23 =	rddreg [dreg:$0x14]  }
0x5c: {  	[spmem:s23] =	stream.linear.scatter [tilespmem:s0], [sflag:$0x7], $0x1000, $0x38;
	[tilespmem:$0x1D200] =	vst v63  }
0x5d: {  	_ = 	snop  }
0x5e: {  	[spmem:s24] =	stream.linear.scatter [tilespmem:s0], [sflag:$0x7], $0x1000, $0x38;
	[tilespmem:$0x1D200] =	vst v63  }
0x5f: {  	_ = 	snop  }
0x60: {  	[spmem:s25] =	stream.linear.scatter [tilespmem:s0], [sflag:$0x7], $0x1000, $0x38;
	[tilespmem:$0x1D200] =	vst v63  }
0x61: {  	_ = 	snop  }
0x62: {  	[spmem:s26] =	stream.linear.scatter [tilespmem:s0], [sflag:$0x7], $0x1000, $0x38;
	[tilespmem:$0x1D200] =	vst v63  }
0x63: {  	_ = 	snop  }
0x64: {  	[spmem:s28] =	stream.linear.scatter [tilespmem:s0], [sflag:$0x7], $0x1000, $0x38;
	[tilespmem:$0x1D200] =	vst v63  }
0x65: {  	_ = 	snop  }
0x66: {  	[spmem:s29] =	stream.linear.scatter [tilespmem:s0], [sflag:$0x7], $0x1000, $0x38;
	[tilespmem:$0x1D200] =	vst v63  }
0x67: {  	_ = 	snop  }
0x68: {  	[spmem:s30] =	stream.linear.scatter [tilespmem:s0], [sflag:$0x7], $0x1000, $0x38;
	[tilespmem:$0x1D200] =	vst v63  }
0x69: {  	_ = 	snop  }
0x6a: {  	[spmem:s31] =	stream.linear.scatter [tilespmem:s0], [sflag:$0x7], $0x1000, $0x38;
	[tilespmem:$0x1D200] =	vst v63  }
0x6b: {  	_ =	swait.ge [sflag:s1], $0x1000  }
0x6c: {  	[sflag:s1] =	ssyncset.done $0x0  }
0x6d: {  	[sflag:s1] =	ssyncadd.s32 $0xFFFFF000  }
0x6e: {  	_ =	swait.ge [sflag:s1], $0x1000  }
0x6f: {  	[sflag:s1] =	ssyncset.done $0x0  }
0x70: {  	[sflag:s1] =	ssyncadd.s32 $0xFFFFF000  }
0x71: {  	_ =	swait.ge [sflag:s1], $0x1000  }
0x72: {  	[sflag:s1] =	ssyncset.done $0x0  }
0x73: {  	[sflag:s1] =	ssyncadd.s32 $0xFFFFF000  }
0x74: {  	_ =	swait.ge [sflag:s1], $0x1000  }
0x75: {  	[sflag:s1] =	ssyncset.done $0x0  }
0x76: {  	[sflag:s1] =	ssyncadd.s32 $0xFFFFF000  }
0x77: {  	_ =	swait.ge [sflag:s1], $0x1000  }
0x78: {  	[sflag:s1] =	ssyncset.done $0x0  }
0x79: {  	[sflag:s1] =	ssyncadd.s32 $0xFFFFF000  }
0x7a: {  	_ =	swait.ge [sflag:s1], $0x1000  }
0x7b: {  	[sflag:s1] =	ssyncset.done $0x0  }
0x7c: {  	[sflag:s1] =	ssyncadd.s32 $0xFFFFF000  }
0x7d: {  	_ =	swait.ge [sflag:s1], $0x1000  }
0x7e: {  	[sflag:s1] =	ssyncset.done $0x0  }
0x7f: {  	[sflag:s1] =	ssyncadd.s32 $0xFFFFF000  }
0x80: {  	_ =	swait.ge [sflag:s1], $0x1000  }
0x81: {  	[sflag:s1] =	ssyncset.done $0x0  }
0x82: {  	[sflag:s1] =	ssyncadd.s32 $0xFFFFF000  }
0x83: {  	_ =	swait.ge [sflag:s1], $0x1000  }
0x84: {  	[sflag:s1] =	ssyncset.done $0x0  }
0x85: {  	[sflag:s1] =	ssyncadd.s32 $0xFFFFF000  }
0x86: {  	_ =	swait.ge [sflag:s1], $0x1000  }
0x87: {  	[sflag:s1] =	ssyncset.done $0x0  }
0x88: {  	[sflag:s1] =	ssyncadd.s32 $0xFFFFF000  }
0x89: {  	_ =	swait.ge [sflag:s1], $0x1000  }
0x8a: {  	[sflag:s1] =	ssyncset.done $0x0  }
0x8b: {  	[sflag:s1] =	ssyncadd.s32 $0xFFFFF000  }
0x8c: {  	_ =	swait.ge [sflag:s1], $0x1000  }
0x8d: {  	[sflag:s1] =	ssyncset.done $0x0  }
0x8e: {  	[sflag:s1] =	ssyncadd.s32 $0xFFFFF000  }
0x8f: {  	_ =	swait.ge [sflag:s1], $0x1000  }
0x90: {  	[sflag:s1] =	ssyncset.done $0x0  }
0x91: {  	[sflag:s1] =	ssyncadd.s32 $0xFFFFF000  }
0x92: {  	_ =	swait.ge [sflag:s1], $0x1000  }
0x93: {  	[sflag:s1] =	ssyncset.done $0x0  }
0x94: {  	[sflag:s1] =	ssyncadd.s32 $0xFFFFF000  }
0x95: {  	_ =	swait.ge [sflag:s1], $0x1000  }
0x96: {  	[sflag:s1] =	ssyncset.done $0x0  }
0x97: {  	[sflag:s1] =	ssyncadd.s32 $0xFFFFF000  }
0x98: {  	_ =	swait.ge [sflag:s1], $0x1000  }
0x99: {  	[sflag:s1] =	ssyncset.done $0x0  }
0x9a: {  	[sflag:s1] =	ssyncadd.s32 $0xFFFFF000  }
0x9b: {  	_ =	swait.ge [sflag:s1], $0x1000  }
0x9c: {  	[sflag:s1] =	ssyncset.done $0x0  }
0x9d: {  	[sflag:s1] =	ssyncadd.s32 $0xFFFFF000  }
0x9e: {  	_ =	swait.ge [sflag:s1], $0x1000  }
0x9f: {  	[sflag:s1] =	ssyncset.done $0x0  }
0xa0: {  	[sflag:s1] =	ssyncadd.s32 $0xFFFFF000  }
0xa1: {  	_ =	swait.ge [sflag:s1], $0x1000  }
0xa2: {  	[sflag:s1] =	ssyncset.done $0x0  }
0xa3: {  	[sflag:s1] =	ssyncadd.s32 $0xFFFFF000  }
0xa4: {  	_ =	swait.ge [sflag:s1], $0x1000  }
0xa5: {  	[sflag:s1] =	ssyncset.done $0x0  }
0xa6: {  	[sflag:s1] =	ssyncadd.s32 $0xFFFFF000  }
0xa7: {  	[tilespmem:s3], [sflag:$0x1] =	stream.linear.gather [hbm4b:s6+s3], $0x80, $0x38;
	[tilespmem:$0x1D200] =	vst v63  }
0xa8: {  	_ = 	snop  }
0xa9: {  	[tilespmem:s8], [sflag:$0x3] =	stream.linear.gather [hbm4b:s7+s3], $0x80, $0x38;
	[tilespmem:$0x1D200] =	vst v63  }
0xaa: {  	s22 =	rddreg [dreg:$0x5]  }
0xab: {  	[tilespmem:s9], [sflag:$0x2] =	stream.linear.gather [hbm4b:s22+s3], $0x80, $0x38;
	[tilespmem:$0x1D200] =	vst v63  }
0xac: {  	s23 =	rddreg [dreg:$0x6]  }
0xad: {  	[tilespmem:s10], [sflag:$0x4] =	stream.linear.gather [hbm4b:s23+s3], $0x80, $0x38;
	[tilespmem:$0x1D200] =	vst v63  }
0xae: {  	_ =	swait.ge [sflag:s11], $0x80  }
0xaf: {  	[sflag:s11] =	ssyncset.done $0x0  }
0xb0: {  	[sflag:s11] =	ssyncadd.s32 $0xFFFFFF80  }
0xb1: {  	[tilespmem:s12], [sflag:$0x5] =	stream.indirect.gather [hbm4b:s4+s9], $0x80, s3, s9, $0xb8;
	[tilespmem:$0x1D200] =	vst v63  }
0xb2: {  	_ =	swait.ge [sflag:s13], $0x80  }
0xb3: {  	[sflag:s13] =	ssyncset.done $0x0  }
0xb4: {  	[sflag:s13] =	ssyncadd.s32 $0xFFFFFF80  }
0xb5: {  	[tilespmem:s14], [sflag:$0x6] =	stream.indirect.gather [hbm4b:s4+s9], $0x80, s9, s9, $0xb8;
	[tilespmem:$0x1D200] =	vst v63  }
0xb6: {  	s21 =	simm.s32 $0xFFFFFB20;
	[bflag:$0x0] =	sbarrier.arrive $0xFFFF  }
.LBB2_4:
0xb7: {  	_ =	swait.ge [sflag:s15], $0x4000;
	p0 =	seq.s32 s21, $0x0  }
0xb8: {  	[sflag:s15] =	ssyncset.done $0x0;
	s22 =	sadd.s32 @!p0 s21, s6  }
0xb9: {  	s23 =	simm.s32 @!p0 $0x0;
	[sflag:s15] =	ssyncadd.s32 $0xFFFFC000;
	s22 =	sadd.s32 @!p0 $0x500, s22  }
0xba: {  	[tilespmem:s23], [sflag:$0x1] =	stream.linear.gather @!p0 [hbm4b:s22+s23], $0x80, $0x38;
	[tilespmem:$0x1D200] =	vst v63  }
0xbb: {  	_ =	swait.ge [sflag:s16], $0x80  }
0xbc: {  	[sflag:s16] =	ssyncset.done $0x0  }
.Ltmp3:
0xbd: {  	[sflag:s16] =	ssyncadd.s32 $0xFFFFFF80;
	(pc) =	sbr.rel @p0 .LBB2_6-.Ltmp3, $4  }
0xbe: {  	[spmem:s2] =	stream.indirect.scatter.add.f32 [tilespmem:s12], [sflag:$0x8], $0x80, s8, s9, $0xb8;
	[tilespmem:$0x1D200] =	vst v63  }
0xbf: {  	_ =	swait.ge [sflag:s17], $0x4000  }
0xc0: {  	[sflag:s17] =	ssyncset.done $0x0  }
0xc1: {  	[sflag:s17] =	ssyncadd.s32 $0xFFFFC000  }
0xc2: {  	s22 =	sadd.s32 s21, s7  }
0xc3: {  	s23 =	sadd.s32 $0x500, s22  }
0xc4: {  	[tilespmem:s8], [sflag:$0x3] =	stream.linear.gather [hbm4b:s23+s3], $0x80, $0x38;
	[tilespmem:$0x1D200] =	vst v63  }
0xc5: {  	_ =	swait.ge [sflag:s11], $0x80  }
0xc6: {  	[sflag:s11] =	ssyncset.done $0x0  }
0xc7: {  	[sflag:s11] =	ssyncadd.s32 $0xFFFFFF80  }
0xc8: {  	[tilespmem:s12], [sflag:$0x5] =	stream.indirect.gather [hbm4b:s4+s9], $0x80, s3, s9, $0xb8;
	[tilespmem:$0x1D200] =	vst v63  }
0xc9: {  	_ =	swait.ge [sflag:s18], $0x4000  }
0xca: {  	s23 =	sadd.s32 s21, s6;
	[sflag:s18] =	ssyncset.done $0x0  }
0xcb: {  	s23 =	sadd.s32 $0x510, s23;
	[sflag:s18] =	ssyncadd.s32 $0xFFFFC000  }
0xcc: {  	[tilespmem:s9], [sflag:$0x2] =	stream.linear.gather [hbm4b:s23+s3], $0x80, $0x38;
	[tilespmem:$0x1D200] =	vst v63  }
0xcd: {  	_ =	swait.ge [sflag:s19], $0x80  }
0xce: {  	[sflag:s19] =	ssyncset.done $0x0  }
0xcf: {  	[sflag:s19] =	ssyncadd.s32 $0xFFFFFF80  }
0xd0: {  	[spmem:s2] =	stream.indirect.scatter.add.f32 [tilespmem:s14], [sflag:$0x8], $0x80, s10, s9, $0xb8;
	[tilespmem:$0x1D200] =	vst v63  }
0xd1: {  	_ =	swait.ge [sflag:s17], $0x4000  }
0xd2: {  	[sflag:s17] =	ssyncset.done $0x0  }
0xd3: {  	s22 =	sadd.s32 $0x510, s22;
	[sflag:s17] =	ssyncadd.s32 $0xFFFFC000  }
0xd4: {  	[tilespmem:s10], [sflag:$0x4] =	stream.linear.gather [hbm4b:s22+s3], $0x80, $0x38;
	[tilespmem:$0x1D200] =	vst v63  }
.Ltmp4:
0xd5: {  	_ = 	snop;
	(pc) =	sbr.rel .LBB2_4-.Ltmp4, $4  }
0xd6: {  	_ =	swait.ge [sflag:s13], $0x80  }
0xd7: {  	[sflag:s13] =	ssyncset.done $0x0  }
0xd8: {  	s21 =	sadd.s32 $0x20, s21;
	[sflag:s13] =	ssyncadd.s32 $0xFFFFFF80  }
0xd9: {  	[tilespmem:s14], [sflag:$0x6] =	stream.indirect.gather [hbm4b:s4+s9], $0x80, s9, s9, $0xb8;
	[tilespmem:$0x1D200] =	vst v63  }
.LBB2_7:
0xda: {  	_ =	sfence.sel $0x180000  }
0xdb: {  	[bflag:$0x0] =	sbarrier.arrive $0xFFFF  }
0xdc: {  	_ =	strace $0x9000004D  }
0xdd: {  	s0 =	stileid.u32;
	[bflag:$0x2] =	sbarrier.arrive $0xFFFF  }
0xde: {  	p0 =	sne.s32 s0, $0x0;
	s0 =	rddreg [dreg:$0x4]  }
0xdf: {  	s0 =	sadd.s32 @!p0 $0x100000, s0  }
0xe0: {  	[sflag:s0] =	ssyncadd.tile.s32 @!p0 $0x1;
	_ =	shalt  }
.Lfunc_end2:
_tile_overlayer_lowered:
.L_overlay_start_2:
0xe1: {  	(tag) =	ssettag $0x2  }
0xe2: {  	s0 =	rddreg [dreg:$0x0];
	s2 =	stileid.u32  }
0xe3: {  	s1 =	rddreg [dreg:$0x1];
	p0 =	sne.s32 s2, $0x0  }
0xe4: {  	s3 =	rddreg [dreg:$0x2];
	[bflag:$0x3] =	sbarrier.arrive $0xFFFF;
	s2 =	simm.s32 @!p0 $0x1C08  }
0xe5: {  	[timem:s3], [sflag:s2] =	dma.local @!p0 [hbm:s0], s1  }
0xe6: {  	s0 =	simm.s32 @!p0 $0x8  }
0xe7: {  	_ =	swait.ge @!p0 [sflag:s0], s1  }
0xe8: {  	s1 =	ssub.s32 @!p0 $0x0, s1;
	[sflag:s0] =	ssyncset.done @!p0 $0x0  }
0xe9: {  	[sflag:s0] =	ssyncadd.s32 @!p0 s1  }
0xea: {  	[bflag:$0x3] =	sbarrier.arrive $0xFFFF  }
0xeb: {  	_ =	shalt  }

// kernel: kernel.9.cloned.1.call-start
scs
__scs_entry_jumppad:
0x0: {  	(pc) =	sbr.rel $0x88, $3  }
0x1: {  	(tag) =	ssettag $0x0;
	lr =	simm.s32 $0x1  }
0x2: {  	[smem:$0x3F99] =	sst lr;
	_ =	strace $0xD0000000  }
0x3: {  	_ = 	snop  }
0x4: {  	_ = 	snop  }
0x5: {  	_ = 	snop  }
0x6: {  	_ = 	snop  }
0x7: {  	_ = 	snop  }
__scs_overlays_trampoline_lowered:
0x8: {  	[smem:$0x3FA8] =	sst s0  }
0x9: {  	[smem:$0x3FA9] =	sst s1  }
0xa: {  	[smem:$0x3FAA] =	sst s2  }
0xb: {  	[smem:$0x3FAB] =	sst s3  }
0xc: {  	[smem:$0x3FAC] =	sst s4  }
0xd: {  	[smem:$0x3FAD] =	sst s5  }
0xe: {  	[smem:$0x3FAE] =	sst s6  }
0xf: {  	[smem:$0x3FAF] =	sst s7  }
0x10: {  	[smem:$0x3FB0] =	sst s8  }
0x11: {  	[smem:$0x3FB1] =	sst s9;
	s0 =	simm.s32 @!p0 $0x0  }
0x12: {  	s1 =	sld [smem:$0x3F97];
	s0 =	simm.s32 @p0 $0x1  }
0x13: {  	[smem:$0x3FB2] =	sst s0;
	s0 =	simm.s32 @!p1 $0x0  }
0x14: {  	s2 =	sld [smem:$0x3F96];
	s0 =	simm.s32 @p1 $0x1  }
0x15: {  	[smem:$0x3FB3] =	sst s0;
	s0 =	simm.s32 @!p2 $0x0  }
0x16: {  	s3 =	sld [smem:$0x3FDB];
	s0 =	simm.s32 @p2 $0x1  }
0x17: {  	s4 =	simm.s32 $0x1BF5;
	[smem:$0x3FB5] =	sst s0  }
0x18: {  	s0 =	sld [smem:$0x3F98];
	_ =	swait.ge [sflag:s4], $0x0  }
0x19: {  	s7 =	sld [smem:$0x3F99]  }
0x1a: {  	s8 =	sadd.s32 $0xFFFFE003, lr  }
0x1b: {  	s9 =	sadd.s32 $0xFFFFFEF7, lr;
	s5 =	simm.s32 $0xFFFFFFFF;
	p2 =	slt.u32 s8, $0xFFFFF086  }
0x1c: {  	p1 =	slt.u32 s9, $0xF7A;
	s5 =	simm.s32 @!p2 $0x0  }
0x1d: {  	s5 =	simm.s32 @p1 $0x1;
	p0 =	seq.s32 s7, s2  }
0x1e: {  	s7 =	smul.u32 @!p0 $0xF7A, s2;
	p2 =	seq.s32 @!p0 s5, $0x0  }
0x1f: {  	s9 =	smul.u32 $0xF7A, s1;
	s8 =	simm.s32 @!p0 $0x1BF5;
	p2 =	por !p2, p0  }
0x20: {  	[sflag:s8] =	ssyncset.s32 @!p0 $0xFFFFF086;
	s6 =	sadd.s32 @!p0 s3, s7;
	s7 =	simm.s32 @!p0 $0x108  }
0x21: {  	s3 =	sadd.s32 s3, s9;
	s6 =	sadd.s32 @!p0 $0x88, s6;
	s7 =	simm.s32 @p2 $0x1082  }
0x22: {  	[simem:s7], [sflag:s8] =	dma.local @!p0 [hbm:s6], $0xF7A  }
0x23: {  	s9 =	sor.u32 $0xD0000000, s2;
	s6 =	simm.s32 $0x108;
	_ =	swait.ge @!p0 [sflag:s8], $0x0  }
0x24: {  	s3 =	sadd.s32 $0x88, s3;
	s6 =	simm.s32 @!p1 $0x1082;
	[sflag:s4] =	ssyncset.s32 $0xFFFFF086  }
0x25: {  	[simem:s6], [sflag:s4] =	dma.local [hbm:s3], $0xF7A  }
0x26: {  	[smem:$0x3F99] =	sst s1;
	(tag) =	ssettag s2;
	_ =	strace s9  }
0x27: {  	s1 =	sld [smem:$0x3FA9]  }
0x28: {  	s2 =	sld [smem:$0x3FAA]  }
0x29: {  	s4 =	sld [smem:$0x3FAC]  }
0x2a: {  	p0 =	seq.s32 s5, $0x0;
	s5 =	sld [smem:$0x3FAD]  }
0x2b: {  	s6 =	sld [smem:$0x3FAE]  }
0x2c: {  	s7 =	sld [smem:$0x3FAF]  }
0x2d: {  	s3 =	simm.s32 $0x108;
	s8 =	sld [smem:$0x3FB0]  }
0x2e: {  	s3 =	simm.s32 @!p0 $0x1082;
	s9 =	sld [smem:$0x3FB1]  }
0x2f: {  	lr =	sadd.s32 s0, s3;
	s0 =	sld [smem:$0x3FA8]  }
0x30: {  	s3 =	sld [smem:$0x3FAB]  }
0x31: {  	[smem:$0x3FB4] =	sst s10  }
0x32: {  	s10 =	sld [smem:$0x3FB2];
	_ =	sdelay $0x3  }
0x33: {  	p0 =	seq.s32 s10, $0x1;
	s10 =	sld [smem:$0x3FB4];
	_ =	sdelay $0x3  }
0x34: {  	[smem:$0x3FB4] =	sst s10  }
0x35: {  	s10 =	sld [smem:$0x3FB3];
	_ =	sdelay $0x3  }
0x36: {  	p1 =	seq.s32 s10, $0x1;
	s10 =	sld [smem:$0x3FB4];
	_ =	sdelay $0x3  }
0x37: {  	[smem:$0x3FB4] =	sst s10  }
0x38: {  	s10 =	sld [smem:$0x3FB5]  }
0x39: {  	_ = 	snop;
	(pc) =	sbr.ind lr, $3  }
0x3a: {  	_ = 	snop  }
0x3b: {  	_ = 	snop  }
0x3c: {  	p2 =	seq.s32 s10, $0x1;
	s10 =	sld [smem:$0x3FB4]  }
0x3d: {  	_ =	shalt  }
0x3e: {  	_ =	shalt  }
0x3f: {  	_ =	shalt  }
0x40: {  	_ =	shalt  }
0x41: {  	_ =	shalt  }
0x42: {  	_ =	shalt  }
0x43: {  	_ =	shalt  }
0x44: {  	_ =	shalt  }
0x45: {  	_ =	shalt  }
0x46: {  	_ =	shalt  }
0x47: {  	_ =	shalt  }
0x48: {  	_ =	shalt  }
0x49: {  	_ =	shalt  }
0x4a: {  	_ =	shalt  }
0x4b: {  	_ =	shalt  }
0x4c: {  	_ =	shalt  }
0x4d: {  	_ =	shalt  }
0x4e: {  	_ =	shalt  }
0x4f: {  	_ =	shalt  }
0x50: {  	_ =	shalt  }
0x51: {  	_ =	shalt  }
0x52: {  	_ =	shalt  }
0x53: {  	_ =	shalt  }
0x54: {  	_ =	shalt  }
0x55: {  	_ =	shalt  }
0x56: {  	_ =	shalt  }
0x57: {  	_ =	shalt  }
0x58: {  	_ =	shalt  }
0x59: {  	_ =	shalt  }
0x5a: {  	_ =	shalt  }
0x5b: {  	_ =	shalt  }
0x5c: {  	_ =	shalt  }
0x5d: {  	_ =	shalt  }
0x5e: {  	_ =	shalt  }
0x5f: {  	_ =	shalt  }
0x60: {  	_ =	shalt  }
0x61: {  	_ =	shalt  }
0x62: {  	_ =	shalt  }
0x63: {  	_ =	shalt  }
0x64: {  	_ =	shalt  }
0x65: {  	_ =	shalt  }
0x66: {  	_ =	shalt  }
0x67: {  	_ =	shalt  }
0x68: {  	_ =	shalt  }
0x69: {  	_ =	shalt  }
0x6a: {  	_ =	shalt  }
0x6b: {  	_ =	shalt  }
0x6c: {  	_ =	shalt  }
0x6d: {  	_ =	shalt  }
0x6e: {  	_ =	shalt  }
0x6f: {  	_ =	shalt  }
0x70: {  	_ =	shalt  }
0x71: {  	_ =	shalt  }
0x72: {  	_ =	shalt  }
0x73: {  	_ =	shalt  }
0x74: {  	_ =	shalt  }
0x75: {  	_ =	shalt  }
0x76: {  	_ =	shalt  }
0x77: {  	_ =	shalt  }
0x78: {  	_ =	shalt  }
0x79: {  	_ =	shalt  }
0x7a: {  	_ =	shalt  }
0x7b: {  	_ =	shalt  }
0x7c: {  	_ =	shalt  }
0x7d: {  	_ =	shalt  }
0x7e: {  	_ =	shalt  }
0x7f: {  	_ =	shalt  }
0x80: {  	_ =	shalt  }
0x81: {  	_ =	shalt  }
0x82: {  	_ =	shalt  }
0x83: {  	_ =	shalt  }
0x84: {  	_ =	shalt  }
0x85: {  	_ =	shalt  }
0x86: {  	_ =	shalt  }
0x87: {  	_ =	shalt  }
.Lfunc_end0:
.L_simem_size_0:
called_computation_lowered:
.L_overlay_start_0:
0x88: {  	s2 =	sld [smem:$0x3FD9]  }
0x89: {  	s3 =	sld [smem:$0x3FFE];
	_ =	sdelay $0x1  }
0x8a: {  	s1 =	srdreg.scid  }
0x8b: {  	s0 =	sand.u32 $0x1, s1  }
0x8c: {  	s14 =	sshll.u32 s0, $0xA;
	s2 =	sadd.s32 s3, s2  }
0x8d: {  	s2 =	sadd.s32 s2, s14  }
0x8e: {  	[smem:$0x3FC0] =	sst s2  }
0x8f: {  	_ = 	snop  }
0x90: {  	s2 =	sld [smem:$0x3FD0];
	_ =	sdelay $0x2  }
0x91: {  	s15 =	simm.s32 $0xA;
	s4 =	simm.s32 $0x10  }
0x92: {  	[smem:s4], [sflag:s15] =	dma.local [hbm:s2], $0x1  }
0x93: {  	_ =	swait.eq [sflag:s15], $0x1  }
0x94: {  	[sflag:s15] =	ssyncset.done $0x0  }
0x95: {  	[sflag:s15] =	ssyncadd.s32 $0xFFFFFFFF  }
0x96: {  	s16 =	sld [smem:$0x11];
	(tm) =	ssettm $0x1  }
0x97: {  	s17 =	sld [smem:$0x3FFB];
	_ =	sdelay $0x3  }
0x98: {  	_ =	strace s17  }
0x99: {  	s3 =	sld [smem:$0x3FFC];
	_ =	sdelay $0x3  }
0x9a: {  	_ =	strace s3  }
0x9b: {  	s3 =	sld [smem:$0x3FFD];
	_ =	sdelay $0x3  }
0x9c: {  	_ =	strace s3  }
0x9d: {  	_ =	strace $0x8FFFFFFF  }
0x9e: {  	s18 =	sld [smem:$0x3FDB];
	_ =	sdelay $0x1  }
0x9f: {  	s19 =	simm.s32 $_scs_section_size  }
0xa0: {  	s5 =	simm.s32 $_size__tile_overlayer_lowered;
	s6 =	simm.s32 $_tile_overlayer_lowered  }
0xa1: {  	s22 =	simm.s32 $0x1BFF;
	s21 =	sshll.u32 s6, $0x1;
	s3 =	sadd.s32 s19, s18  }
0xa2: {  	s7 =	simm.s32 $0x0;
	s20 =	sshll.u32 s5, $0x1;
	s5 =	sadd.s32 s21, s3  }
0xa3: {  	[timem:s7], [sflag:s22] =	dma.local [hbm:s5], s20  }
0xa4: {  	_ =	swait.ge [sflag:s22], s20  }
0xa5: {  	s4 =	ssub.s32 $0x0, s20;
	[sflag:s22] =	ssyncset.done $0x0  }
0xa6: {  	[sflag:s22] =	ssyncadd.s32 s4;
	_ =	sdelay $0x1  }
0xa7: {  	s23 =	simm.s32 $0x1B8B  }
0xa8: {  	_ =	swait.ge [sflag:s23], $0x1  }
0xa9: {  	[sflag:s23] =	ssyncset.done $0x0  }
0xaa: {  	s25 =	simm.s32 $0x1B8E;
	s24 =	sld [smem:$0x3FFE];
	[sflag:s23] =	ssyncadd.s32 $0xFFFFFFFF  }
0xab: {  	s26 =	simm.s32 $execute0_lowered;
	[smem:$0x3FD2] =	sst s25  }
0xac: {  	s5 =	sshll.u32 s26, $0x1;
	_ =	strace $0x80000046;
	[dreg:$0x1] =	wrdreg $0xFFFFFFFF  }
0xad: {  	s28 =	simm.s32 $_size_execute0_lowered;
	s3 =	sadd.s32 s3, s5;
	[dreg:$0x0] =	wrdreg $0x0  }
0xae: {  	s5 =	sshll.u32 s28, $0x1;
	[dreg:$0x2] =	wrdreg s3  }
0xaf: {  	[dreg:$0x3] =	wrdreg s5  }
0xb0: {  	[dreg:$0x4] =	wrdreg $0xC0  }
0xb1: {  	_ =	task [dreg:s7], $0x5FFFF  }
0xb2: {  	[dreg:$0x1] =	wrdreg $0xFFFFFFFF  }
0xb3: {  	[dreg:$0x0] =	wrdreg $0x60  }
0xb4: {  	[dreg:$0x2] =	wrdreg s16  }
0xb5: {  	[dreg:$0x3] =	wrdreg s24  }
0xb6: {  	[dreg:$0x4] =	wrdreg $0x51000  }
0xb7: {  	[dreg:$0x5] =	wrdreg $0x9  }
0xb8: {  	_ =	task.clear_ibuf [dreg:s7], $0x6FFFF;
	_ =	strace $0x90000046  }
0xb9: {  	s29 =	simm.s32 $0x9;
	_ =	strace $0x80000048  }
0xba: {  	_ =	swait.ge [sflag:s29], $0x1  }
0xbb: {  	[sflag:s29] =	ssyncadd.s32 $0xFFFFFFFF  }
0xbc: {  	_ =	strace $0x90000048  }
0xbd: {  	_ =	sfence  }
0xbe: {  	s30 =	sld [smem:$0x0];
	_ =	sdelay $0x2  }
0xbf: {  	s31 =	sshll.u32 s1, $0xD;
	s1 =	sshrl.u32 s1, $0x2  }
0xc0: {  	s3 =	sand.u32 $0x4000, s31;
	s1 =	sadd.s32 s1, s30  }
0xc1: {  	s0 =	sor.u32 s3, s0;
	s1 =	sshll.u32 s1, $0x11  }
0xc2: {  	s0 =	sor.u32 s1, s0  }
0xc3: {  	s0 =	sadd.s32 $0x8F2B, s0  }
0xc4: {  	[sflag:s0] =	ssyncadd.remote.s32 $0x1  }
0xc5: {  	_ =	sfence.sel $0xFFFF  }
0xc6: {  	[dreg:$0x0] =	wrdreg $0xFFFFFFFF;
	(pc) =	sbr.abs _section_cstart, $3  }
0xc7: {  	[dreg:$0x1] =	wrdreg $0xFFFFFFFF  }
0xc8: {  	_ =	task.clear_ibuf [dreg:s7], $0x2FFFF;
	_ =	strace $0x9FFFFFFF  }
0xc9: {  	(tm) =	ssettm $0x7FFFFFFF  }
tec
execute0_lowered:
.L_overlay_start_1:
0x0: {  	(tag) =	ssettag $0x1  }
0x1: {  	s0 =	rddreg [dreg:$0x0]  }
0x2: {  	s1 =	rddreg [dreg:$0x1];
	s10 =	stileid.u32  }
0x3: {  	s3 =	srdreg.scid;
	s4 =	smul.u32 $0x2800, s10  }
0x4: {  	s2 =	rddreg [dreg:$0x2];
	s8 =	smul.u32 $0x50000, s10  }
0x5: {  	s30 =	simm.s32 $0x4100;
	s6 =	sand.u32 $0x1, s3;
	s26 =	smul.u32 $0x500, s10  }
0x6: {  	s31 =	simm.s32 $0x3;
	s3 =	simm.s32 $0x0;
	s5 =	smul.u32 $0x28000, s6  }
0x7: {  	s7 =	sshll.u32 s6, $0x4;
	[smem:$0x7FF] =	sst s3;
	s19 =	ssub.s32 $0x2, s6  }
0x8: {  	s25 =	smul.u32 $0x5000, s6;
	s6 =	simm.s32 $0x100;
	s7 =	sor.u32 s10, s7  }
0x9: {  	_ =	strace $0x80000047;
	s9 =	sshrl.u32 s19, $0x1;
	s8 =	sshrl.u32 s8, $0x2  }
0xa: {  	s4 =	sadd.s32 s4, s5;
	s18 =	smul.u32 $0x500, s7;
	s7 =	ssub.s32 s19, s9  }
0xb: {  	s5 =	sadd.s32 s8, s2;
	s8 =	simm.s32 $0x2;
	s9 =	simm.s32 $0x0  }
0xc: {  	s1 =	sadd.s32 s4, s1;
	s21 =	smax.u32 s7, $0x1;
	s22 =	sadd.s32 $0x1000, s5  }
0xd: {  	s23 =	sadd.s32 $0x2000, s5;
	s24 =	sadd.s32 $0x3000, s5;
	s12 =	sadd.s32 $0x4000, s5  }
0xe: {  	s13 =	sadd.s32 $0x5000, s5;
	s14 =	sadd.s32 $0x6000, s5;
	s15 =	sadd.s32 $0x7000, s5  }
0xf: {  	s16 =	sadd.s32 $0x8000, s5;
	s17 =	sadd.s32 $0x9000, s5;
	[dreg:$0x7] =	wrdreg s21  }
0x10: {  	s19 =	sadd.s32 $0xB000, s5;
	s28 =	sadd.s32 $0x12000, s5;
	[dreg:$0x8] =	wrdreg s22  }
0x11: {  	s29 =	sadd.s32 $0x13000, s5;
	s7 =	simm.s32 $0x4;
	[dreg:$0x9] =	wrdreg s23  }
0x12: {  	s20 =	sadd.s32 s0, s18;
	s1 =	sadd.s32 $0x2400, s1;
	[dreg:$0xa] =	wrdreg s24  }
0x13: {  	s18 =	sadd.s32 $0xA000, s5;
	s21 =	sadd.s32 $0xD000, s5;
	s0 =	sadd.s32 s25, s0  }
0x14: {  	s22 =	sadd.s32 $0xE000, s5;
	s23 =	sadd.s32 $0xF000, s5;
	[dreg:$0x4] =	wrdreg s20  }
0x15: {  	s25 =	sadd.s32 $0x10000, s5;
	s4 =	sadd.s32 $0x10, s20;
	[dreg:$0x6] =	wrdreg s1  }
0x16: {  	s20 =	sadd.s32 $0xC000, s5;
	s24 =	sadd.s32 s26, s0;
	s26 =	sadd.s32 $0x11000, s5  }
0x17: {  	v0 =	vimm.f32 $0.0e+00;
	v1 =	vimm.f32 $1.000000000e+00;
	s1 =	simm.s32 $0x80;
	s0 =	simm.s32 $0x1;
	[dreg:$0x5] =	wrdreg s4  }
.LBB2_1:
0x18: {  	s10 =	simm.s32 $0x0;
	s11 =	simm.s32 $0x200  }
.LBB2_2:
0x19: {  	p0 =	sne.s32 s11, $0x3E00;
	[tilespmem:s10+$0x4170] =	vst v0  }
0x1a: {  	[tilespmem:s10+$0x4100] =	vst v0  }
0x1b: {  	[tilespmem:s10+$0x4110] =	vst v0  }
.Ltmp0:
0x1c: {  	[tilespmem:s10+$0x4120] =	vst v0;
	(pc) =	sbr.rel @p0 .LBB2_2-.Ltmp0, $4  }
0x1d: {  	[tilespmem:s10+$0x4130] =	vst v0  }
0x1e: {  	[tilespmem:s10+$0x4140] =	vst v0  }
0x1f: {  	[tilespmem:s10+$0x4150] =	vst v0  }
0x20: {  	[tilespmem:s10+$0x4160] =	vst v0;
	s10 =	sshra.s32 s11, $0x2;
	s11 =	sadd.s32 $0x200, s11  }
0x21: {  	[tilespmem:s10+$0x4170] =	vst v0  }
0x22: {  	[tilespmem:s10+$0x4100] =	vst v0  }
0x23: {  	[tilespmem:s10+$0x4110] =	vst v0  }
0x24: {  	[tilespmem:s10+$0x4120] =	vst v0  }
0x25: {  	[tilespmem:s10+$0x4130] =	vst v0  }
0x26: {  	[tilespmem:s10+$0x4140] =	vst v0  }
0x27: {  	[tilespmem:s10+$0x4150] =	vst v0  }
0x28: {  	[tilespmem:s10+$0x4160] =	vst v0  }
0x29: {  	[spmem:s5] =	stream.linear.scatter [tilespmem:s30], [sflag:$0x3], $0x1000, $0x38;
	[tilespmem:$0x19100] =	vst v63  }
0x2a: {  	s4 =	rddreg [dreg:$0x8]  }
0x2b: {  	[spmem:s4] =	stream.linear.scatter [tilespmem:s30], [sflag:$0x3], $0x1000, $0x38;
	[tilespmem:$0x19100] =	vst v63  }
0x2c: {  	s10 =	rddreg [dreg:$0x9]  }
0x2d: {  	[spmem:s10] =	stream.linear.scatter [tilespmem:s30], [sflag:$0x3], $0x1000, $0x38;
	[tilespmem:$0x19100] =	vst v63  }
0x2e: {  	s11 =	rddreg [dreg:$0xa]  }
0x2f: {  	[spmem:s11] =	stream.linear.scatter [tilespmem:s30], [sflag:$0x3], $0x1000, $0x38;
	[tilespmem:$0x19100] =	vst v63  }
0x30: {  	_ = 	snop  }
0x31: {  	[spmem:s12] =	stream.linear.scatter [tilespmem:s30], [sflag:$0x3], $0x1000, $0x38;
	[tilespmem:$0x19100] =	vst v63  }
0x32: {  	_ = 	snop  }
0x33: {  	[spmem:s13] =	stream.linear.scatter [tilespmem:s30], [sflag:$0x3], $0x1000, $0x38;
	[tilespmem:$0x19100] =	vst v63  }
0x34: {  	_ = 	snop  }
0x35: {  	[spmem:s14] =	stream.linear.scatter [tilespmem:s30], [sflag:$0x3], $0x1000, $0x38;
	[tilespmem:$0x19100] =	vst v63  }
0x36: {  	_ = 	snop  }
0x37: {  	[spmem:s15] =	stream.linear.scatter [tilespmem:s30], [sflag:$0x3], $0x1000, $0x38;
	[tilespmem:$0x19100] =	vst v63  }
0x38: {  	_ = 	snop  }
0x39: {  	[spmem:s16] =	stream.linear.scatter [tilespmem:s30], [sflag:$0x3], $0x1000, $0x38;
	[tilespmem:$0x19100] =	vst v63  }
0x3a: {  	_ = 	snop  }
0x3b: {  	[spmem:s17] =	stream.linear.scatter [tilespmem:s30], [sflag:$0x3], $0x1000, $0x38;
	[tilespmem:$0x19100] =	vst v63  }
0x3c: {  	_ = 	snop  }
0x3d: {  	[spmem:s18] =	stream.linear.scatter [tilespmem:s30], [sflag:$0x3], $0x1000, $0x38;
	[tilespmem:$0x19100] =	vst v63  }
0x3e: {  	_ = 	snop  }
0x3f: {  	[spmem:s19] =	stream.linear.scatter [tilespmem:s30], [sflag:$0x3], $0x1000, $0x38;
	[tilespmem:$0x19100] =	vst v63  }
0x40: {  	_ = 	snop  }
0x41: {  	[spmem:s20] =	stream.linear.scatter [tilespmem:s30], [sflag:$0x3], $0x1000, $0x38;
	[tilespmem:$0x19100] =	vst v63  }
0x42: {  	_ = 	snop  }
0x43: {  	[spmem:s21] =	stream.linear.scatter [tilespmem:s30], [sflag:$0x3], $0x1000, $0x38;
	[tilespmem:$0x19100] =	vst v63  }
0x44: {  	_ = 	snop  }
0x45: {  	[spmem:s22] =	stream.linear.scatter [tilespmem:s30], [sflag:$0x3], $0x1000, $0x38;
	[tilespmem:$0x19100] =	vst v63  }
0x46: {  	_ = 	snop  }
0x47: {  	[spmem:s23] =	stream.linear.scatter [tilespmem:s30], [sflag:$0x3], $0x1000, $0x38;
	[tilespmem:$0x19100] =	vst v63  }
0x48: {  	_ = 	snop  }
0x49: {  	[spmem:s25] =	stream.linear.scatter [tilespmem:s30], [sflag:$0x3], $0x1000, $0x38;
	[tilespmem:$0x19100] =	vst v63  }
0x4a: {  	_ = 	snop  }
0x4b: {  	[spmem:s26] =	stream.linear.scatter [tilespmem:s30], [sflag:$0x3], $0x1000, $0x38;
	[tilespmem:$0x19100] =	vst v63  }
0x4c: {  	_ = 	snop  }
0x4d: {  	[spmem:s28] =	stream.linear.scatter [tilespmem:s30], [sflag:$0x3], $0x1000, $0x38;
	[tilespmem:$0x19100] =	vst v63  }
0x4e: {  	_ = 	snop  }
0x4f: {  	[spmem:s29] =	stream.linear.scatter [tilespmem:s30], [sflag:$0x3], $0x1000, $0x38;
	[tilespmem:$0x19100] =	vst v63  }
0x50: {  	_ =	swait.ge [sflag:s31], $0x1000  }
0x51: {  	[sflag:s31] =	ssyncset.done $0x0  }
0x52: {  	[sflag:s31] =	ssyncadd.s32 $0xFFFFF000  }
0x53: {  	_ =	swait.ge [sflag:s31], $0x1000  }
0x54: {  	[sflag:s31] =	ssyncset.done $0x0  }
0x55: {  	[sflag:s31] =	ssyncadd.s32 $0xFFFFF000  }
0x56: {  	_ =	swait.ge [sflag:s31], $0x1000  }
0x57: {  	[sflag:s31] =	ssyncset.done $0x0  }
0x58: {  	[sflag:s31] =	ssyncadd.s32 $0xFFFFF000  }
0x59: {  	_ =	swait.ge [sflag:s31], $0x1000  }
0x5a: {  	[sflag:s31] =	ssyncset.done $0x0  }
0x5b: {  	[sflag:s31] =	ssyncadd.s32 $0xFFFFF000  }
0x5c: {  	_ =	swait.ge [sflag:s31], $0x1000  }
0x5d: {  	[sflag:s31] =	ssyncset.done $0x0  }
0x5e: {  	[sflag:s31] =	ssyncadd.s32 $0xFFFFF000  }
0x5f: {  	_ =	swait.ge [sflag:s31], $0x1000  }
0x60: {  	[sflag:s31] =	ssyncset.done $0x0  }
0x61: {  	[sflag:s31] =	ssyncadd.s32 $0xFFFFF000  }
0x62: {  	_ =	swait.ge [sflag:s31], $0x1000  }
0x63: {  	[sflag:s31] =	ssyncset.done $0x0  }
0x64: {  	[sflag:s31] =	ssyncadd.s32 $0xFFFFF000  }
0x65: {  	_ =	swait.ge [sflag:s31], $0x1000  }
0x66: {  	[sflag:s31] =	ssyncset.done $0x0  }
0x67: {  	[sflag:s31] =	ssyncadd.s32 $0xFFFFF000  }
0x68: {  	_ =	swait.ge [sflag:s31], $0x1000  }
0x69: {  	[sflag:s31] =	ssyncset.done $0x0  }
0x6a: {  	[sflag:s31] =	ssyncadd.s32 $0xFFFFF000  }
0x6b: {  	_ =	swait.ge [sflag:s31], $0x1000  }
0x6c: {  	[sflag:s31] =	ssyncset.done $0x0  }
0x6d: {  	[sflag:s31] =	ssyncadd.s32 $0xFFFFF000  }
0x6e: {  	_ =	swait.ge [sflag:s31], $0x1000  }
0x6f: {  	[sflag:s31] =	ssyncset.done $0x0  }
0x70: {  	[sflag:s31] =	ssyncadd.s32 $0xFFFFF000  }
0x71: {  	_ =	swait.ge [sflag:s31], $0x1000  }
0x72: {  	[sflag:s31] =	ssyncset.done $0x0  }
0x73: {  	[sflag:s31] =	ssyncadd.s32 $0xFFFFF000  }
0x74: {  	_ =	swait.ge [sflag:s31], $0x1000  }
0x75: {  	[sflag:s31] =	ssyncset.done $0x0  }
0x76: {  	[sflag:s31] =	ssyncadd.s32 $0xFFFFF000  }
0x77: {  	_ =	swait.ge [sflag:s31], $0x1000  }
0x78: {  	[sflag:s31] =	ssyncset.done $0x0  }
0x79: {  	[sflag:s31] =	ssyncadd.s32 $0xFFFFF000  }
0x7a: {  	_ =	swait.ge [sflag:s31], $0x1000  }
0x7b: {  	[sflag:s31] =	ssyncset.done $0x0  }
0x7c: {  	[sflag:s31] =	ssyncadd.s32 $0xFFFFF000  }
0x7d: {  	_ =	swait.ge [sflag:s31], $0x1000  }
0x7e: {  	[sflag:s31] =	ssyncset.done $0x0  }
0x7f: {  	[sflag:s31] =	ssyncadd.s32 $0xFFFFF000  }
0x80: {  	_ =	swait.ge [sflag:s31], $0x1000  }
0x81: {  	[sflag:s31] =	ssyncset.done $0x0  }
0x82: {  	[sflag:s31] =	ssyncadd.s32 $0xFFFFF000  }
0x83: {  	_ =	swait.ge [sflag:s31], $0x1000  }
0x84: {  	[sflag:s31] =	ssyncset.done $0x0  }
0x85: {  	[sflag:s31] =	ssyncadd.s32 $0xFFFFF000  }
0x86: {  	_ =	swait.ge [sflag:s31], $0x1000  }
0x87: {  	[sflag:s31] =	ssyncset.done $0x0  }
0x88: {  	[sflag:s31] =	ssyncadd.s32 $0xFFFFF000  }
0x89: {  	_ =	swait.ge [sflag:s31], $0x1000  }
0x8a: {  	[sflag:s31] =	ssyncset.done $0x0  }
0x8b: {  	s10 =	simm.s32 $0x0;
	s11 =	simm.s32 $0x200;
	[sflag:s31] =	ssyncadd.s32 $0xFFFFF000  }
.LBB2_4:
0x8c: {  	p0 =	sne.s32 s11, $0xFE00;
	[tilespmem:s10+$0x170] =	vst v1  }
0x8d: {  	[tilespmem:s10+$0x100] =	vst v1  }
0x8e: {  	[tilespmem:s10+$0x110] =	vst v1  }
.Ltmp1:
0x8f: {  	[tilespmem:s10+$0x120] =	vst v1;
	(pc) =	sbr.rel @p0 .LBB2_4-.Ltmp1, $4  }
0x90: {  	[tilespmem:s10+$0x130] =	vst v1  }
0x91: {  	[tilespmem:s10+$0x140] =	vst v1  }
0x92: {  	[tilespmem:s10+$0x150] =	vst v1  }
0x93: {  	[tilespmem:s10+$0x160] =	vst v1;
	s10 =	sshra.s32 s11, $0x2;
	s11 =	sadd.s32 $0x200, s11  }
0x94: {  	[tilespmem:s10+$0x170] =	vst v1  }
0x95: {  	[tilespmem:s10+$0x100] =	vst v1  }
0x96: {  	[tilespmem:s10+$0x110] =	vst v1  }
0x97: {  	[tilespmem:s10+$0x120] =	vst v1  }
0x98: {  	[tilespmem:s10+$0x130] =	vst v1  }
0x99: {  	[tilespmem:s10+$0x140] =	vst v1  }
0x9a: {  	[tilespmem:s10+$0x150] =	vst v1  }
0x9b: {  	[tilespmem:s10+$0x160] =	vst v1;
	s4 =	rddreg [dreg:$0x4]  }
0x9c: {  	[tilespmem:s3], [sflag:$0x1] =	stream.linear.gather [hbm4b:s4+s3], $0x80, $0x38;
	[tilespmem:$0x19100] =	vst v63  }
0x9d: {  	s11 =	rddreg [dreg:$0x5]  }
0x9e: {  	[tilespmem:s1], [sflag:$0x2] =	stream.linear.gather [hbm4b:s11+s3], $0x80, $0x38;
	[tilespmem:$0x19100] =	vst v63  }
0x9f: {  	[bflag:$0x0] =	sbarrier.arrive $0xFFFF  }
0xa0: {  	_ =	swait.ge [sflag:s0], $0x80  }
0xa1: {  	[sflag:s0] =	ssyncset.done $0x0  }
0xa2: {  	[sflag:s0] =	ssyncadd.s32 $0xFFFFFF80  }
0xa3: {  	[spmem:s2] =	stream.indirect.scatter.add.f32 [tilespmem:s6], [sflag:$0x4], $0x80, s3, s1, $0xb8;
	[tilespmem:$0x19100] =	vst v63  }
0xa4: {  	_ =	swait.ge [sflag:s7], $0x4000  }
0xa5: {  	s11 =	sadd.s32 $0xFFFFFB20, s24;
	[sflag:s7] =	ssyncset.done $0x0  }
0xa6: {  	s4 =	sadd.s32 $0x500, s11;
	[sflag:s7] =	ssyncadd.s32 $0xFFFFC000  }
0xa7: {  	[tilespmem:s3], [sflag:$0x1] =	stream.linear.gather [hbm4b:s4+s3], $0x80, $0x38;
	[tilespmem:$0x19100] =	vst v63  }
0xa8: {  	_ =	swait.ge [sflag:s8], $0x80  }
0xa9: {  	[sflag:s8] =	ssyncset.done $0x0  }
0xaa: {  	[sflag:s8] =	ssyncadd.s32 $0xFFFFFF80  }
0xab: {  	[spmem:s2] =	stream.indirect.scatter.add.f32 [tilespmem:s6], [sflag:$0x4], $0x80, s1, s1, $0xb8;
	[tilespmem:$0x19100] =	vst v63  }
0xac: {  	_ =	swait.ge [sflag:s7], $0x4000  }
0xad: {  	[sflag:s7] =	ssyncset.done $0x0  }
0xae: {  	s10 =	simm.s32 $0xFFFFFB40;
	s11 =	sadd.s32 $0x510, s11;
	[sflag:s7] =	ssyncadd.s32 $0xFFFFC000  }
.LBB2_6:
0xaf: {  	[tilespmem:s1], [sflag:$0x2] =	stream.linear.gather [hbm4b:s11+s3], $0x80, $0x38;
	[tilespmem:$0x19100] =	vst v63  }
0xb0: {  	s11 =	smov.u32 s10  }
0xb1: {  	p0 =	sne.s32 s10, $0xFFFFFFE0;
	s10 =	sadd.s32 $0x20, s10;
	_ =	swait.ge [sflag:s0], $0x80  }
0xb2: {  	[sflag:s0] =	ssyncset.done $0x0  }
0xb3: {  	[sflag:s0] =	ssyncadd.s32 $0xFFFFFF80  }
0xb4: {  	[spmem:s2] =	stream.indirect.scatter.add.f32 [tilespmem:s6], [sflag:$0x4], $0x80, s3, s1, $0xb8;
	[tilespmem:$0x19100] =	vst v63  }
0xb5: {  	_ =	swait.ge [sflag:s7], $0x4000  }
0xb6: {  	s11 =	sadd.s32 s11, s24;
	[sflag:s7] =	ssyncset.done $0x0  }
0xb7: {  	s4 =	sadd.s32 $0x500, s11;
	[sflag:s7] =	ssyncadd.s32 $0xFFFFC000  }
0xb8: {  	[tilespmem:s3], [sflag:$0x1] =	stream.linear.gather [hbm4b:s4+s3], $0x80, $0x38;
	[tilespmem:$0x19100] =	vst v63  }
0xb9: {  	_ =	swait.ge [sflag:s8], $0x80  }
0xba: {  	[sflag:s8] =	ssyncset.done $0x0  }
.Ltmp2:
0xbb: {  	[sflag:s8] =	ssyncadd.s32 $0xFFFFFF80;
	(pc) =	sbr.rel @p0 .LBB2_6-.Ltmp2, $4  }
0xbc: {  	[spmem:s2] =	stream.indirect.scatter.add.f32 [tilespmem:s6], [sflag:$0x4], $0x80, s1, s1, $0xb8;
	[tilespmem:$0x19100] =	vst v63  }
0xbd: {  	_ =	swait.ge [sflag:s7], $0x4000  }
0xbe: {  	[sflag:s7] =	ssyncset.done $0x0  }
0xbf: {  	s11 =	sadd.s32 $0x510, s11;
	[sflag:s7] =	ssyncadd.s32 $0xFFFFC000  }
0xc0: {  	[tilespmem:s1], [sflag:$0x2] =	stream.linear.gather [hbm4b:s11+s3], $0x80, $0x38;
	[tilespmem:$0x19100] =	vst v63  }
0xc1: {  	_ =	swait.ge [sflag:s0], $0x80  }
0xc2: {  	[sflag:s0] =	ssyncset.done $0x0  }
0xc3: {  	[sflag:s0] =	ssyncadd.s32 $0xFFFFFF80  }
0xc4: {  	[spmem:s2] =	stream.indirect.scatter.add.f32 [tilespmem:s6], [sflag:$0x4], $0x80, s3, s1, $0xb8;
	[tilespmem:$0x19100] =	vst v63  }
0xc5: {  	_ =	swait.ge [sflag:s7], $0x4000  }
0xc6: {  	[sflag:s7] =	ssyncset.done $0x0  }
0xc7: {  	[sflag:s7] =	ssyncadd.s32 $0xFFFFC000  }
0xc8: {  	_ =	swait.ge [sflag:s8], $0x80  }
0xc9: {  	[sflag:s8] =	ssyncset.done $0x0  }
0xca: {  	[sflag:s8] =	ssyncadd.s32 $0xFFFFFF80  }
0xcb: {  	[spmem:s2] =	stream.indirect.scatter.add.f32 [tilespmem:s6], [sflag:$0x4], $0x80, s1, s1, $0xb8;
	[tilespmem:$0x19100] =	vst v63  }
0xcc: {  	_ =	swait.ge [sflag:s7], $0x4000  }
0xcd: {  	[sflag:s7] =	ssyncset.done $0x0  }
0xce: {  	s4 =	stileid.u32;
	[sflag:s7] =	ssyncadd.s32 $0xFFFFC000  }
0xcf: {  	s4 =	sshll.u32 s4, $0x6;
	[bflag:$0x0] =	sbarrier.arrive $0xFFFF  }
0xd0: {  	s10 =	sshrl.u32 s5, $0x3;
	s4 =	sor.u32 $0x1C04, s4;
	s11 =	rddreg [dreg:$0x6]  }
0xd1: {  	[hbm:s11], [sflag:s4] =	dma.local [spmem:s10], $0x2800  }
0xd2: {  	_ =	swait.ge [sflag:s7], $0x2800  }
0xd3: {  	s9 =	sadd.s32 $0x1, s9;
	s11 =	rddreg [dreg:$0x7]  }
0xd4: {  	p0 =	sne.s32 s9, s11  }
.Ltmp3:
0xd5: {  	_ = 	snop;
	(pc) =	sbr.rel @p0 .LBB2_1-.Ltmp3, $3  }
0xd6: {  	_ =	sdelay $0x1  }
0xd7: {  	[sflag:s7] =	ssyncset.done $0x0  }
0xd8: {  	[sflag:s7] =	ssyncadd.s32 $0xFFFFD800  }
0xd9: {  	_ =	sfence.sel $0x180000  }
0xda: {  	[bflag:$0x0] =	sbarrier.arrive $0xFFFF  }
0xdb: {  	_ =	strace $0x90000047  }
0xdc: {  	s0 =	stileid.u32;
	[bflag:$0x2] =	sbarrier.arrive $0xFFFF  }
0xdd: {  	p0 =	sne.s32 s0, $0x0;
	s0 =	rddreg [dreg:$0x3]  }
0xde: {  	s0 =	sadd.s32 @!p0 $0x100000, s0  }
0xdf: {  	[sflag:s0] =	ssyncadd.tile.s32 @!p0 $0x1;
	_ =	shalt  }
.Lfunc_end2:
_tile_overlayer_lowered:
.L_overlay_start_2:
0xe0: {  	(tag) =	ssettag $0x2  }
0xe1: {  	s0 =	rddreg [dreg:$0x0];
	s2 =	stileid.u32  }
0xe2: {  	s1 =	rddreg [dreg:$0x1];
	p0 =	sne.s32 s2, $0x0  }
0xe3: {  	s3 =	rddreg [dreg:$0x2];
	[bflag:$0x3] =	sbarrier.arrive $0xFFFF;
	s2 =	simm.s32 @!p0 $0x1C04  }
0xe4: {  	[timem:s3], [sflag:s2] =	dma.local @!p0 [hbm:s0], s1  }
0xe5: {  	s0 =	simm.s32 @!p0 $0x4  }
0xe6: {  	_ =	swait.ge @!p0 [sflag:s0], s1  }
0xe7: {  	s1 =	ssub.s32 @!p0 $0x0, s1;
	[sflag:s0] =	ssyncset.done @!p0 $0x0  }
0xe8: {  	[sflag:s0] =	ssyncadd.s32 @!p0 s1  }
0xe9: {  	[bflag:$0x3] =	sbarrier.arrive $0xFFFF  }
0xea: {  	_ =	shalt  }

</sc_bundles>
